<compile_context>
chip_gen: v7x
topology: tpu7x:2x2x1
jax: 0.10.2.dev20260603
libtpu: 0.0.44.dev20260713+nightly
codegen_flags: <defaults>
</compile_context>

<pallas_src>
import jax
import jax.numpy as jnp
from jax import lax
from jax.experimental import pallas as pl
from jax.experimental.pallas import tpu as pltpu
from jax.experimental.pallas import tpu_sc as plsc

B, F, D, V = 16384, 26, 32, 1000000
NC, NS = 2, 16
NW = NC * NS
BPW = B // NW
C = 64
G = BPW // C
RPC = C * F
KI = RPC // 128


def _body(q_hbm, table_hbm, w_hbm, out_hbm,
          idx0, idx1, rows0, rows1, w_v, out0, out1,
          siq0, siq1, sr0, sr1, so0, so1):
    wid = lax.axis_index("s") * NC + lax.axis_index("c")
    pltpu.sync_copy(w_hbm, w_v)

    def q_slice(g):
        return q_hbm.at[pl.ds((wid * BPW + g * C) * F, RPC)]

    def out_slice(g):
        return out_hbm.at[pl.ds(wid * BPW + g * C, C)]

    def start_gathers(idx_v, rows_v, sem):
        for j in range(KI):
            pltpu.async_copy(
                table_hbm.at[idx_v.at[pl.ds(j * 128, 128)]],
                rows_v.at[pl.ds(j * 128, 128)],
                sem,
            )

    def drain_gathers(rows_v, sem):
        for j in range(KI):
            pltpu.make_async_copy(
                table_hbm.at[pl.ds(0, 128)],
                rows_v.at[pl.ds(j * 128, 128)],
                sem,
            ).wait()

    pltpu.sync_copy(q_slice(0), idx0)
    start_gathers(idx0, rows0, sr0)
    pltpu.async_copy(q_slice(1), idx1, siq1)

    def _do(g, idx_v, rows_v, out_v, siq, sr, so, idx_n, rows_n, siq_n, sr_n):
        drain_gathers(rows_v, sr)

        @pl.when(g + 1 < G)
        def _():
            pltpu.make_async_copy(q_slice(0), idx_n, siq_n).wait()
            start_gathers(idx_n, rows_n, sr_n)

        @pl.when(g + 2 < G)
        def _():
            pltpu.async_copy(q_slice(g + 2), idx_v, siq)

        @pl.when(g >= 2)
        def _():
            pltpu.make_async_copy(out_v, out_slice(0), so).wait()

        @pl.loop(0, C)
        def _row(b):
            base = b * F
            acc0 = rows_v[base, pl.ds(0, 16)] * w_v[0, pl.ds(0, 16)]
            acc1 = rows_v[base, pl.ds(16, 16)] * w_v[0, pl.ds(16, 16)]
            for f in range(1, F):
                acc0 = acc0 + rows_v[base + f, pl.ds(0, 16)] * w_v[f, pl.ds(0, 16)]
                acc1 = acc1 + rows_v[base + f, pl.ds(16, 16)] * w_v[f, pl.ds(16, 16)]
            out_v[b, pl.ds(0, 16)] = acc0
            out_v[b, pl.ds(16, 16)] = acc1

        pltpu.async_copy(out_v, out_slice(g), so)

    @pl.loop(0, G)
    def _chunk(g):
        @pl.when(g % 2 == 0)
        def _():
            _do(g, idx0, rows0, out0, siq0, sr0, so0, idx1, rows1, siq1, sr1)

        @pl.when(g % 2 == 1)
        def _():
            _do(g, idx1, rows1, out1, siq1, sr1, so1, idx0, rows0, siq0, sr0)

    pltpu.make_async_copy(out0, out_slice(0), so0).wait()
    pltpu.make_async_copy(out1, out_slice(0), so1).wait()


@jax.jit
def _run(q2, table, w_exp):
    mesh = plsc.VectorSubcoreMesh(core_axis_name="c", subcore_axis_name="s")
    f = pl.kernel(
        _body,
        out_type=jax.ShapeDtypeStruct((B, D), jnp.float32),
        mesh=mesh,
        scratch_types=[
            pltpu.VMEM((RPC,), jnp.int32),
            pltpu.VMEM((RPC,), jnp.int32),
            pltpu.VMEM((RPC, D), jnp.float32),
            pltpu.VMEM((RPC, D), jnp.float32),
            pltpu.VMEM((F, D), jnp.float32),
            pltpu.VMEM((C, D), jnp.float32),
            pltpu.VMEM((C, D), jnp.float32),
            pltpu.SemaphoreType.DMA,
            pltpu.SemaphoreType.DMA,
            pltpu.SemaphoreType.DMA,
            pltpu.SemaphoreType.DMA,
            pltpu.SemaphoreType.DMA,
            pltpu.SemaphoreType.DMA,
        ],
        compiler_params=pltpu.CompilerParams(use_tc_tiling_on_sc=False),
    )
    return f(q2, table, w_exp)


def kernel(Q_train, table, conv_w):
    q2 = Q_train.astype(jnp.int32).reshape(B * F)
    w_exp = jnp.broadcast_to(conv_w[0, 0, :, 0][:, None], (F, D))
    out = _run(q2, table, w_exp)
    return out[:, None, None, :]

# --- scband reference (transcript-rebuilt; emitter-appended) ---
"""Pipeline reference for scband-embed-new-46875273068678 (READ-ONLY COPY).

The authoritative reference and input builder live on the scoring server;
editing this copy changes nothing except your own understanding.
"""

import jax, jax.numpy as jnp
import numpy as np

B = 16384
F = 26
D = 32
V = 1000000

def setup_inputs(seed: int = 0) -> dict:
    key = jax.random.key(seed)
    k1, k2, k3 = jax.random.split(key, 3)
    Q_train = jax.random.randint(k1, (B, F), 0, V, dtype=jnp.int64) if jax.config.jax_enable_x64 else jax.random.randint(k1, (B, F), 0, V, dtype=jnp.int32)
    table = jax.random.normal(k2, (V, D), dtype=jnp.float32)
    conv_w = jax.random.normal(k3, (1, 1, F, 1), dtype=jnp.float32)
    return {"Q_train": Q_train, "table": table, "conv_w": conv_w}

def reference(Q_train, table, conv_w):
    # nn.Embedding lookup -> gather rows
    emb = jnp.take(table, Q_train, axis=0)  # [B, F, D]
    # dropout is identity in eval mode
    # reshape to [B, 1, F, D] and apply Conv2d(1,1,kernel=(F,1),bias=False)
    # conv weight shape [out_c=1, in_c=1, kh=F, kw=1]; output [B,1,1,D]
    w = conv_w[0, 0, :, 0]  # [F]
    out = jnp.einsum('bfd,f->bd', emb, w)  # [B, D]
    return out[:, None, None, :]  # [B, 1, 1, D]

if __name__ == "__main__":
    import jax
    _d = setup_inputs()
    print(jax.jit(kernel)(*tuple(_d.values())))

</pallas_src>

<mosaic_0001>
#map = affine_map<(d0, d1) -> (0)>
#map1 = affine_map<(d0, d1) -> (0, 0)>
module attributes {stable_mosaic.version = 14 : i64} {
  func.func @_body(%arg0: i32, %arg1: i32, %arg2: memref<425984xi32, #tpu.memory_space<hbm>>, %arg3: memref<1000000x32xf32, #tpu.memory_space<hbm>>, %arg4: memref<26x32xf32, #tpu.memory_space<hbm>>, %arg5: memref<16384x32xf32, #tpu.memory_space<hbm>>, %arg6: memref<1664xi32, #tpu.memory_space<vmem>>, %arg7: memref<1664xi32, #tpu.memory_space<vmem>>, %arg8: memref<1664x32xf32, #tpu.memory_space<vmem>>, %arg9: memref<1664x32xf32, #tpu.memory_space<vmem>>, %arg10: memref<26x32xf32, #tpu.memory_space<vmem>>, %arg11: memref<64x32xf32, #tpu.memory_space<vmem>>, %arg12: memref<64x32xf32, #tpu.memory_space<vmem>>, %arg13: memref<!tpu.dma_semaphore, #tpu.memory_space<semaphore_mem>>, %arg14: memref<!tpu.dma_semaphore, #tpu.memory_space<semaphore_mem>>, %arg15: memref<!tpu.dma_semaphore, #tpu.memory_space<semaphore_mem>>, %arg16: memref<!tpu.dma_semaphore, #tpu.memory_space<semaphore_mem>>, %arg17: memref<!tpu.dma_semaphore, #tpu.memory_space<semaphore_mem>>, %arg18: memref<!tpu.dma_semaphore, #tpu.memory_space<semaphore_mem>>) attributes {dimension_semantics = [#tpu.dimension_semantics<core_parallel>, #tpu.dimension_semantics<subcore_parallel>], iteration_bounds = array<i64: 2, 16>, scalar_prefetch = 0 : i64, scratch_operands = 13 : i64, tpu.core_type = #tpu.core_type<sc_vector_subcore>, window_params = [{transform_indices = #map}, {transform_indices = #map1}, {transform_indices = #map1}, {transform_indices = #map1}]} {
    %mul3A = arith.constant 2 : i32
    %mul3A_0 = arith.muli %arg1, %mul3A : i32
    %add3A = arith.addi %mul3A_0, %arg0 : i32
    "tpu.region"() ({
      %run_scoped3A = tpu.sem_alloc : memref<!tpu.dma_semaphore, #tpu.memory_space<semaphore_mem>>
      tpu.enqueue_dma source(%arg4 : memref<26x32xf32, #tpu.memory_space<hbm>>) target(%arg10 : memref<26x32xf32, #tpu.memory_space<vmem>>) target_semaphore(%run_scoped3A : memref<!tpu.dma_semaphore, #tpu.memory_space<semaphore_mem>>)
      tpu.wait_dma2 semaphore(%run_scoped3A : memref<!tpu.dma_semaphore, #tpu.memory_space<semaphore_mem>>) src(%arg4 : memref<26x32xf32, #tpu.memory_space<hbm>>) dst(%arg10 : memref<26x32xf32, #tpu.memory_space<vmem>>)
      tpu.yield
    }) : () -> ()
    %mul3A_1 = arith.constant 512 : i32
    %mul3A_2 = arith.muli %add3A, %mul3A_1 : i32
    %add3A_3 = arith.constant 0 : i32
    %add3A_4 = arith.addi %mul3A_2, %add3A_3 : i32
    %mul3A_5 = arith.constant 26 : i32
    %mul3A_6 = arith.muli %add3A_4, %mul3A_5 : i32
    "tpu.region"() ({
      %run_scoped3A = tpu.sem_alloc : memref<!tpu.dma_semaphore, #tpu.memory_space<semaphore_mem>>
      %dma_start3A_137 = tpu.memref_slice %arg2[%mul3A_6] : memref<425984xi32, #tpu.memory_space<hbm>> -> memref<1664xi32, #tpu.memory_space<hbm>>
      %dma_start3A_138 = tpu.memref_slice %arg2[%mul3A_6] : memref<425984xi32, #tpu.memory_space<hbm>> -> memref<1664xi32, #tpu.memory_space<hbm>>
      tpu.enqueue_dma source(%dma_start3A_138 : memref<1664xi32, #tpu.memory_space<hbm>>) target(%arg6 : memref<1664xi32, #tpu.memory_space<vmem>>) target_semaphore(%run_scoped3A : memref<!tpu.dma_semaphore, #tpu.memory_space<semaphore_mem>>)
      %dma_wait3A_139 = tpu.memref_slice %arg2[%mul3A_6] : memref<425984xi32, #tpu.memory_space<hbm>> -> memref<1664xi32, #tpu.memory_space<hbm>>
      %dma_wait3A_140 = tpu.memref_slice %arg2[%mul3A_6] : memref<425984xi32, #tpu.memory_space<hbm>> -> memref<1664xi32, #tpu.memory_space<hbm>>
      tpu.wait_dma2 semaphore(%run_scoped3A : memref<!tpu.dma_semaphore, #tpu.memory_space<semaphore_mem>>) src(%dma_wait3A_140 : memref<1664xi32, #tpu.memory_space<hbm>>) dst(%arg6 : memref<1664xi32, #tpu.memory_space<vmem>>)
      tpu.yield
    }) : () -> ()
    %dma_start3A = arith.constant 0 : i32
    %dma_start3A_7 = arith.constant 0 : i32
    %dma_start3A_8 = tpu.memref_slice %arg8[%dma_start3A, %dma_start3A_7] : memref<1664x32xf32, #tpu.memory_space<vmem>> -> memref<128x32xf32, #tpu.memory_space<vmem>>
    %dma_start3A_9 = arith.constant 0 : i32
    %dma_start3A_10 = tpu.memref_slice %arg6[%dma_start3A_9] : memref<1664xi32, #tpu.memory_space<vmem>> -> memref<128xi32, #tpu.memory_space<vmem>>
    %dma_start3A_11 = arith.constant 0 : i32
    %dma_start3A_12 = arith.constant 0 : i32
    %dma_start3A_13 = tpu.memref_slice %arg3[%dma_start3A_11, %dma_start3A_12] : memref<1000000x32xf32, #tpu.memory_space<hbm>> -> memref<1000000x32xf32, #tpu.memory_space<hbm>>
    tpu.enqueue_indirect_dma source(%dma_start3A_13 : memref<1000000x32xf32, #tpu.memory_space<hbm>>) target(%dma_start3A_8 : memref<128x32xf32, #tpu.memory_space<vmem>>) offsets(%dma_start3A_10 : memref<128xi32, #tpu.memory_space<vmem>>) semaphore(%arg15 : memref<!tpu.dma_semaphore, #tpu.memory_space<semaphore_mem>>)
    %dma_start3A_14 = arith.constant 128 : i32
    %dma_start3A_15 = arith.constant 0 : i32
    %dma_start3A_16 = tpu.memref_slice %arg8[%dma_start3A_14, %dma_start3A_15] : memref<1664x32xf32, #tpu.memory_space<vmem>> -> memref<128x32xf32, #tpu.memory_space<vmem>>
    %dma_start3A_17 = arith.constant 128 : i32
    %dma_start3A_18 = tpu.memref_slice %arg6[%dma_start3A_17] : memref<1664xi32, #tpu.memory_space<vmem>> -> memref<128xi32, #tpu.memory_space<vmem>>
    %dma_start3A_19 = arith.constant 0 : i32
    %dma_start3A_20 = arith.constant 0 : i32
    %dma_start3A_21 = tpu.memref_slice %arg3[%dma_start3A_19, %dma_start3A_20] : memref<1000000x32xf32, #tpu.memory_space<hbm>> -> memref<1000000x32xf32, #tpu.memory_space<hbm>>
    tpu.enqueue_indirect_dma source(%dma_start3A_21 : memref<1000000x32xf32, #tpu.memory_space<hbm>>) target(%dma_start3A_16 : memref<128x32xf32, #tpu.memory_space<vmem>>) offsets(%dma_start3A_18 : memref<128xi32, #tpu.memory_space<vmem>>) semaphore(%arg15 : memref<!tpu.dma_semaphore, #tpu.memory_space<semaphore_mem>>)
    %dma_start3A_22 = arith.constant 256 : i32
    %dma_start3A_23 = arith.constant 0 : i32
    %dma_start3A_24 = tpu.memref_slice %arg8[%dma_start3A_22, %dma_start3A_23] : memref<1664x32xf32, #tpu.memory_space<vmem>> -> memref<128x32xf32, #tpu.memory_space<vmem>>
    %dma_start3A_25 = arith.constant 256 : i32
    %dma_start3A_26 = tpu.memref_slice %arg6[%dma_start3A_25] : memref<1664xi32, #tpu.memory_space<vmem>> -> memref<128xi32, #tpu.memory_space<vmem>>
    %dma_start3A_27 = arith.constant 0 : i32
    %dma_start3A_28 = arith.constant 0 : i32
    %dma_start3A_29 = tpu.memref_slice %arg3[%dma_start3A_27, %dma_start3A_28] : memref<1000000x32xf32, #tpu.memory_space<hbm>> -> memref<1000000x32xf32, #tpu.memory_space<hbm>>
    tpu.enqueue_indirect_dma source(%dma_start3A_29 : memref<1000000x32xf32, #tpu.memory_space<hbm>>) target(%dma_start3A_24 : memref<128x32xf32, #tpu.memory_space<vmem>>) offsets(%dma_start3A_26 : memref<128xi32, #tpu.memory_space<vmem>>) semaphore(%arg15 : memref<!tpu.dma_semaphore, #tpu.memory_space<semaphore_mem>>)
    %dma_start3A_30 = arith.constant 384 : i32
    %dma_start3A_31 = arith.constant 0 : i32
    %dma_start3A_32 = tpu.memref_slice %arg8[%dma_start3A_30, %dma_start3A_31] : memref<1664x32xf32, #tpu.memory_space<vmem>> -> memref<128x32xf32, #tpu.memory_space<vmem>>
    %dma_start3A_33 = arith.constant 384 : i32
    %dma_start3A_34 = tpu.memref_slice %arg6[%dma_start3A_33] : memref<1664xi32, #tpu.memory_space<vmem>> -> memref<128xi32, #tpu.memory_space<vmem>>
    %dma_start3A_35 = arith.constant 0 : i32
    %dma_start3A_36 = arith.constant 0 : i32
    %dma_start3A_37 = tpu.memref_slice %arg3[%dma_start3A_35, %dma_start3A_36] : memref<1000000x32xf32, #tpu.memory_space<hbm>> -> memref<1000000x32xf32, #tpu.memory_space<hbm>>
    tpu.enqueue_indirect_dma source(%dma_start3A_37 : memref<1000000x32xf32, #tpu.memory_space<hbm>>) target(%dma_start3A_32 : memref<128x32xf32, #tpu.memory_space<vmem>>) offsets(%dma_start3A_34 : memref<128xi32, #tpu.memory_space<vmem>>) semaphore(%arg15 : memref<!tpu.dma_semaphore, #tpu.memory_space<semaphore_mem>>)
    %dma_start3A_38 = arith.constant 512 : i32
    %dma_start3A_39 = arith.constant 0 : i32
    %dma_start3A_40 = tpu.memref_slice %arg8[%dma_start3A_38, %dma_start3A_39] : memref<1664x32xf32, #tpu.memory_space<vmem>> -> memref<128x32xf32, #tpu.memory_space<vmem>>
    %dma_start3A_41 = arith.constant 512 : i32
    %dma_start3A_42 = tpu.memref_slice %arg6[%dma_start3A_41] : memref<1664xi32, #tpu.memory_space<vmem>> -> memref<128xi32, #tpu.memory_space<vmem>>
    %dma_start3A_43 = arith.constant 0 : i32
    %dma_start3A_44 = arith.constant 0 : i32
    %dma_start3A_45 = tpu.memref_slice %arg3[%dma_start3A_43, %dma_start3A_44] : memref<1000000x32xf32, #tpu.memory_space<hbm>> -> memref<1000000x32xf32, #tpu.memory_space<hbm>>
    tpu.enqueue_indirect_dma source(%dma_start3A_45 : memref<1000000x32xf32, #tpu.memory_space<hbm>>) target(%dma_start3A_40 : memref<128x32xf32, #tpu.memory_space<vmem>>) offsets(%dma_start3A_42 : memref<128xi32, #tpu.memory_space<vmem>>) semaphore(%arg15 : memref<!tpu.dma_semaphore, #tpu.memory_space<semaphore_mem>>)
    %dma_start3A_46 = arith.constant 640 : i32
    %dma_start3A_47 = arith.constant 0 : i32
    %dma_start3A_48 = tpu.memref_slice %arg8[%dma_start3A_46, %dma_start3A_47] : memref<1664x32xf32, #tpu.memory_space<vmem>> -> memref<128x32xf32, #tpu.memory_space<vmem>>
    %dma_start3A_49 = arith.constant 640 : i32
    %dma_start3A_50 = tpu.memref_slice %arg6[%dma_start3A_49] : memref<1664xi32, #tpu.memory_space<vmem>> -> memref<128xi32, #tpu.memory_space<vmem>>
    %dma_start3A_51 = arith.constant 0 : i32
    %dma_start3A_52 = arith.constant 0 : i32
    %dma_start3A_53 = tpu.memref_slice %arg3[%dma_start3A_51, %dma_start3A_52] : memref<1000000x32xf32, #tpu.memory_space<hbm>> -> memref<1000000x32xf32, #tpu.memory_space<hbm>>
    tpu.enqueue_indirect_dma source(%dma_start3A_53 : memref<1000000x32xf32, #tpu.memory_space<hbm>>) target(%dma_start3A_48 : memref<128x32xf32, #tpu.memory_space<vmem>>) offsets(%dma_start3A_50 : memref<128xi32, #tpu.memory_space<vmem>>) semaphore(%arg15 : memref<!tpu.dma_semaphore, #tpu.memory_space<semaphore_mem>>)
    %dma_start3A_54 = arith.constant 768 : i32
    %dma_start3A_55 = arith.constant 0 : i32
    %dma_start3A_56 = tpu.memref_slice %arg8[%dma_start3A_54, %dma_start3A_55] : memref<1664x32xf32, #tpu.memory_space<vmem>> -> memref<128x32xf32, #tpu.memory_space<vmem>>
    %dma_start3A_57 = arith.constant 768 : i32
    %dma_start3A_58 = tpu.memref_slice %arg6[%dma_start3A_57] : memref<1664xi32, #tpu.memory_space<vmem>> -> memref<128xi32, #tpu.memory_space<vmem>>
    %dma_start3A_59 = arith.constant 0 : i32
    %dma_start3A_60 = arith.constant 0 : i32
    %dma_start3A_61 = tpu.memref_slice %arg3[%dma_start3A_59, %dma_start3A_60] : memref<1000000x32xf32, #tpu.memory_space<hbm>> -> memref<1000000x32xf32, #tpu.memory_space<hbm>>
    tpu.enqueue_indirect_dma source(%dma_start3A_61 : memref<1000000x32xf32, #tpu.memory_space<hbm>>) target(%dma_start3A_56 : memref<128x32xf32, #tpu.memory_space<vmem>>) offsets(%dma_start3A_58 : memref<128xi32, #tpu.memory_space<vmem>>) semaphore(%arg15 : memref<!tpu.dma_semaphore, #tpu.memory_space<semaphore_mem>>)
    %dma_start3A_62 = arith.constant 896 : i32
    %dma_start3A_63 = arith.constant 0 : i32
    %dma_start3A_64 = tpu.memref_slice %arg8[%dma_start3A_62, %dma_start3A_63] : memref<1664x32xf32, #tpu.memory_space<vmem>> -> memref<128x32xf32, #tpu.memory_space<vmem>>
    %dma_start3A_65 = arith.constant 896 : i32
    %dma_start3A_66 = tpu.memref_slice %arg6[%dma_start3A_65] : memref<1664xi32, #tpu.memory_space<vmem>> -> memref<128xi32, #tpu.memory_space<vmem>>
    %dma_start3A_67 = arith.constant 0 : i32
    %dma_start3A_68 = arith.constant 0 : i32
    %dma_start3A_69 = tpu.memref_slice %arg3[%dma_start3A_67, %dma_start3A_68] : memref<1000000x32xf32, #tpu.memory_space<hbm>> -> memref<1000000x32xf32, #tpu.memory_space<hbm>>
    tpu.enqueue_indirect_dma source(%dma_start3A_69 : memref<1000000x32xf32, #tpu.memory_space<hbm>>) target(%dma_start3A_64 : memref<128x32xf32, #tpu.memory_space<vmem>>) offsets(%dma_start3A_66 : memref<128xi32, #tpu.memory_space<vmem>>) semaphore(%arg15 : memref<!tpu.dma_semaphore, #tpu.memory_space<semaphore_mem>>)
    %dma_start3A_70 = arith.constant 1024 : i32
    %dma_start3A_71 = arith.constant 0 : i32
    %dma_start3A_72 = tpu.memref_slice %arg8[%dma_start3A_70, %dma_start3A_71] : memref<1664x32xf32, #tpu.memory_space<vmem>> -> memref<128x32xf32, #tpu.memory_space<vmem>>
    %dma_start3A_73 = arith.constant 1024 : i32
    %dma_start3A_74 = tpu.memref_slice %arg6[%dma_start3A_73] : memref<1664xi32, #tpu.memory_space<vmem>> -> memref<128xi32, #tpu.memory_space<vmem>>
    %dma_start3A_75 = arith.constant 0 : i32
    %dma_start3A_76 = arith.constant 0 : i32
    %dma_start3A_77 = tpu.memref_slice %arg3[%dma_start3A_75, %dma_start3A_76] : memref<1000000x32xf32, #tpu.memory_space<hbm>> -> memref<1000000x32xf32, #tpu.memory_space<hbm>>
    tpu.enqueue_indirect_dma source(%dma_start3A_77 : memref<1000000x32xf32, #tpu.memory_space<hbm>>) target(%dma_start3A_72 : memref<128x32xf32, #tpu.memory_space<vmem>>) offsets(%dma_start3A_74 : memref<128xi32, #tpu.memory_space<vmem>>) semaphore(%arg15 : memref<!tpu.dma_semaphore, #tpu.memory_space<semaphore_mem>>)
    %dma_start3A_78 = arith.constant 1152 : i32
    %dma_start3A_79 = arith.constant 0 : i32
    %dma_start3A_80 = tpu.memref_slice %arg8[%dma_start3A_78, %dma_start3A_79] : memref<1664x32xf32, #tpu.memory_space<vmem>> -> memref<128x32xf32, #tpu.memory_space<vmem>>
    %dma_start3A_81 = arith.constant 1152 : i32
    %dma_start3A_82 = tpu.memref_slice %arg6[%dma_start3A_81] : memref<1664xi32, #tpu.memory_space<vmem>> -> memref<128xi32, #tpu.memory_space<vmem>>
    %dma_start3A_83 = arith.constant 0 : i32
    %dma_start3A_84 = arith.constant 0 : i32
    %dma_start3A_85 = tpu.memref_slice %arg3[%dma_start3A_83, %dma_start3A_84] : memref<1000000x32xf32, #tpu.memory_space<hbm>> -> memref<1000000x32xf32, #tpu.memory_space<hbm>>
    tpu.enqueue_indirect_dma source(%dma_start3A_85 : memref<1000000x32xf32, #tpu.memory_space<hbm>>) target(%dma_start3A_80 : memref<128x32xf32, #tpu.memory_space<vmem>>) offsets(%dma_start3A_82 : memref<128xi32, #tpu.memory_space<vmem>>) semaphore(%arg15 : memref<!tpu.dma_semaphore, #tpu.memory_space<semaphore_mem>>)
    %dma_start3A_86 = arith.constant 1280 : i32
    %dma_start3A_87 = arith.constant 0 : i32
    %dma_start3A_88 = tpu.memref_slice %arg8[%dma_start3A_86, %dma_start3A_87] : memref<1664x32xf32, #tpu.memory_space<vmem>> -> memref<128x32xf32, #tpu.memory_space<vmem>>
    %dma_start3A_89 = arith.constant 1280 : i32
    %dma_start3A_90 = tpu.memref_slice %arg6[%dma_start3A_89] : memref<1664xi32, #tpu.memory_space<vmem>> -> memref<128xi32, #tpu.memory_space<vmem>>
    %dma_start3A_91 = arith.constant 0 : i32
    %dma_start3A_92 = arith.constant 0 : i32
    %dma_start3A_93 = tpu.memref_slice %arg3[%dma_start3A_91, %dma_start3A_92] : memref<1000000x32xf32, #tpu.memory_space<hbm>> -> memref<1000000x32xf32, #tpu.memory_space<hbm>>
    tpu.enqueue_indirect_dma source(%dma_start3A_93 : memref<1000000x32xf32, #tpu.memory_space<hbm>>) target(%dma_start3A_88 : memref<128x32xf32, #tpu.memory_space<vmem>>) offsets(%dma_start3A_90 : memref<128xi32, #tpu.memory_space<vmem>>) semaphore(%arg15 : memref<!tpu.dma_semaphore, #tpu.memory_space<semaphore_mem>>)
    %dma_start3A_94 = arith.constant 1408 : i32
    %dma_start3A_95 = arith.constant 0 : i32
    %dma_start3A_96 = tpu.memref_slice %arg8[%dma_start3A_94, %dma_start3A_95] : memref<1664x32xf32, #tpu.memory_space<vmem>> -> memref<128x32xf32, #tpu.memory_space<vmem>>
    %dma_start3A_97 = arith.constant 1408 : i32
    %dma_start3A_98 = tpu.memref_slice %arg6[%dma_start3A_97] : memref<1664xi32, #tpu.memory_space<vmem>> -> memref<128xi32, #tpu.memory_space<vmem>>
    %dma_start3A_99 = arith.constant 0 : i32
    %dma_start3A_100 = arith.constant 0 : i32
    %dma_start3A_101 = tpu.memref_slice %arg3[%dma_start3A_99, %dma_start3A_100] : memref<1000000x32xf32, #tpu.memory_space<hbm>> -> memref<1000000x32xf32, #tpu.memory_space<hbm>>
    tpu.enqueue_indirect_dma source(%dma_start3A_101 : memref<1000000x32xf32, #tpu.memory_space<hbm>>) target(%dma_start3A_96 : memref<128x32xf32, #tpu.memory_space<vmem>>) offsets(%dma_start3A_98 : memref<128xi32, #tpu.memory_space<vmem>>) semaphore(%arg15 : memref<!tpu.dma_semaphore, #tpu.memory_space<semaphore_mem>>)
    %dma_start3A_102 = arith.constant 1536 : i32
    %dma_start3A_103 = arith.constant 0 : i32
    %dma_start3A_104 = tpu.memref_slice %arg8[%dma_start3A_102, %dma_start3A_103] : memref<1664x32xf32, #tpu.memory_space<vmem>> -> memref<128x32xf32, #tpu.memory_space<vmem>>
    %dma_start3A_105 = arith.constant 1536 : i32
    %dma_start3A_106 = tpu.memref_slice %arg6[%dma_start3A_105] : memref<1664xi32, #tpu.memory_space<vmem>> -> memref<128xi32, #tpu.memory_space<vmem>>
    %dma_start3A_107 = arith.constant 0 : i32
    %dma_start3A_108 = arith.constant 0 : i32
    %dma_start3A_109 = tpu.memref_slice %arg3[%dma_start3A_107, %dma_start3A_108] : memref<1000000x32xf32, #tpu.memory_space<hbm>> -> memref<1000000x32xf32, #tpu.memory_space<hbm>>
    tpu.enqueue_indirect_dma source(%dma_start3A_109 : memref<1000000x32xf32, #tpu.memory_space<hbm>>) target(%dma_start3A_104 : memref<128x32xf32, #tpu.memory_space<vmem>>) offsets(%dma_start3A_106 : memref<128xi32, #tpu.memory_space<vmem>>) semaphore(%arg15 : memref<!tpu.dma_semaphore, #tpu.memory_space<semaphore_mem>>)
    %mul3A_110 = arith.constant 512 : i32
    %mul3A_111 = arith.muli %add3A, %mul3A_110 : i32
    %add3A_112 = arith.constant 64 : i32
    %add3A_113 = arith.addi %mul3A_111, %add3A_112 : i32
    %mul3A_114 = arith.constant 26 : i32
    %mul3A_115 = arith.muli %add3A_113, %mul3A_114 : i32
    %dma_start3A_116 = tpu.memref_slice %arg2[%mul3A_115] : memref<425984xi32, #tpu.memory_space<hbm>> -> memref<1664xi32, #tpu.memory_space<hbm>>
    %dma_start3A_117 = tpu.memref_slice %arg2[%mul3A_115] : memref<425984xi32, #tpu.memory_space<hbm>> -> memref<1664xi32, #tpu.memory_space<hbm>>
    tpu.enqueue_dma source(%dma_start3A_117 : memref<1664xi32, #tpu.memory_space<hbm>>) target(%arg7 : memref<1664xi32, #tpu.memory_space<vmem>>) target_semaphore(%arg14 : memref<!tpu.dma_semaphore, #tpu.memory_space<semaphore_mem>>)
    %scan3A = arith.constant 0 : i32
    %scan3A_118 = arith.constant 8 : i32
    %scan3A_119 = arith.addi %scan3A, %scan3A_118 : i32
    %scan3A_120 = arith.constant 1 : i32
    scf.for %scan3A_137 = %scan3A to %scan3A_119 step %scan3A_120  : i32 {
      %mul3A_138 = arith.constant 1 : i32
      %mul3A_139 = arith.muli %scan3A_137, %mul3A_138 : i32
      %add3A_140 = arith.constant 0 : i32
      %add3A_141 = arith.addi %add3A_140, %mul3A_139 : i32
      %jit3A = arith.constant 2 : i32
      %eq3A = arith.constant 0 : i32
      %eq3A_142 = arith.cmpi eq, %jit3A, %eq3A : i32
      %jit3A_143 = arith.constant 1 : i32
      %select_n3A = arith.select %eq3A_142, %jit3A_143, %jit3A : i32
      %rem3A = arith.remsi %add3A_141, %select_n3A : i32
      %ne3A = arith.constant 0 : i32
      %ne3A_144 = arith.cmpi ne, %rem3A, %ne3A : i32
      %lt3A = arith.constant 0 : i32
      %lt3A_145 = arith.cmpi slt, %rem3A, %lt3A : i32
      %lt3A_146 = arith.constant 0 : i32
      %lt3A_147 = arith.cmpi slt, %select_n3A, %lt3A_146 : i32
      %ne3A_148 = arith.xori %lt3A_145, %lt3A_147 : i1
      %and3A = arith.andi %ne3A_148, %ne3A_144 : i1
      %add3A_149 = arith.addi %rem3A, %select_n3A : i32
      %select_n3A_150 = arith.select %and3A, %add3A_149, %rem3A : i32
      %eq3A_151 = arith.constant 0 : i32
      %eq3A_152 = arith.cmpi eq, %select_n3A_150, %eq3A_151 : i32
      %convert_element_type3A = arith.extui %eq3A_152 : i1 to i32
      %cond3A = arith.constant 0 : i32
      %cond3A_153 = arith.cmpi ne, %convert_element_type3A, %cond3A : i32
      scf.if %cond3A_153 {
        %dma_wait3A_175 = arith.constant 0 : i32
        %dma_wait3A_176 = arith.constant 0 : i32
        %dma_wait3A_177 = tpu.memref_slice %arg8[%dma_wait3A_175, %dma_wait3A_176] : memref<1664x32xf32, #tpu.memory_space<vmem>> -> memref<128x32xf32, #tpu.memory_space<vmem>>
        %dma_wait3A_178 = arith.constant 0 : i32
        %dma_wait3A_179 = arith.constant 0 : i32
        %dma_wait3A_180 = tpu.memref_slice %arg3[%dma_wait3A_178, %dma_wait3A_179] : memref<1000000x32xf32, #tpu.memory_space<hbm>> -> memref<128x32xf32, #tpu.memory_space<hbm>>
        %dma_wait3A_181 = arith.constant 0 : i32
        %dma_wait3A_182 = arith.constant 0 : i32
        %dma_wait3A_183 = tpu.memref_slice %arg8[%dma_wait3A_181, %dma_wait3A_182] : memref<1664x32xf32, #tpu.memory_space<vmem>> -> memref<128x32xf32, #tpu.memory_space<vmem>>
        %dma_wait3A_184 = arith.constant 0 : i32
        %dma_wait3A_185 = arith.constant 0 : i32
        %dma_wait3A_186 = tpu.memref_slice %arg3[%dma_wait3A_184, %dma_wait3A_185] : memref<1000000x32xf32, #tpu.memory_space<hbm>> -> memref<128x32xf32, #tpu.memory_space<hbm>>
        tpu.wait_dma2 semaphore(%arg15 : memref<!tpu.dma_semaphore, #tpu.memory_space<semaphore_mem>>) src(%dma_wait3A_186 : memref<128x32xf32, #tpu.memory_space<hbm>>) dst(%dma_wait3A_183 : memref<128x32xf32, #tpu.memory_space<vmem>>)
        %dma_wait3A_187 = arith.constant 128 : i32
        %dma_wait3A_188 = arith.constant 0 : i32
        %dma_wait3A_189 = tpu.memref_slice %arg8[%dma_wait3A_187, %dma_wait3A_188] : memref<1664x32xf32, #tpu.memory_space<vmem>> -> memref<128x32xf32, #tpu.memory_space<vmem>>
        %dma_wait3A_190 = arith.constant 0 : i32
        %dma_wait3A_191 = arith.constant 0 : i32
        %dma_wait3A_192 = tpu.memref_slice %arg3[%dma_wait3A_190, %dma_wait3A_191] : memref<1000000x32xf32, #tpu.memory_space<hbm>> -> memref<128x32xf32, #tpu.memory_space<hbm>>
        %dma_wait3A_193 = arith.constant 128 : i32
        %dma_wait3A_194 = arith.constant 0 : i32
        %dma_wait3A_195 = tpu.memref_slice %arg8[%dma_wait3A_193, %dma_wait3A_194] : memref<1664x32xf32, #tpu.memory_space<vmem>> -> memref<128x32xf32, #tpu.memory_space<vmem>>
        %dma_wait3A_196 = arith.constant 0 : i32
        %dma_wait3A_197 = arith.constant 0 : i32
        %dma_wait3A_198 = tpu.memref_slice %arg3[%dma_wait3A_196, %dma_wait3A_197] : memref<1000000x32xf32, #tpu.memory_space<hbm>> -> memref<128x32xf32, #tpu.memory_space<hbm>>
        tpu.wait_dma2 semaphore(%arg15 : memref<!tpu.dma_semaphore, #tpu.memory_space<semaphore_mem>>) src(%dma_wait3A_198 : memref<128x32xf32, #tpu.memory_space<hbm>>) dst(%dma_wait3A_195 : memref<128x32xf32, #tpu.memory_space<vmem>>)
        %dma_wait3A_199 = arith.constant 256 : i32
        %dma_wait3A_200 = arith.constant 0 : i32
        %dma_wait3A_201 = tpu.memref_slice %arg8[%dma_wait3A_199, %dma_wait3A_200] : memref<1664x32xf32, #tpu.memory_space<vmem>> -> memref<128x32xf32, #tpu.memory_space<vmem>>
        %dma_wait3A_202 = arith.constant 0 : i32
        %dma_wait3A_203 = arith.constant 0 : i32
        %dma_wait3A_204 = tpu.memref_slice %arg3[%dma_wait3A_202, %dma_wait3A_203] : memref<1000000x32xf32, #tpu.memory_space<hbm>> -> memref<128x32xf32, #tpu.memory_space<hbm>>
        %dma_wait3A_205 = arith.constant 256 : i32
        %dma_wait3A_206 = arith.constant 0 : i32
        %dma_wait3A_207 = tpu.memref_slice %arg8[%dma_wait3A_205, %dma_wait3A_206] : memref<1664x32xf32, #tpu.memory_space<vmem>> -> memref<128x32xf32, #tpu.memory_space<vmem>>
        %dma_wait3A_208 = arith.constant 0 : i32
        %dma_wait3A_209 = arith.constant 0 : i32
        %dma_wait3A_210 = tpu.memref_slice %arg3[%dma_wait3A_208, %dma_wait3A_209] : memref<1000000x32xf32, #tpu.memory_space<hbm>> -> memref<128x32xf32, #tpu.memory_space<hbm>>
        tpu.wait_dma2 semaphore(%arg15 : memref<!tpu.dma_semaphore, #tpu.memory_space<semaphore_mem>>) src(%dma_wait3A_210 : memref<128x32xf32, #tpu.memory_space<hbm>>) dst(%dma_wait3A_207 : memref<128x32xf32, #tpu.memory_space<vmem>>)
        %dma_wait3A_211 = arith.constant 384 : i32
        %dma_wait3A_212 = arith.constant 0 : i32
        %dma_wait3A_213 = tpu.memref_slice %arg8[%dma_wait3A_211, %dma_wait3A_212] : memref<1664x32xf32, #tpu.memory_space<vmem>> -> memref<128x32xf32, #tpu.memory_space<vmem>>
        %dma_wait3A_214 = arith.constant 0 : i32
        %dma_wait3A_215 = arith.constant 0 : i32
        %dma_wait3A_216 = tpu.memref_slice %arg3[%dma_wait3A_214, %dma_wait3A_215] : memref<1000000x32xf32, #tpu.memory_space<hbm>> -> memref<128x32xf32, #tpu.memory_space<hbm>>
        %dma_wait3A_217 = arith.constant 384 : i32
        %dma_wait3A_218 = arith.constant 0 : i32
        %dma_wait3A_219 = tpu.memref_slice %arg8[%dma_wait3A_217, %dma_wait3A_218] : memref<1664x32xf32, #tpu.memory_space<vmem>> -> memref<128x32xf32, #tpu.memory_space<vmem>>
        %dma_wait3A_220 = arith.constant 0 : i32
        %dma_wait3A_221 = arith.constant 0 : i32
        %dma_wait3A_222 = tpu.memref_slice %arg3[%dma_wait3A_220, %dma_wait3A_221] : memref<1000000x32xf32, #tpu.memory_space<hbm>> -> memref<128x32xf32, #tpu.memory_space<hbm>>
        tpu.wait_dma2 semaphore(%arg15 : memref<!tpu.dma_semaphore, #tpu.memory_space<semaphore_mem>>) src(%dma_wait3A_222 : memref<128x32xf32, #tpu.memory_space<hbm>>) dst(%dma_wait3A_219 : memref<128x32xf32, #tpu.memory_space<vmem>>)
        %dma_wait3A_223 = arith.constant 512 : i32
        %dma_wait3A_224 = arith.constant 0 : i32
        %dma_wait3A_225 = tpu.memref_slice %arg8[%dma_wait3A_223, %dma_wait3A_224] : memref<1664x32xf32, #tpu.memory_space<vmem>> -> memref<128x32xf32, #tpu.memory_space<vmem>>
        %dma_wait3A_226 = arith.constant 0 : i32
        %dma_wait3A_227 = arith.constant 0 : i32
        %dma_wait3A_228 = tpu.memref_slice %arg3[%dma_wait3A_226, %dma_wait3A_227] : memref<1000000x32xf32, #tpu.memory_space<hbm>> -> memref<128x32xf32, #tpu.memory_space<hbm>>
        %dma_wait3A_229 = arith.constant 512 : i32
        %dma_wait3A_230 = arith.constant 0 : i32
        %dma_wait3A_231 = tpu.memref_slice %arg8[%dma_wait3A_229, %dma_wait3A_230] : memref<1664x32xf32, #tpu.memory_space<vmem>> -> memref<128x32xf32, #tpu.memory_space<vmem>>
        %dma_wait3A_232 = arith.constant 0 : i32
        %dma_wait3A_233 = arith.constant 0 : i32
        %dma_wait3A_234 = tpu.memref_slice %arg3[%dma_wait3A_232, %dma_wait3A_233] : memref<1000000x32xf32, #tpu.memory_space<hbm>> -> memref<128x32xf32, #tpu.memory_space<hbm>>
        tpu.wait_dma2 semaphore(%arg15 : memref<!tpu.dma_semaphore, #tpu.memory_space<semaphore_mem>>) src(%dma_wait3A_234 : memref<128x32xf32, #tpu.memory_space<hbm>>) dst(%dma_wait3A_231 : memref<128x32xf32, #tpu.memory_space<vmem>>)
        %dma_wait3A_235 = arith.constant 640 : i32
        %dma_wait3A_236 = arith.constant 0 : i32
        %dma_wait3A_237 = tpu.memref_slice %arg8[%dma_wait3A_235, %dma_wait3A_236] : memref<1664x32xf32, #tpu.memory_space<vmem>> -> memref<128x32xf32, #tpu.memory_space<vmem>>
        %dma_wait3A_238 = arith.constant 0 : i32
        %dma_wait3A_239 = arith.constant 0 : i32
        %dma_wait3A_240 = tpu.memref_slice %arg3[%dma_wait3A_238, %dma_wait3A_239] : memref<1000000x32xf32, #tpu.memory_space<hbm>> -> memref<128x32xf32, #tpu.memory_space<hbm>>
        %dma_wait3A_241 = arith.constant 640 : i32
        %dma_wait3A_242 = arith.constant 0 : i32
        %dma_wait3A_243 = tpu.memref_slice %arg8[%dma_wait3A_241, %dma_wait3A_242] : memref<1664x32xf32, #tpu.memory_space<vmem>> -> memref<128x32xf32, #tpu.memory_space<vmem>>
        %dma_wait3A_244 = arith.constant 0 : i32
        %dma_wait3A_245 = arith.constant 0 : i32
        %dma_wait3A_246 = tpu.memref_slice %arg3[%dma_wait3A_244, %dma_wait3A_245] : memref<1000000x32xf32, #tpu.memory_space<hbm>> -> memref<128x32xf32, #tpu.memory_space<hbm>>
        tpu.wait_dma2 semaphore(%arg15 : memref<!tpu.dma_semaphore, #tpu.memory_space<semaphore_mem>>) src(%dma_wait3A_246 : memref<128x32xf32, #tpu.memory_space<hbm>>) dst(%dma_wait3A_243 : memref<128x32xf32, #tpu.memory_space<vmem>>)
        %dma_wait3A_247 = arith.constant 768 : i32
        %dma_wait3A_248 = arith.constant 0 : i32
        %dma_wait3A_249 = tpu.memref_slice %arg8[%dma_wait3A_247, %dma_wait3A_248] : memref<1664x32xf32, #tpu.memory_space<vmem>> -> memref<128x32xf32, #tpu.memory_space<vmem>>
        %dma_wait3A_250 = arith.constant 0 : i32
        %dma_wait3A_251 = arith.constant 0 : i32
        %dma_wait3A_252 = tpu.memref_slice %arg3[%dma_wait3A_250, %dma_wait3A_251] : memref<1000000x32xf32, #tpu.memory_space<hbm>> -> memref<128x32xf32, #tpu.memory_space<hbm>>
        %dma_wait3A_253 = arith.constant 768 : i32
        %dma_wait3A_254 = arith.constant 0 : i32
        %dma_wait3A_255 = tpu.memref_slice %arg8[%dma_wait3A_253, %dma_wait3A_254] : memref<1664x32xf32, #tpu.memory_space<vmem>> -> memref<128x32xf32, #tpu.memory_space<vmem>>
        %dma_wait3A_256 = arith.constant 0 : i32
        %dma_wait3A_257 = arith.constant 0 : i32
        %dma_wait3A_258 = tpu.memref_slice %arg3[%dma_wait3A_256, %dma_wait3A_257] : memref<1000000x32xf32, #tpu.memory_space<hbm>> -> memref<128x32xf32, #tpu.memory_space<hbm>>
        tpu.wait_dma2 semaphore(%arg15 : memref<!tpu.dma_semaphore, #tpu.memory_space<semaphore_mem>>) src(%dma_wait3A_258 : memref<128x32xf32, #tpu.memory_space<hbm>>) dst(%dma_wait3A_255 : memref<128x32xf32, #tpu.memory_space<vmem>>)
        %dma_wait3A_259 = arith.constant 896 : i32
        %dma_wait3A_260 = arith.constant 0 : i32
        %dma_wait3A_261 = tpu.memref_slice %arg8[%dma_wait3A_259, %dma_wait3A_260] : memref<1664x32xf32, #tpu.memory_space<vmem>> -> memref<128x32xf32, #tpu.memory_space<vmem>>
        %dma_wait3A_262 = arith.constant 0 : i32
        %dma_wait3A_263 = arith.constant 0 : i32
        %dma_wait3A_264 = tpu.memref_slice %arg3[%dma_wait3A_262, %dma_wait3A_263] : memref<1000000x32xf32, #tpu.memory_space<hbm>> -> memref<128x32xf32, #tpu.memory_space<hbm>>
        %dma_wait3A_265 = arith.constant 896 : i32
        %dma_wait3A_266 = arith.constant 0 : i32
        %dma_wait3A_267 = tpu.memref_slice %arg8[%dma_wait3A_265, %dma_wait3A_266] : memref<1664x32xf32, #tpu.memory_space<vmem>> -> memref<128x32xf32, #tpu.memory_space<vmem>>
        %dma_wait3A_268 = arith.constant 0 : i32
        %dma_wait3A_269 = arith.constant 0 : i32
        %dma_wait3A_270 = tpu.memref_slice %arg3[%dma_wait3A_268, %dma_wait3A_269] : memref<1000000x32xf32, #tpu.memory_space<hbm>> -> memref<128x32xf32, #tpu.memory_space<hbm>>
        tpu.wait_dma2 semaphore(%arg15 : memref<!tpu.dma_semaphore, #tpu.memory_space<semaphore_mem>>) src(%dma_wait3A_270 : memref<128x32xf32, #tpu.memory_space<hbm>>) dst(%dma_wait3A_267 : memref<128x32xf32, #tpu.memory_space<vmem>>)
        %dma_wait3A_271 = arith.constant 1024 : i32
        %dma_wait3A_272 = arith.constant 0 : i32
        %dma_wait3A_273 = tpu.memref_slice %arg8[%dma_wait3A_271, %dma_wait3A_272] : memref<1664x32xf32, #tpu.memory_space<vmem>> -> memref<128x32xf32, #tpu.memory_space<vmem>>
        %dma_wait3A_274 = arith.constant 0 : i32
        %dma_wait3A_275 = arith.constant 0 : i32
        %dma_wait3A_276 = tpu.memref_slice %arg3[%dma_wait3A_274, %dma_wait3A_275] : memref<1000000x32xf32, #tpu.memory_space<hbm>> -> memref<128x32xf32, #tpu.memory_space<hbm>>
        %dma_wait3A_277 = arith.constant 1024 : i32
        %dma_wait3A_278 = arith.constant 0 : i32
        %dma_wait3A_279 = tpu.memref_slice %arg8[%dma_wait3A_277, %dma_wait3A_278] : memref<1664x32xf32, #tpu.memory_space<vmem>> -> memref<128x32xf32, #tpu.memory_space<vmem>>
        %dma_wait3A_280 = arith.constant 0 : i32
        %dma_wait3A_281 = arith.constant 0 : i32
        %dma_wait3A_282 = tpu.memref_slice %arg3[%dma_wait3A_280, %dma_wait3A_281] : memref<1000000x32xf32, #tpu.memory_space<hbm>> -> memref<128x32xf32, #tpu.memory_space<hbm>>
        tpu.wait_dma2 semaphore(%arg15 : memref<!tpu.dma_semaphore, #tpu.memory_space<semaphore_mem>>) src(%dma_wait3A_282 : memref<128x32xf32, #tpu.memory_space<hbm>>) dst(%dma_wait3A_279 : memref<128x32xf32, #tpu.memory_space<vmem>>)
        %dma_wait3A_283 = arith.constant 1152 : i32
        %dma_wait3A_284 = arith.constant 0 : i32
        %dma_wait3A_285 = tpu.memref_slice %arg8[%dma_wait3A_283, %dma_wait3A_284] : memref<1664x32xf32, #tpu.memory_space<vmem>> -> memref<128x32xf32, #tpu.memory_space<vmem>>
        %dma_wait3A_286 = arith.constant 0 : i32
        %dma_wait3A_287 = arith.constant 0 : i32
        %dma_wait3A_288 = tpu.memref_slice %arg3[%dma_wait3A_286, %dma_wait3A_287] : memref<1000000x32xf32, #tpu.memory_space<hbm>> -> memref<128x32xf32, #tpu.memory_space<hbm>>
        %dma_wait3A_289 = arith.constant 1152 : i32
        %dma_wait3A_290 = arith.constant 0 : i32
        %dma_wait3A_291 = tpu.memref_slice %arg8[%dma_wait3A_289, %dma_wait3A_290] : memref<1664x32xf32, #tpu.memory_space<vmem>> -> memref<128x32xf32, #tpu.memory_space<vmem>>
        %dma_wait3A_292 = arith.constant 0 : i32
        %dma_wait3A_293 = arith.constant 0 : i32
        %dma_wait3A_294 = tpu.memref_slice %arg3[%dma_wait3A_292, %dma_wait3A_293] : memref<1000000x32xf32, #tpu.memory_space<hbm>> -> memref<128x32xf32, #tpu.memory_space<hbm>>
        tpu.wait_dma2 semaphore(%arg15 : memref<!tpu.dma_semaphore, #tpu.memory_space<semaphore_mem>>) src(%dma_wait3A_294 : memref<128x32xf32, #tpu.memory_space<hbm>>) dst(%dma_wait3A_291 : memref<128x32xf32, #tpu.memory_space<vmem>>)
        %dma_wait3A_295 = arith.constant 1280 : i32
        %dma_wait3A_296 = arith.constant 0 : i32
        %dma_wait3A_297 = tpu.memref_slice %arg8[%dma_wait3A_295, %dma_wait3A_296] : memref<1664x32xf32, #tpu.memory_space<vmem>> -> memref<128x32xf32, #tpu.memory_space<vmem>>
        %dma_wait3A_298 = arith.constant 0 : i32
        %dma_wait3A_299 = arith.constant 0 : i32
        %dma_wait3A_300 = tpu.memref_slice %arg3[%dma_wait3A_298, %dma_wait3A_299] : memref<1000000x32xf32, #tpu.memory_space<hbm>> -> memref<128x32xf32, #tpu.memory_space<hbm>>
        %dma_wait3A_301 = arith.constant 1280 : i32
        %dma_wait3A_302 = arith.constant 0 : i32
        %dma_wait3A_303 = tpu.memref_slice %arg8[%dma_wait3A_301, %dma_wait3A_302] : memref<1664x32xf32, #tpu.memory_space<vmem>> -> memref<128x32xf32, #tpu.memory_space<vmem>>
        %dma_wait3A_304 = arith.constant 0 : i32
        %dma_wait3A_305 = arith.constant 0 : i32
        %dma_wait3A_306 = tpu.memref_slice %arg3[%dma_wait3A_304, %dma_wait3A_305] : memref<1000000x32xf32, #tpu.memory_space<hbm>> -> memref<128x32xf32, #tpu.memory_space<hbm>>
        tpu.wait_dma2 semaphore(%arg15 : memref<!tpu.dma_semaphore, #tpu.memory_space<semaphore_mem>>) src(%dma_wait3A_306 : memref<128x32xf32, #tpu.memory_space<hbm>>) dst(%dma_wait3A_303 : memref<128x32xf32, #tpu.memory_space<vmem>>)
        %dma_wait3A_307 = arith.constant 1408 : i32
        %dma_wait3A_308 = arith.constant 0 : i32
        %dma_wait3A_309 = tpu.memref_slice %arg8[%dma_wait3A_307, %dma_wait3A_308] : memref<1664x32xf32, #tpu.memory_space<vmem>> -> memref<128x32xf32, #tpu.memory_space<vmem>>
        %dma_wait3A_310 = arith.constant 0 : i32
        %dma_wait3A_311 = arith.constant 0 : i32
        %dma_wait3A_312 = tpu.memref_slice %arg3[%dma_wait3A_310, %dma_wait3A_311] : memref<1000000x32xf32, #tpu.memory_space<hbm>> -> memref<128x32xf32, #tpu.memory_space<hbm>>
        %dma_wait3A_313 = arith.constant 1408 : i32
        %dma_wait3A_314 = arith.constant 0 : i32
        %dma_wait3A_315 = tpu.memref_slice %arg8[%dma_wait3A_313, %dma_wait3A_314] : memref<1664x32xf32, #tpu.memory_space<vmem>> -> memref<128x32xf32, #tpu.memory_space<vmem>>
        %dma_wait3A_316 = arith.constant 0 : i32
        %dma_wait3A_317 = arith.constant 0 : i32
        %dma_wait3A_318 = tpu.memref_slice %arg3[%dma_wait3A_316, %dma_wait3A_317] : memref<1000000x32xf32, #tpu.memory_space<hbm>> -> memref<128x32xf32, #tpu.memory_space<hbm>>
        tpu.wait_dma2 semaphore(%arg15 : memref<!tpu.dma_semaphore, #tpu.memory_space<semaphore_mem>>) src(%dma_wait3A_318 : memref<128x32xf32, #tpu.memory_space<hbm>>) dst(%dma_wait3A_315 : memref<128x32xf32, #tpu.memory_space<vmem>>)
        %dma_wait3A_319 = arith.constant 1536 : i32
        %dma_wait3A_320 = arith.constant 0 : i32
        %dma_wait3A_321 = tpu.memref_slice %arg8[%dma_wait3A_319, %dma_wait3A_320] : memref<1664x32xf32, #tpu.memory_space<vmem>> -> memref<128x32xf32, #tpu.memory_space<vmem>>
        %dma_wait3A_322 = arith.constant 0 : i32
        %dma_wait3A_323 = arith.constant 0 : i32
        %dma_wait3A_324 = tpu.memref_slice %arg3[%dma_wait3A_322, %dma_wait3A_323] : memref<1000000x32xf32, #tpu.memory_space<hbm>> -> memref<128x32xf32, #tpu.memory_space<hbm>>
        %dma_wait3A_325 = arith.constant 1536 : i32
        %dma_wait3A_326 = arith.constant 0 : i32
        %dma_wait3A_327 = tpu.memref_slice %arg8[%dma_wait3A_325, %dma_wait3A_326] : memref<1664x32xf32, #tpu.memory_space<vmem>> -> memref<128x32xf32, #tpu.memory_space<vmem>>
        %dma_wait3A_328 = arith.constant 0 : i32
        %dma_wait3A_329 = arith.constant 0 : i32
        %dma_wait3A_330 = tpu.memref_slice %arg3[%dma_wait3A_328, %dma_wait3A_329] : memref<1000000x32xf32, #tpu.memory_space<hbm>> -> memref<128x32xf32, #tpu.memory_space<hbm>>
        tpu.wait_dma2 semaphore(%arg15 : memref<!tpu.dma_semaphore, #tpu.memory_space<semaphore_mem>>) src(%dma_wait3A_330 : memref<128x32xf32, #tpu.memory_space<hbm>>) dst(%dma_wait3A_327 : memref<128x32xf32, #tpu.memory_space<vmem>>)
        %add3A_331 = arith.constant 1 : i32
        %add3A_332 = arith.addi %add3A_141, %add3A_331 : i32
        %lt3A_333 = arith.constant 8 : i32
        %lt3A_334 = arith.cmpi slt, %add3A_332, %lt3A_333 : i32
        %convert_element_type3A_335 = arith.extui %lt3A_334 : i1 to i32
        %cond3A_336 = arith.constant 0 : i32
        %cond3A_337 = arith.cmpi ne, %convert_element_type3A_335, %cond3A_336 : i32
        scf.if %cond3A_337 {
          %mul3A_363 = arith.constant 512 : i32
          %mul3A_364 = arith.muli %add3A, %mul3A_363 : i32
          %add3A_365 = arith.constant 0 : i32
          %add3A_366 = arith.addi %mul3A_364, %add3A_365 : i32
          %mul3A_367 = arith.constant 26 : i32
          %mul3A_368 = arith.muli %add3A_366, %mul3A_367 : i32
          %dma_wait3A_369 = tpu.memref_slice %arg2[%mul3A_368] : memref<425984xi32, #tpu.memory_space<hbm>> -> memref<1664xi32, #tpu.memory_space<hbm>>
          %dma_wait3A_370 = tpu.memref_slice %arg2[%mul3A_368] : memref<425984xi32, #tpu.memory_space<hbm>> -> memref<1664xi32, #tpu.memory_space<hbm>>
          tpu.wait_dma2 semaphore(%arg14 : memref<!tpu.dma_semaphore, #tpu.memory_space<semaphore_mem>>) src(%dma_wait3A_370 : memref<1664xi32, #tpu.memory_space<hbm>>) dst(%arg7 : memref<1664xi32, #tpu.memory_space<vmem>>)
          %dma_start3A_371 = arith.constant 0 : i32
          %dma_start3A_372 = arith.constant 0 : i32
          %dma_start3A_373 = tpu.memref_slice %arg9[%dma_start3A_371, %dma_start3A_372] : memref<1664x32xf32, #tpu.memory_space<vmem>> -> memref<128x32xf32, #tpu.memory_space<vmem>>
          %dma_start3A_374 = arith.constant 0 : i32
          %dma_start3A_375 = tpu.memref_slice %arg7[%dma_start3A_374] : memref<1664xi32, #tpu.memory_space<vmem>> -> memref<128xi32, #tpu.memory_space<vmem>>
          %dma_start3A_376 = arith.constant 0 : i32
          %dma_start3A_377 = arith.constant 0 : i32
          %dma_start3A_378 = tpu.memref_slice %arg3[%dma_start3A_376, %dma_start3A_377] : memref<1000000x32xf32, #tpu.memory_space<hbm>> -> memref<1000000x32xf32, #tpu.memory_space<hbm>>
          tpu.enqueue_indirect_dma source(%dma_start3A_378 : memref<1000000x32xf32, #tpu.memory_space<hbm>>) target(%dma_start3A_373 : memref<128x32xf32, #tpu.memory_space<vmem>>) offsets(%dma_start3A_375 : memref<128xi32, #tpu.memory_space<vmem>>) semaphore(%arg16 : memref<!tpu.dma_semaphore, #tpu.memory_space<semaphore_mem>>)
          %dma_start3A_379 = arith.constant 128 : i32
          %dma_start3A_380 = arith.constant 0 : i32
          %dma_start3A_381 = tpu.memref_slice %arg9[%dma_start3A_379, %dma_start3A_380] : memref<1664x32xf32, #tpu.memory_space<vmem>> -> memref<128x32xf32, #tpu.memory_space<vmem>>
          %dma_start3A_382 = arith.constant 128 : i32
          %dma_start3A_383 = tpu.memref_slice %arg7[%dma_start3A_382] : memref<1664xi32, #tpu.memory_space<vmem>> -> memref<128xi32, #tpu.memory_space<vmem>>
          %dma_start3A_384 = arith.constant 0 : i32
          %dma_start3A_385 = arith.constant 0 : i32
          %dma_start3A_386 = tpu.memref_slice %arg3[%dma_start3A_384, %dma_start3A_385] : memref<1000000x32xf32, #tpu.memory_space<hbm>> -> memref<1000000x32xf32, #tpu.memory_space<hbm>>
          tpu.enqueue_indirect_dma source(%dma_start3A_386 : memref<1000000x32xf32, #tpu.memory_space<hbm>>) target(%dma_start3A_381 : memref<128x32xf32, #tpu.memory_space<vmem>>) offsets(%dma_start3A_383 : memref<128xi32, #tpu.memory_space<vmem>>) semaphore(%arg16 : memref<!tpu.dma_semaphore, #tpu.memory_space<semaphore_mem>>)
          %dma_start3A_387 = arith.constant 256 : i32
          %dma_start3A_388 = arith.constant 0 : i32
          %dma_start3A_389 = tpu.memref_slice %arg9[%dma_start3A_387, %dma_start3A_388] : memref<1664x32xf32, #tpu.memory_space<vmem>> -> memref<128x32xf32, #tpu.memory_space<vmem>>
          %dma_start3A_390 = arith.constant 256 : i32
          %dma_start3A_391 = tpu.memref_slice %arg7[%dma_start3A_390] : memref<1664xi32, #tpu.memory_space<vmem>> -> memref<128xi32, #tpu.memory_space<vmem>>
          %dma_start3A_392 = arith.constant 0 : i32
          %dma_start3A_393 = arith.constant 0 : i32
          %dma_start3A_394 = tpu.memref_slice %arg3[%dma_start3A_392, %dma_start3A_393] : memref<1000000x32xf32, #tpu.memory_space<hbm>> -> memref<1000000x32xf32, #tpu.memory_space<hbm>>
          tpu.enqueue_indirect_dma source(%dma_start3A_394 : memref<1000000x32xf32, #tpu.memory_space<hbm>>) target(%dma_start3A_389 : memref<128x32xf32, #tpu.memory_space<vmem>>) offsets(%dma_start3A_391 : memref<128xi32, #tpu.memory_space<vmem>>) semaphore(%arg16 : memref<!tpu.dma_semaphore, #tpu.memory_space<semaphore_mem>>)
          %dma_start3A_395 = arith.constant 384 : i32
          %dma_start3A_396 = arith.constant 0 : i32
          %dma_start3A_397 = tpu.memref_slice %arg9[%dma_start3A_395, %dma_start3A_396] : memref<1664x32xf32, #tpu.memory_space<vmem>> -> memref<128x32xf32, #tpu.memory_space<vmem>>
          %dma_start3A_398 = arith.constant 384 : i32
          %dma_start3A_399 = tpu.memref_slice %arg7[%dma_start3A_398] : memref<1664xi32, #tpu.memory_space<vmem>> -> memref<128xi32, #tpu.memory_space<vmem>>
          %dma_start3A_400 = arith.constant 0 : i32
          %dma_start3A_401 = arith.constant 0 : i32
          %dma_start3A_402 = tpu.memref_slice %arg3[%dma_start3A_400, %dma_start3A_401] : memref<1000000x32xf32, #tpu.memory_space<hbm>> -> memref<1000000x32xf32, #tpu.memory_space<hbm>>
          tpu.enqueue_indirect_dma source(%dma_start3A_402 : memref<1000000x32xf32, #tpu.memory_space<hbm>>) target(%dma_start3A_397 : memref<128x32xf32, #tpu.memory_space<vmem>>) offsets(%dma_start3A_399 : memref<128xi32, #tpu.memory_space<vmem>>) semaphore(%arg16 : memref<!tpu.dma_semaphore, #tpu.memory_space<semaphore_mem>>)
          %dma_start3A_403 = arith.constant 512 : i32
          %dma_start3A_404 = arith.constant 0 : i32
          %dma_start3A_405 = tpu.memref_slice %arg9[%dma_start3A_403, %dma_start3A_404] : memref<1664x32xf32, #tpu.memory_space<vmem>> -> memref<128x32xf32, #tpu.memory_space<vmem>>
          %dma_start3A_406 = arith.constant 512 : i32
          %dma_start3A_407 = tpu.memref_slice %arg7[%dma_start3A_406] : memref<1664xi32, #tpu.memory_space<vmem>> -> memref<128xi32, #tpu.memory_space<vmem>>
          %dma_start3A_408 = arith.constant 0 : i32
          %dma_start3A_409 = arith.constant 0 : i32
          %dma_start3A_410 = tpu.memref_slice %arg3[%dma_start3A_408, %dma_start3A_409] : memref<1000000x32xf32, #tpu.memory_space<hbm>> -> memref<1000000x32xf32, #tpu.memory_space<hbm>>
          tpu.enqueue_indirect_dma source(%dma_start3A_410 : memref<1000000x32xf32, #tpu.memory_space<hbm>>) target(%dma_start3A_405 : memref<128x32xf32, #tpu.memory_space<vmem>>) offsets(%dma_start3A_407 : memref<128xi32, #tpu.memory_space<vmem>>) semaphore(%arg16 : memref<!tpu.dma_semaphore, #tpu.memory_space<semaphore_mem>>)
          %dma_start3A_411 = arith.constant 640 : i32
          %dma_start3A_412 = arith.constant 0 : i32
          %dma_start3A_413 = tpu.memref_slice %arg9[%dma_start3A_411, %dma_start3A_412] : memref<1664x32xf32, #tpu.memory_space<vmem>> -> memref<128x32xf32, #tpu.memory_space<vmem>>
          %dma_start3A_414 = arith.constant 640 : i32
          %dma_start3A_415 = tpu.memref_slice %arg7[%dma_start3A_414] : memref<1664xi32, #tpu.memory_space<vmem>> -> memref<128xi32, #tpu.memory_space<vmem>>
          %dma_start3A_416 = arith.constant 0 : i32
          %dma_start3A_417 = arith.constant 0 : i32
          %dma_start3A_418 = tpu.memref_slice %arg3[%dma_start3A_416, %dma_start3A_417] : memref<1000000x32xf32, #tpu.memory_space<hbm>> -> memref<1000000x32xf32, #tpu.memory_space<hbm>>
          tpu.enqueue_indirect_dma source(%dma_start3A_418 : memref<1000000x32xf32, #tpu.memory_space<hbm>>) target(%dma_start3A_413 : memref<128x32xf32, #tpu.memory_space<vmem>>) offsets(%dma_start3A_415 : memref<128xi32, #tpu.memory_space<vmem>>) semaphore(%arg16 : memref<!tpu.dma_semaphore, #tpu.memory_space<semaphore_mem>>)
          %dma_start3A_419 = arith.constant 768 : i32
          %dma_start3A_420 = arith.constant 0 : i32
          %dma_start3A_421 = tpu.memref_slice %arg9[%dma_start3A_419, %dma_start3A_420] : memref<1664x32xf32, #tpu.memory_space<vmem>> -> memref<128x32xf32, #tpu.memory_space<vmem>>
          %dma_start3A_422 = arith.constant 768 : i32
          %dma_start3A_423 = tpu.memref_slice %arg7[%dma_start3A_422] : memref<1664xi32, #tpu.memory_space<vmem>> -> memref<128xi32, #tpu.memory_space<vmem>>
          %dma_start3A_424 = arith.constant 0 : i32
          %dma_start3A_425 = arith.constant 0 : i32
          %dma_start3A_426 = tpu.memref_slice %arg3[%dma_start3A_424, %dma_start3A_425] : memref<1000000x32xf32, #tpu.memory_space<hbm>> -> memref<1000000x32xf32, #tpu.memory_space<hbm>>
          tpu.enqueue_indirect_dma source(%dma_start3A_426 : memref<1000000x32xf32, #tpu.memory_space<hbm>>) target(%dma_start3A_421 : memref<128x32xf32, #tpu.memory_space<vmem>>) offsets(%dma_start3A_423 : memref<128xi32, #tpu.memory_space<vmem>>) semaphore(%arg16 : memref<!tpu.dma_semaphore, #tpu.memory_space<semaphore_mem>>)
          %dma_start3A_427 = arith.constant 896 : i32
          %dma_start3A_428 = arith.constant 0 : i32
          %dma_start3A_429 = tpu.memref_slice %arg9[%dma_start3A_427, %dma_start3A_428] : memref<1664x32xf32, #tpu.memory_space<vmem>> -> memref<128x32xf32, #tpu.memory_space<vmem>>
          %dma_start3A_430 = arith.constant 896 : i32
          %dma_start3A_431 = tpu.memref_slice %arg7[%dma_start3A_430] : memref<1664xi32, #tpu.memory_space<vmem>> -> memref<128xi32, #tpu.memory_space<vmem>>
          %dma_start3A_432 = arith.constant 0 : i32
          %dma_start3A_433 = arith.constant 0 : i32
          %dma_start3A_434 = tpu.memref_slice %arg3[%dma_start3A_432, %dma_start3A_433] : memref<1000000x32xf32, #tpu.memory_space<hbm>> -> memref<1000000x32xf32, #tpu.memory_space<hbm>>
          tpu.enqueue_indirect_dma source(%dma_start3A_434 : memref<1000000x32xf32, #tpu.memory_space<hbm>>) target(%dma_start3A_429 : memref<128x32xf32, #tpu.memory_space<vmem>>) offsets(%dma_start3A_431 : memref<128xi32, #tpu.memory_space<vmem>>) semaphore(%arg16 : memref<!tpu.dma_semaphore, #tpu.memory_space<semaphore_mem>>)
          %dma_start3A_435 = arith.constant 1024 : i32
          %dma_start3A_436 = arith.constant 0 : i32
          %dma_start3A_437 = tpu.memref_slice %arg9[%dma_start3A_435, %dma_start3A_436] : memref<1664x32xf32, #tpu.memory_space<vmem>> -> memref<128x32xf32, #tpu.memory_space<vmem>>
          %dma_start3A_438 = arith.constant 1024 : i32
          %dma_start3A_439 = tpu.memref_slice %arg7[%dma_start3A_438] : memref<1664xi32, #tpu.memory_space<vmem>> -> memref<128xi32, #tpu.memory_space<vmem>>
          %dma_start3A_440 = arith.constant 0 : i32
          %dma_start3A_441 = arith.constant 0 : i32
          %dma_start3A_442 = tpu.memref_slice %arg3[%dma_start3A_440, %dma_start3A_441] : memref<1000000x32xf32, #tpu.memory_space<hbm>> -> memref<1000000x32xf32, #tpu.memory_space<hbm>>
          tpu.enqueue_indirect_dma source(%dma_start3A_442 : memref<1000000x32xf32, #tpu.memory_space<hbm>>) target(%dma_start3A_437 : memref<128x32xf32, #tpu.memory_space<vmem>>) offsets(%dma_start3A_439 : memref<128xi32, #tpu.memory_space<vmem>>) semaphore(%arg16 : memref<!tpu.dma_semaphore, #tpu.memory_space<semaphore_mem>>)
          %dma_start3A_443 = arith.constant 1152 : i32
          %dma_start3A_444 = arith.constant 0 : i32
          %dma_start3A_445 = tpu.memref_slice %arg9[%dma_start3A_443, %dma_start3A_444] : memref<1664x32xf32, #tpu.memory_space<vmem>> -> memref<128x32xf32, #tpu.memory_space<vmem>>
          %dma_start3A_446 = arith.constant 1152 : i32
          %dma_start3A_447 = tpu.memref_slice %arg7[%dma_start3A_446] : memref<1664xi32, #tpu.memory_space<vmem>> -> memref<128xi32, #tpu.memory_space<vmem>>
          %dma_start3A_448 = arith.constant 0 : i32
          %dma_start3A_449 = arith.constant 0 : i32
          %dma_start3A_450 = tpu.memref_slice %arg3[%dma_start3A_448, %dma_start3A_449] : memref<1000000x32xf32, #tpu.memory_space<hbm>> -> memref<1000000x32xf32, #tpu.memory_space<hbm>>
          tpu.enqueue_indirect_dma source(%dma_start3A_450 : memref<1000000x32xf32, #tpu.memory_space<hbm>>) target(%dma_start3A_445 : memref<128x32xf32, #tpu.memory_space<vmem>>) offsets(%dma_start3A_447 : memref<128xi32, #tpu.memory_space<vmem>>) semaphore(%arg16 : memref<!tpu.dma_semaphore, #tpu.memory_space<semaphore_mem>>)
          %dma_start3A_451 = arith.constant 1280 : i32
          %dma_start3A_452 = arith.constant 0 : i32
          %dma_start3A_453 = tpu.memref_slice %arg9[%dma_start3A_451, %dma_start3A_452] : memref<1664x32xf32, #tpu.memory_space<vmem>> -> memref<128x32xf32, #tpu.memory_space<vmem>>
          %dma_start3A_454 = arith.constant 1280 : i32
          %dma_start3A_455 = tpu.memref_slice %arg7[%dma_start3A_454] : memref<1664xi32, #tpu.memory_space<vmem>> -> memref<128xi32, #tpu.memory_space<vmem>>
          %dma_start3A_456 = arith.constant 0 : i32
          %dma_start3A_457 = arith.constant 0 : i32
          %dma_start3A_458 = tpu.memref_slice %arg3[%dma_start3A_456, %dma_start3A_457] : memref<1000000x32xf32, #tpu.memory_space<hbm>> -> memref<1000000x32xf32, #tpu.memory_space<hbm>>
          tpu.enqueue_indirect_dma source(%dma_start3A_458 : memref<1000000x32xf32, #tpu.memory_space<hbm>>) target(%dma_start3A_453 : memref<128x32xf32, #tpu.memory_space<vmem>>) offsets(%dma_start3A_455 : memref<128xi32, #tpu.memory_space<vmem>>) semaphore(%arg16 : memref<!tpu.dma_semaphore, #tpu.memory_space<semaphore_mem>>)
          %dma_start3A_459 = arith.constant 1408 : i32
          %dma_start3A_460 = arith.constant 0 : i32
          %dma_start3A_461 = tpu.memref_slice %arg9[%dma_start3A_459, %dma_start3A_460] : memref<1664x32xf32, #tpu.memory_space<vmem>> -> memref<128x32xf32, #tpu.memory_space<vmem>>
          %dma_start3A_462 = arith.constant 1408 : i32
          %dma_start3A_463 = tpu.memref_slice %arg7[%dma_start3A_462] : memref<1664xi32, #tpu.memory_space<vmem>> -> memref<128xi32, #tpu.memory_space<vmem>>
          %dma_start3A_464 = arith.constant 0 : i32
          %dma_start3A_465 = arith.constant 0 : i32
          %dma_start3A_466 = tpu.memref_slice %arg3[%dma_start3A_464, %dma_start3A_465] : memref<1000000x32xf32, #tpu.memory_space<hbm>> -> memref<1000000x32xf32, #tpu.memory_space<hbm>>
          tpu.enqueue_indirect_dma source(%dma_start3A_466 : memref<1000000x32xf32, #tpu.memory_space<hbm>>) target(%dma_start3A_461 : memref<128x32xf32, #tpu.memory_space<vmem>>) offsets(%dma_start3A_463 : memref<128xi32, #tpu.memory_space<vmem>>) semaphore(%arg16 : memref<!tpu.dma_semaphore, #tpu.memory_space<semaphore_mem>>)
          %dma_start3A_467 = arith.constant 1536 : i32
          %dma_start3A_468 = arith.constant 0 : i32
          %dma_start3A_469 = tpu.memref_slice %arg9[%dma_start3A_467, %dma_start3A_468] : memref<1664x32xf32, #tpu.memory_space<vmem>> -> memref<128x32xf32, #tpu.memory_space<vmem>>
          %dma_start3A_470 = arith.constant 1536 : i32
          %dma_start3A_471 = tpu.memref_slice %arg7[%dma_start3A_470] : memref<1664xi32, #tpu.memory_space<vmem>> -> memref<128xi32, #tpu.memory_space<vmem>>
          %dma_start3A_472 = arith.constant 0 : i32
          %dma_start3A_473 = arith.constant 0 : i32
          %dma_start3A_474 = tpu.memref_slice %arg3[%dma_start3A_472, %dma_start3A_473] : memref<1000000x32xf32, #tpu.memory_space<hbm>> -> memref<1000000x32xf32, #tpu.memory_space<hbm>>
          tpu.enqueue_indirect_dma source(%dma_start3A_474 : memref<1000000x32xf32, #tpu.memory_space<hbm>>) target(%dma_start3A_469 : memref<128x32xf32, #tpu.memory_space<vmem>>) offsets(%dma_start3A_471 : memref<128xi32, #tpu.memory_space<vmem>>) semaphore(%arg16 : memref<!tpu.dma_semaphore, #tpu.memory_space<semaphore_mem>>)
        } else {
        }
        %add3A_338 = arith.constant 2 : i32
        %add3A_339 = arith.addi %add3A_141, %add3A_338 : i32
        %lt3A_340 = arith.constant 8 : i32
        %lt3A_341 = arith.cmpi slt, %add3A_339, %lt3A_340 : i32
        %convert_element_type3A_342 = arith.extui %lt3A_341 : i1 to i32
        %cond3A_343 = arith.constant 0 : i32
        %cond3A_344 = arith.cmpi ne, %convert_element_type3A_342, %cond3A_343 : i32
        scf.if %cond3A_344 {
          %add3A_363 = arith.constant 2 : i32
          %add3A_364 = arith.addi %add3A_141, %add3A_363 : i32
          %mul3A_365 = arith.constant 512 : i32
          %mul3A_366 = arith.muli %add3A, %mul3A_365 : i32
          %mul3A_367 = arith.constant 64 : i32
          %mul3A_368 = arith.muli %add3A_364, %mul3A_367 : i32
          %add3A_369 = arith.addi %mul3A_366, %mul3A_368 : i32
          %mul3A_370 = arith.constant 26 : i32
          %mul3A_371 = arith.muli %add3A_369, %mul3A_370 : i32
          %dma_start3A_372 = tpu.memref_slice %arg2[%mul3A_371] : memref<425984xi32, #tpu.memory_space<hbm>> -> memref<1664xi32, #tpu.memory_space<hbm>>
          %dma_start3A_373 = tpu.memref_slice %arg2[%mul3A_371] : memref<425984xi32, #tpu.memory_space<hbm>> -> memref<1664xi32, #tpu.memory_space<hbm>>
          tpu.enqueue_dma source(%dma_start3A_373 : memref<1664xi32, #tpu.memory_space<hbm>>) target(%arg6 : memref<1664xi32, #tpu.memory_space<vmem>>) target_semaphore(%arg13 : memref<!tpu.dma_semaphore, #tpu.memory_space<semaphore_mem>>)
        } else {
        }
        %ge3A = arith.constant 2 : i32
        %ge3A_345 = arith.cmpi sge, %add3A_141, %ge3A : i32
        %convert_element_type3A_346 = arith.extui %ge3A_345 : i1 to i32
        %cond3A_347 = arith.constant 0 : i32
        %cond3A_348 = arith.cmpi ne, %convert_element_type3A_346, %cond3A_347 : i32
        scf.if %cond3A_348 {
          %mul3A_363 = arith.constant 512 : i32
          %mul3A_364 = arith.muli %add3A, %mul3A_363 : i32
          %add3A_365 = arith.constant 0 : i32
          %add3A_366 = arith.addi %mul3A_364, %add3A_365 : i32
          %dma_wait3A_367 = arith.constant 0 : i32
          %dma_wait3A_368 = tpu.memref_slice %arg5[%add3A_366, %dma_wait3A_367] : memref<16384x32xf32, #tpu.memory_space<hbm>> -> memref<64x32xf32, #tpu.memory_space<hbm>>
          %dma_wait3A_369 = arith.constant 0 : i32
          %dma_wait3A_370 = tpu.memref_slice %arg5[%add3A_366, %dma_wait3A_369] : memref<16384x32xf32, #tpu.memory_space<hbm>> -> memref<64x32xf32, #tpu.memory_space<hbm>>
          tpu.wait_dma2 semaphore(%arg17 : memref<!tpu.dma_semaphore, #tpu.memory_space<semaphore_mem>>) src(%arg11 : memref<64x32xf32, #tpu.memory_space<vmem>>) dst(%dma_wait3A_370 : memref<64x32xf32, #tpu.memory_space<hbm>>)
        } else {
        }
        %scan3A_349 = arith.constant 0 : i32
        %scan3A_350 = arith.constant 64 : i32
        %scan3A_351 = arith.addi %scan3A_349, %scan3A_350 : i32
        %scan3A_352 = arith.constant 1 : i32
        scf.for %scan3A_363 = %scan3A_349 to %scan3A_351 step %scan3A_352  : i32 {
          %mul3A_364 = arith.constant 1 : i32
          %mul3A_365 = arith.muli %scan3A_363, %mul3A_364 : i32
          %add3A_366 = arith.constant 0 : i32
          %add3A_367 = arith.addi %add3A_366, %mul3A_365 : i32
          %mul3A_368 = arith.constant 26 : i32
          %mul3A_369 = arith.muli %add3A_367, %mul3A_368 : i32
          %get3A = arith.index_cast %mul3A_369 : i32 to index
          %get3A_370 = arith.constant 0 : index
          %get3A_371 = tpu.vector_load %arg8[%get3A, %get3A_370] {strides = array<i32>} : memref<1664x32xf32, #tpu.memory_space<vmem>>, vector<1x16xf32>,
          %get3A_372 = vector.shape_cast %get3A_371 : vector<1x16xf32> to vector<16xf32>
          %get3A_373 = arith.constant 0 : i32
          %get3A_374 = arith.index_cast %get3A_373 : i32 to index
          %get3A_375 = arith.constant 0 : index
          %get3A_376 = tpu.vector_load %arg10[%get3A_374, %get3A_375] {strides = array<i32>} : memref<26x32xf32, #tpu.memory_space<vmem>>, vector<1x16xf32>,
          %get3A_377 = vector.shape_cast %get3A_376 : vector<1x16xf32> to vector<16xf32>
          %mul3A_378 = arith.mulf %get3A_372, %get3A_377 : vector<16xf32>
          %get3A_379 = arith.index_cast %mul3A_369 : i32 to index
          %get3A_380 = arith.constant 16 : index
          %get3A_381 = tpu.vector_load %arg8[%get3A_379, %get3A_380] {strides = array<i32>} : memref<1664x32xf32, #tpu.memory_space<vmem>>, vector<1x16xf32>,
          %get3A_382 = vector.shape_cast %get3A_381 : vector<1x16xf32> to vector<16xf32>
          %get3A_383 = arith.constant 0 : i32
          %get3A_384 = arith.index_cast %get3A_383 : i32 to index
          %get3A_385 = arith.constant 16 : index
          %get3A_386 = tpu.vector_load %arg10[%get3A_384, %get3A_385] {strides = array<i32>} : memref<26x32xf32, #tpu.memory_space<vmem>>, vector<1x16xf32>,
          %get3A_387 = vector.shape_cast %get3A_386 : vector<1x16xf32> to vector<16xf32>
          %mul3A_388 = arith.mulf %get3A_382, %get3A_387 : vector<16xf32>
          %add3A_389 = arith.constant 1 : i32
          %add3A_390 = arith.addi %mul3A_369, %add3A_389 : i32
          %get3A_391 = arith.index_cast %add3A_390 : i32 to index
          %get3A_392 = arith.constant 0 : index
          %get3A_393 = tpu.vector_load %arg8[%get3A_391, %get3A_392] {strides = array<i32>} : memref<1664x32xf32, #tpu.memory_space<vmem>>, vector<1x16xf32>,
          %get3A_394 = vector.shape_cast %get3A_393 : vector<1x16xf32> to vector<16xf32>
          %get3A_395 = arith.constant 1 : i32
          %get3A_396 = arith.index_cast %get3A_395 : i32 to index
          %get3A_397 = arith.constant 0 : index
          %get3A_398 = tpu.vector_load %arg10[%get3A_396, %get3A_397] {strides = array<i32>} : memref<26x32xf32, #tpu.memory_space<vmem>>, vector<1x16xf32>,
          %get3A_399 = vector.shape_cast %get3A_398 : vector<1x16xf32> to vector<16xf32>
          %mul3A_400 = arith.mulf %get3A_394, %get3A_399 : vector<16xf32>
          %add3A_401 = arith.addf %mul3A_378, %mul3A_400 : vector<16xf32>
          %add3A_402 = arith.constant 1 : i32
          %add3A_403 = arith.addi %mul3A_369, %add3A_402 : i32
          %get3A_404 = arith.index_cast %add3A_403 : i32 to index
          %get3A_405 = arith.constant 16 : index
          %get3A_406 = tpu.vector_load %arg8[%get3A_404, %get3A_405] {strides = array<i32>} : memref<1664x32xf32, #tpu.memory_space<vmem>>, vector<1x16xf32>,
          %get3A_407 = vector.shape_cast %get3A_406 : vector<1x16xf32> to vector<16xf32>
          %get3A_408 = arith.constant 1 : i32
          %get3A_409 = arith.index_cast %get3A_408 : i32 to index
          %get3A_410 = arith.constant 16 : index
          %get3A_411 = tpu.vector_load %arg10[%get3A_409, %get3A_410] {strides = array<i32>} : memref<26x32xf32, #tpu.memory_space<vmem>>, vector<1x16xf32>,
          %get3A_412 = vector.shape_cast %get3A_411 : vector<1x16xf32> to vector<16xf32>
          %mul3A_413 = arith.mulf %get3A_407, %get3A_412 : vector<16xf32>
          %add3A_414 = arith.addf %mul3A_388, %mul3A_413 : vector<16xf32>
          %add3A_415 = arith.constant 2 : i32
          %add3A_416 = arith.addi %mul3A_369, %add3A_415 : i32
          %get3A_417 = arith.index_cast %add3A_416 : i32 to index
          %get3A_418 = arith.constant 0 : index
          %get3A_419 = tpu.vector_load %arg8[%get3A_417, %get3A_418] {strides = array<i32>} : memref<1664x32xf32, #tpu.memory_space<vmem>>, vector<1x16xf32>,
          %get3A_420 = vector.shape_cast %get3A_419 : vector<1x16xf32> to vector<16xf32>
          %get3A_421 = arith.constant 2 : i32
          %get3A_422 = arith.index_cast %get3A_421 : i32 to index
          %get3A_423 = arith.constant 0 : index
          %get3A_424 = tpu.vector_load %arg10[%get3A_422, %get3A_423] {strides = array<i32>} : memref<26x32xf32, #tpu.memory_space<vmem>>, vector<1x16xf32>,
          %get3A_425 = vector.shape_cast %get3A_424 : vector<1x16xf32> to vector<16xf32>
          %mul3A_426 = arith.mulf %get3A_420, %get3A_425 : vector<16xf32>
          %add3A_427 = arith.addf %add3A_401, %mul3A_426 : vector<16xf32>
          %add3A_428 = arith.constant 2 : i32
          %add3A_429 = arith.addi %mul3A_369, %add3A_428 : i32
          %get3A_430 = arith.index_cast %add3A_429 : i32 to index
          %get3A_431 = arith.constant 16 : index
          %get3A_432 = tpu.vector_load %arg8[%get3A_430, %get3A_431] {strides = array<i32>} : memref<1664x32xf32, #tpu.memory_space<vmem>>, vector<1x16xf32>,
          %get3A_433 = vector.shape_cast %get3A_432 : vector<1x16xf32> to vector<16xf32>
          %get3A_434 = arith.constant 2 : i32
          %get3A_435 = arith.index_cast %get3A_434 : i32 to index
          %get3A_436 = arith.constant 16 : index
          %get3A_437 = tpu.vector_load %arg10[%get3A_435, %get3A_436] {strides = array<i32>} : memref<26x32xf32, #tpu.memory_space<vmem>>, vector<1x16xf32>,
          %get3A_438 = vector.shape_cast %get3A_437 : vector<1x16xf32> to vector<16xf32>
          %mul3A_439 = arith.mulf %get3A_433, %get3A_438 : vector<16xf32>
          %add3A_440 = arith.addf %add3A_414, %mul3A_439 : vector<16xf32>
          %add3A_441 = arith.constant 3 : i32
          %add3A_442 = arith.addi %mul3A_369, %add3A_441 : i32
          %get3A_443 = arith.index_cast %add3A_442 : i32 to index
          %get3A_444 = arith.constant 0 : index
          %get3A_445 = tpu.vector_load %arg8[%get3A_443, %get3A_444] {strides = array<i32>} : memref<1664x32xf32, #tpu.memory_space<vmem>>, vector<1x16xf32>,
          %get3A_446 = vector.shape_cast %get3A_445 : vector<1x16xf32> to vector<16xf32>
          %get3A_447 = arith.constant 3 : i32
          %get3A_448 = arith.index_cast %get3A_447 : i32 to index
          %get3A_449 = arith.constant 0 : index
          %get3A_450 = tpu.vector_load %arg10[%get3A_448, %get3A_449] {strides = array<i32>} : memref<26x32xf32, #tpu.memory_space<vmem>>, vector<1x16xf32>,
          %get3A_451 = vector.shape_cast %get3A_450 : vector<1x16xf32> to vector<16xf32>
          %mul3A_452 = arith.mulf %get3A_446, %get3A_451 : vector<16xf32>
          %add3A_453 = arith.addf %add3A_427, %mul3A_452 : vector<16xf32>
          %add3A_454 = arith.constant 3 : i32
          %add3A_455 = arith.addi %mul3A_369, %add3A_454 : i32
          %get3A_456 = arith.index_cast %add3A_455 : i32 to index
          %get3A_457 = arith.constant 16 : index
          %get3A_458 = tpu.vector_load %arg8[%get3A_456, %get3A_457] {strides = array<i32>} : memref<1664x32xf32, #tpu.memory_space<vmem>>, vector<1x16xf32>,
          %get3A_459 = vector.shape_cast %get3A_458 : vector<1x16xf32> to vector<16xf32>
          %get3A_460 = arith.constant 3 : i32
          %get3A_461 = arith.index_cast %get3A_460 : i32 to index
          %get3A_462 = arith.constant 16 : index
          %get3A_463 = tpu.vector_load %arg10[%get3A_461, %get3A_462] {strides = array<i32>} : memref<26x32xf32, #tpu.memory_space<vmem>>, vector<1x16xf32>,
          %get3A_464 = vector.shape_cast %get3A_463 : vector<1x16xf32> to vector<16xf32>
          %mul3A_465 = arith.mulf %get3A_459, %get3A_464 : vector<16xf32>
          %add3A_466 = arith.addf %add3A_440, %mul3A_465 : vector<16xf32>
          %add3A_467 = arith.constant 4 : i32
          %add3A_468 = arith.addi %mul3A_369, %add3A_467 : i32
          %get3A_469 = arith.index_cast %add3A_468 : i32 to index
          %get3A_470 = arith.constant 0 : index
          %get3A_471 = tpu.vector_load %arg8[%get3A_469, %get3A_470] {strides = array<i32>} : memref<1664x32xf32, #tpu.memory_space<vmem>>, vector<1x16xf32>,
          %get3A_472 = vector.shape_cast %get3A_471 : vector<1x16xf32> to vector<16xf32>
          %get3A_473 = arith.constant 4 : i32
          %get3A_474 = arith.index_cast %get3A_473 : i32 to index
          %get3A_475 = arith.constant 0 : index
          %get3A_476 = tpu.vector_load %arg10[%get3A_474, %get3A_475] {strides = array<i32>} : memref<26x32xf32, #tpu.memory_space<vmem>>, vector<1x16xf32>,
          %get3A_477 = vector.shape_cast %get3A_476 : vector<1x16xf32> to vector<16xf32>
          %mul3A_478 = arith.mulf %get3A_472, %get3A_477 : vector<16xf32>
          %add3A_479 = arith.addf %add3A_453, %mul3A_478 : vector<16xf32>
          %add3A_480 = arith.constant 4 : i32
          %add3A_481 = arith.addi %mul3A_369, %add3A_480 : i32
          %get3A_482 = arith.index_cast %add3A_481 : i32 to index
          %get3A_483 = arith.constant 16 : index
          %get3A_484 = tpu.vector_load %arg8[%get3A_482, %get3A_483] {strides = array<i32>} : memref<1664x32xf32, #tpu.memory_space<vmem>>, vector<1x16xf32>,
          %get3A_485 = vector.shape_cast %get3A_484 : vector<1x16xf32> to vector<16xf32>
          %get3A_486 = arith.constant 4 : i32
          %get3A_487 = arith.index_cast %get3A_486 : i32 to index
          %get3A_488 = arith.constant 16 : index
          %get3A_489 = tpu.vector_load %arg10[%get3A_487, %get3A_488] {strides = array<i32>} : memref<26x32xf32, #tpu.memory_space<vmem>>, vector<1x16xf32>,
          %get3A_490 = vector.shape_cast %get3A_489 : vector<1x16xf32> to vector<16xf32>
          %mul3A_491 = arith.mulf %get3A_485, %get3A_490 : vector<16xf32>
          %add3A_492 = arith.addf %add3A_466, %mul3A_491 : vector<16xf32>
          %add3A_493 = arith.constant 5 : i32
          %add3A_494 = arith.addi %mul3A_369, %add3A_493 : i32
          %get3A_495 = arith.index_cast %add3A_494 : i32 to index
          %get3A_496 = arith.constant 0 : index
          %get3A_497 = tpu.vector_load %arg8[%get3A_495, %get3A_496] {strides = array<i32>} : memref<1664x32xf32, #tpu.memory_space<vmem>>, vector<1x16xf32>,
          %get3A_498 = vector.shape_cast %get3A_497 : vector<1x16xf32> to vector<16xf32>
          %get3A_499 = arith.constant 5 : i32
          %get3A_500 = arith.index_cast %get3A_499 : i32 to index
          %get3A_501 = arith.constant 0 : index
          %get3A_502 = tpu.vector_load %arg10[%get3A_500, %get3A_501] {strides = array<i32>} : memref<26x32xf32, #tpu.memory_space<vmem>>, vector<1x16xf32>,
          %get3A_503 = vector.shape_cast %get3A_502 : vector<1x16xf32> to vector<16xf32>
          %mul3A_504 = arith.mulf %get3A_498, %get3A_503 : vector<16xf32>
          %add3A_505 = arith.addf %add3A_479, %mul3A_504 : vector<16xf32>
          %add3A_506 = arith.constant 5 : i32
          %add3A_507 = arith.addi %mul3A_369, %add3A_506 : i32
          %get3A_508 = arith.index_cast %add3A_507 : i32 to index
          %get3A_509 = arith.constant 16 : index
          %get3A_510 = tpu.vector_load %arg8[%get3A_508, %get3A_509] {strides = array<i32>} : memref<1664x32xf32, #tpu.memory_space<vmem>>, vector<1x16xf32>,
          %get3A_511 = vector.shape_cast %get3A_510 : vector<1x16xf32> to vector<16xf32>
          %get3A_512 = arith.constant 5 : i32
          %get3A_513 = arith.index_cast %get3A_512 : i32 to index
          %get3A_514 = arith.constant 16 : index
          %get3A_515 = tpu.vector_load %arg10[%get3A_513, %get3A_514] {strides = array<i32>} : memref<26x32xf32, #tpu.memory_space<vmem>>, vector<1x16xf32>,
          %get3A_516 = vector.shape_cast %get3A_515 : vector<1x16xf32> to vector<16xf32>
          %mul3A_517 = arith.mulf %get3A_511, %get3A_516 : vector<16xf32>
          %add3A_518 = arith.addf %add3A_492, %mul3A_517 : vector<16xf32>
          %add3A_519 = arith.constant 6 : i32
          %add3A_520 = arith.addi %mul3A_369, %add3A_519 : i32
          %get3A_521 = arith.index_cast %add3A_520 : i32 to index
          %get3A_522 = arith.constant 0 : index
          %get3A_523 = tpu.vector_load %arg8[%get3A_521, %get3A_522] {strides = array<i32>} : memref<1664x32xf32, #tpu.memory_space<vmem>>, vector<1x16xf32>,
          %get3A_524 = vector.shape_cast %get3A_523 : vector<1x16xf32> to vector<16xf32>
          %get3A_525 = arith.constant 6 : i32
          %get3A_526 = arith.index_cast %get3A_525 : i32 to index
          %get3A_527 = arith.constant 0 : index
          %get3A_528 = tpu.vector_load %arg10[%get3A_526, %get3A_527] {strides = array<i32>} : memref<26x32xf32, #tpu.memory_space<vmem>>, vector<1x16xf32>,
          %get3A_529 = vector.shape_cast %get3A_528 : vector<1x16xf32> to vector<16xf32>
          %mul3A_530 = arith.mulf %get3A_524, %get3A_529 : vector<16xf32>
          %add3A_531 = arith.addf %add3A_505, %mul3A_530 : vector<16xf32>
          %add3A_532 = arith.constant 6 : i32
          %add3A_533 = arith.addi %mul3A_369, %add3A_532 : i32
          %get3A_534 = arith.index_cast %add3A_533 : i32 to index
          %get3A_535 = arith.constant 16 : index
          %get3A_536 = tpu.vector_load %arg8[%get3A_534, %get3A_535] {strides = array<i32>} : memref<1664x32xf32, #tpu.memory_space<vmem>>, vector<1x16xf32>,
          %get3A_537 = vector.shape_cast %get3A_536 : vector<1x16xf32> to vector<16xf32>
          %get3A_538 = arith.constant 6 : i32
          %get3A_539 = arith.index_cast %get3A_538 : i32 to index
          %get3A_540 = arith.constant 16 : index
          %get3A_541 = tpu.vector_load %arg10[%get3A_539, %get3A_540] {strides = array<i32>} : memref<26x32xf32, #tpu.memory_space<vmem>>, vector<1x16xf32>,
          %get3A_542 = vector.shape_cast %get3A_541 : vector<1x16xf32> to vector<16xf32>
          %mul3A_543 = arith.mulf %get3A_537, %get3A_542 : vector<16xf32>
          %add3A_544 = arith.addf %add3A_518, %mul3A_543 : vector<16xf32>
          %add3A_545 = arith.constant 7 : i32
          %add3A_546 = arith.addi %mul3A_369, %add3A_545 : i32
          %get3A_547 = arith.index_cast %add3A_546 : i32 to index
          %get3A_548 = arith.constant 0 : index
          %get3A_549 = tpu.vector_load %arg8[%get3A_547, %get3A_548] {strides = array<i32>} : memref<1664x32xf32, #tpu.memory_space<vmem>>, vector<1x16xf32>,
          %get3A_550 = vector.shape_cast %get3A_549 : vector<1x16xf32> to vector<16xf32>
          %get3A_551 = arith.constant 7 : i32
          %get3A_552 = arith.index_cast %get3A_551 : i32 to index
          %get3A_553 = arith.constant 0 : index
          %get3A_554 = tpu.vector_load %arg10[%get3A_552, %get3A_553] {strides = array<i32>} : memref<26x32xf32, #tpu.memory_space<vmem>>, vector<1x16xf32>,
          %get3A_555 = vector.shape_cast %get3A_554 : vector<1x16xf32> to vector<16xf32>
          %mul3A_556 = arith.mulf %get3A_550, %get3A_555 : vector<16xf32>
          %add3A_557 = arith.addf %add3A_531, %mul3A_556 : vector<16xf32>
          %add3A_558 = arith.constant 7 : i32
          %add3A_559 = arith.addi %mul3A_369, %add3A_558 : i32
          %get3A_560 = arith.index_cast %add3A_559 : i32 to index
          %get3A_561 = arith.constant 16 : index
          %get3A_562 = tpu.vector_load %arg8[%get3A_560, %get3A_561] {strides = array<i32>} : memref<1664x32xf32, #tpu.memory_space<vmem>>, vector<1x16xf32>,
          %get3A_563 = vector.shape_cast %get3A_562 : vector<1x16xf32> to vector<16xf32>
          %get3A_564 = arith.constant 7 : i32
          %get3A_565 = arith.index_cast %get3A_564 : i32 to index
          %get3A_566 = arith.constant 16 : index
          %get3A_567 = tpu.vector_load %arg10[%get3A_565, %get3A_566] {strides = array<i32>} : memref<26x32xf32, #tpu.memory_space<vmem>>, vector<1x16xf32>,
          %get3A_568 = vector.shape_cast %get3A_567 : vector<1x16xf32> to vector<16xf32>
          %mul3A_569 = arith.mulf %get3A_563, %get3A_568 : vector<16xf32>
          %add3A_570 = arith.addf %add3A_544, %mul3A_569 : vector<16xf32>
          %add3A_571 = arith.constant 8 : i32
          %add3A_572 = arith.addi %mul3A_369, %add3A_571 : i32
          %get3A_573 = arith.index_cast %add3A_572 : i32 to index
          %get3A_574 = arith.constant 0 : index
          %get3A_575 = tpu.vector_load %arg8[%get3A_573, %get3A_574] {strides = array<i32>} : memref<1664x32xf32, #tpu.memory_space<vmem>>, vector<1x16xf32>,
          %get3A_576 = vector.shape_cast %get3A_575 : vector<1x16xf32> to vector<16xf32>
          %get3A_577 = arith.constant 8 : i32
          %get3A_578 = arith.index_cast %get3A_577 : i32 to index
          %get3A_579 = arith.constant 0 : index
          %get3A_580 = tpu.vector_load %arg10[%get3A_578, %get3A_579] {strides = array<i32>} : memref<26x32xf32, #tpu.memory_space<vmem>>, vector<1x16xf32>,
          %get3A_581 = vector.shape_cast %get3A_580 : vector<1x16xf32> to vector<16xf32>
          %mul3A_582 = arith.mulf %get3A_576, %get3A_581 : vector<16xf32>
          %add3A_583 = arith.addf %add3A_557, %mul3A_582 : vector<16xf32>
          %add3A_584 = arith.constant 8 : i32
          %add3A_585 = arith.addi %mul3A_369, %add3A_584 : i32
          %get3A_586 = arith.index_cast %add3A_585 : i32 to index
          %get3A_587 = arith.constant 16 : index
          %get3A_588 = tpu.vector_load %arg8[%get3A_586, %get3A_587] {strides = array<i32>} : memref<1664x32xf32, #tpu.memory_space<vmem>>, vector<1x16xf32>,
          %get3A_589 = vector.shape_cast %get3A_588 : vector<1x16xf32> to vector<16xf32>
          %get3A_590 = arith.constant 8 : i32
          %get3A_591 = arith.index_cast %get3A_590 : i32 to index
          %get3A_592 = arith.constant 16 : index
          %get3A_593 = tpu.vector_load %arg10[%get3A_591, %get3A_592] {strides = array<i32>} : memref<26x32xf32, #tpu.memory_space<vmem>>, vector<1x16xf32>,
          %get3A_594 = vector.shape_cast %get3A_593 : vector<1x16xf32> to vector<16xf32>
          %mul3A_595 = arith.mulf %get3A_589, %get3A_594 : vector<16xf32>
          %add3A_596 = arith.addf %add3A_570, %mul3A_595 : vector<16xf32>
          %add3A_597 = arith.constant 9 : i32
          %add3A_598 = arith.addi %mul3A_369, %add3A_597 : i32
          %get3A_599 = arith.index_cast %add3A_598 : i32 to index
          %get3A_600 = arith.constant 0 : index
          %get3A_601 = tpu.vector_load %arg8[%get3A_599, %get3A_600] {strides = array<i32>} : memref<1664x32xf32, #tpu.memory_space<vmem>>, vector<1x16xf32>,
          %get3A_602 = vector.shape_cast %get3A_601 : vector<1x16xf32> to vector<16xf32>
          %get3A_603 = arith.constant 9 : i32
          %get3A_604 = arith.index_cast %get3A_603 : i32 to index
          %get3A_605 = arith.constant 0 : index
          %get3A_606 = tpu.vector_load %arg10[%get3A_604, %get3A_605] {strides = array<i32>} : memref<26x32xf32, #tpu.memory_space<vmem>>, vector<1x16xf32>,
          %get3A_607 = vector.shape_cast %get3A_606 : vector<1x16xf32> to vector<16xf32>
          %mul3A_608 = arith.mulf %get3A_602, %get3A_607 : vector<16xf32>
          %add3A_609 = arith.addf %add3A_583, %mul3A_608 : vector<16xf32>
          %add3A_610 = arith.constant 9 : i32
          %add3A_611 = arith.addi %mul3A_369, %add3A_610 : i32
          %get3A_612 = arith.index_cast %add3A_611 : i32 to index
          %get3A_613 = arith.constant 16 : index
          %get3A_614 = tpu.vector_load %arg8[%get3A_612, %get3A_613] {strides = array<i32>} : memref<1664x32xf32, #tpu.memory_space<vmem>>, vector<1x16xf32>,
          %get3A_615 = vector.shape_cast %get3A_614 : vector<1x16xf32> to vector<16xf32>
          %get3A_616 = arith.constant 9 : i32
          %get3A_617 = arith.index_cast %get3A_616 : i32 to index
          %get3A_618 = arith.constant 16 : index
          %get3A_619 = tpu.vector_load %arg10[%get3A_617, %get3A_618] {strides = array<i32>} : memref<26x32xf32, #tpu.memory_space<vmem>>, vector<1x16xf32>,
          %get3A_620 = vector.shape_cast %get3A_619 : vector<1x16xf32> to vector<16xf32>
          %mul3A_621 = arith.mulf %get3A_615, %get3A_620 : vector<16xf32>
          %add3A_622 = arith.addf %add3A_596, %mul3A_621 : vector<16xf32>
          %add3A_623 = arith.constant 10 : i32
          %add3A_624 = arith.addi %mul3A_369, %add3A_623 : i32
          %get3A_625 = arith.index_cast %add3A_624 : i32 to index
          %get3A_626 = arith.constant 0 : index
          %get3A_627 = tpu.vector_load %arg8[%get3A_625, %get3A_626] {strides = array<i32>} : memref<1664x32xf32, #tpu.memory_space<vmem>>, vector<1x16xf32>,
          %get3A_628 = vector.shape_cast %get3A_627 : vector<1x16xf32> to vector<16xf32>
          %get3A_629 = arith.constant 10 : i32
          %get3A_630 = arith.index_cast %get3A_629 : i32 to index
          %get3A_631 = arith.constant 0 : index
          %get3A_632 = tpu.vector_load %arg10[%get3A_630, %get3A_631] {strides = array<i32>} : memref<26x32xf32, #tpu.memory_space<vmem>>, vector<1x16xf32>,
          %get3A_633 = vector.shape_cast %get3A_632 : vector<1x16xf32> to vector<16xf32>
          %mul3A_634 = arith.mulf %get3A_628, %get3A_633 : vector<16xf32>
          %add3A_635 = arith.addf %add3A_609, %mul3A_634 : vector<16xf32>
          %add3A_636 = arith.constant 10 : i32
          %add3A_637 = arith.addi %mul3A_369, %add3A_636 : i32
          %get3A_638 = arith.index_cast %add3A_637 : i32 to index
          %get3A_639 = arith.constant 16 : index
          %get3A_640 = tpu.vector_load %arg8[%get3A_638, %get3A_639] {strides = array<i32>} : memref<1664x32xf32, #tpu.memory_space<vmem>>, vector<1x16xf32>,
          %get3A_641 = vector.shape_cast %get3A_640 : vector<1x16xf32> to vector<16xf32>
          %get3A_642 = arith.constant 10 : i32
          %get3A_643 = arith.index_cast %get3A_642 : i32 to index
          %get3A_644 = arith.constant 16 : index
          %get3A_645 = tpu.vector_load %arg10[%get3A_643, %get3A_644] {strides = array<i32>} : memref<26x32xf32, #tpu.memory_space<vmem>>, vector<1x16xf32>,
          %get3A_646 = vector.shape_cast %get3A_645 : vector<1x16xf32> to vector<16xf32>
          %mul3A_647 = arith.mulf %get3A_641, %get3A_646 : vector<16xf32>
          %add3A_648 = arith.addf %add3A_622, %mul3A_647 : vector<16xf32>
          %add3A_649 = arith.constant 11 : i32
          %add3A_650 = arith.addi %mul3A_369, %add3A_649 : i32
          %get3A_651 = arith.index_cast %add3A_650 : i32 to index
          %get3A_652 = arith.constant 0 : index
          %get3A_653 = tpu.vector_load %arg8[%get3A_651, %get3A_652] {strides = array<i32>} : memref<1664x32xf32, #tpu.memory_space<vmem>>, vector<1x16xf32>,
          %get3A_654 = vector.shape_cast %get3A_653 : vector<1x16xf32> to vector<16xf32>
          %get3A_655 = arith.constant 11 : i32
          %get3A_656 = arith.index_cast %get3A_655 : i32 to index
          %get3A_657 = arith.constant 0 : index
          %get3A_658 = tpu.vector_load %arg10[%get3A_656, %get3A_657] {strides = array<i32>} : memref<26x32xf32, #tpu.memory_space<vmem>>, vector<1x16xf32>,
          %get3A_659 = vector.shape_cast %get3A_658 : vector<1x16xf32> to vector<16xf32>
          %mul3A_660 = arith.mulf %get3A_654, %get3A_659 : vector<16xf32>
          %add3A_661 = arith.addf %add3A_635, %mul3A_660 : vector<16xf32>
          %add3A_662 = arith.constant 11 : i32
          %add3A_663 = arith.addi %mul3A_369, %add3A_662 : i32
          %get3A_664 = arith.index_cast %add3A_663 : i32 to index
          %get3A_665 = arith.constant 16 : index
          %get3A_666 = tpu.vector_load %arg8[%get3A_664, %get3A_665] {strides = array<i32>} : memref<1664x32xf32, #tpu.memory_space<vmem>>, vector<1x16xf32>,
          %get3A_667 = vector.shape_cast %get3A_666 : vector<1x16xf32> to vector<16xf32>
          %get3A_668 = arith.constant 11 : i32
          %get3A_669 = arith.index_cast %get3A_668 : i32 to index
          %get3A_670 = arith.constant 16 : index
          %get3A_671 = tpu.vector_load %arg10[%get3A_669, %get3A_670] {strides = array<i32>} : memref<26x32xf32, #tpu.memory_space<vmem>>, vector<1x16xf32>,
          %get3A_672 = vector.shape_cast %get3A_671 : vector<1x16xf32> to vector<16xf32>
          %mul3A_673 = arith.mulf %get3A_667, %get3A_672 : vector<16xf32>
          %add3A_674 = arith.addf %add3A_648, %mul3A_673 : vector<16xf32>
          %add3A_675 = arith.constant 12 : i32
          %add3A_676 = arith.addi %mul3A_369, %add3A_675 : i32
          %get3A_677 = arith.index_cast %add3A_676 : i32 to index
          %get3A_678 = arith.constant 0 : index
          %get3A_679 = tpu.vector_load %arg8[%get3A_677, %get3A_678] {strides = array<i32>} : memref<1664x32xf32, #tpu.memory_space<vmem>>, vector<1x16xf32>,
          %get3A_680 = vector.shape_cast %get3A_679 : vector<1x16xf32> to vector<16xf32>
          %get3A_681 = arith.constant 12 : i32
          %get3A_682 = arith.index_cast %get3A_681 : i32 to index
          %get3A_683 = arith.constant 0 : index
          %get3A_684 = tpu.vector_load %arg10[%get3A_682, %get3A_683] {strides = array<i32>} : memref<26x32xf32, #tpu.memory_space<vmem>>, vector<1x16xf32>,
          %get3A_685 = vector.shape_cast %get3A_684 : vector<1x16xf32> to vector<16xf32>
          %mul3A_686 = arith.mulf %get3A_680, %get3A_685 : vector<16xf32>
          %add3A_687 = arith.addf %add3A_661, %mul3A_686 : vector<16xf32>
          %add3A_688 = arith.constant 12 : i32
          %add3A_689 = arith.addi %mul3A_369, %add3A_688 : i32
          %get3A_690 = arith.index_cast %add3A_689 : i32 to index
          %get3A_691 = arith.constant 16 : index
          %get3A_692 = tpu.vector_load %arg8[%get3A_690, %get3A_691] {strides = array<i32>} : memref<1664x32xf32, #tpu.memory_space<vmem>>, vector<1x16xf32>,
          %get3A_693 = vector.shape_cast %get3A_692 : vector<1x16xf32> to vector<16xf32>
          %get3A_694 = arith.constant 12 : i32
          %get3A_695 = arith.index_cast %get3A_694 : i32 to index
          %get3A_696 = arith.constant 16 : index
          %get3A_697 = tpu.vector_load %arg10[%get3A_695, %get3A_696] {strides = array<i32>} : memref<26x32xf32, #tpu.memory_space<vmem>>, vector<1x16xf32>,
          %get3A_698 = vector.shape_cast %get3A_697 : vector<1x16xf32> to vector<16xf32>
          %mul3A_699 = arith.mulf %get3A_693, %get3A_698 : vector<16xf32>
          %add3A_700 = arith.addf %add3A_674, %mul3A_699 : vector<16xf32>
          %add3A_701 = arith.constant 13 : i32
          %add3A_702 = arith.addi %mul3A_369, %add3A_701 : i32
          %get3A_703 = arith.index_cast %add3A_702 : i32 to index
          %get3A_704 = arith.constant 0 : index
          %get3A_705 = tpu.vector_load %arg8[%get3A_703, %get3A_704] {strides = array<i32>} : memref<1664x32xf32, #tpu.memory_space<vmem>>, vector<1x16xf32>,
          %get3A_706 = vector.shape_cast %get3A_705 : vector<1x16xf32> to vector<16xf32>
          %get3A_707 = arith.constant 13 : i32
          %get3A_708 = arith.index_cast %get3A_707 : i32 to index
          %get3A_709 = arith.constant 0 : index
          %get3A_710 = tpu.vector_load %arg10[%get3A_708, %get3A_709] {strides = array<i32>} : memref<26x32xf32, #tpu.memory_space<vmem>>, vector<1x16xf32>,
          %get3A_711 = vector.shape_cast %get3A_710 : vector<1x16xf32> to vector<16xf32>
          %mul3A_712 = arith.mulf %get3A_706, %get3A_711 : vector<16xf32>
          %add3A_713 = arith.addf %add3A_687, %mul3A_712 : vector<16xf32>
          %add3A_714 = arith.constant 13 : i32
          %add3A_715 = arith.addi %mul3A_369, %add3A_714 : i32
          %get3A_716 = arith.index_cast %add3A_715 : i32 to index
          %get3A_717 = arith.constant 16 : index
          %get3A_718 = tpu.vector_load %arg8[%get3A_716, %get3A_717] {strides = array<i32>} : memref<1664x32xf32, #tpu.memory_space<vmem>>, vector<1x16xf32>,
          %get3A_719 = vector.shape_cast %get3A_718 : vector<1x16xf32> to vector<16xf32>
          %get3A_720 = arith.constant 13 : i32
          %get3A_721 = arith.index_cast %get3A_720 : i32 to index
          %get3A_722 = arith.constant 16 : index
          %get3A_723 = tpu.vector_load %arg10[%get3A_721, %get3A_722] {strides = array<i32>} : memref<26x32xf32, #tpu.memory_space<vmem>>, vector<1x16xf32>,
          %get3A_724 = vector.shape_cast %get3A_723 : vector<1x16xf32> to vector<16xf32>
          %mul3A_725 = arith.mulf %get3A_719, %get3A_724 : vector<16xf32>
          %add3A_726 = arith.addf %add3A_700, %mul3A_725 : vector<16xf32>
          %add3A_727 = arith.constant 14 : i32
          %add3A_728 = arith.addi %mul3A_369, %add3A_727 : i32
          %get3A_729 = arith.index_cast %add3A_728 : i32 to index
          %get3A_730 = arith.constant 0 : index
          %get3A_731 = tpu.vector_load %arg8[%get3A_729, %get3A_730] {strides = array<i32>} : memref<1664x32xf32, #tpu.memory_space<vmem>>, vector<1x16xf32>,
          %get3A_732 = vector.shape_cast %get3A_731 : vector<1x16xf32> to vector<16xf32>
          %get3A_733 = arith.constant 14 : i32
          %get3A_734 = arith.index_cast %get3A_733 : i32 to index
          %get3A_735 = arith.constant 0 : index
          %get3A_736 = tpu.vector_load %arg10[%get3A_734, %get3A_735] {strides = array<i32>} : memref<26x32xf32, #tpu.memory_space<vmem>>, vector<1x16xf32>,
          %get3A_737 = vector.shape_cast %get3A_736 : vector<1x16xf32> to vector<16xf32>
          %mul3A_738 = arith.mulf %get3A_732, %get3A_737 : vector<16xf32>
          %add3A_739 = arith.addf %add3A_713, %mul3A_738 : vector<16xf32>
          %add3A_740 = arith.constant 14 : i32
          %add3A_741 = arith.addi %mul3A_369, %add3A_740 : i32
          %get3A_742 = arith.index_cast %add3A_741 : i32 to index
          %get3A_743 = arith.constant 16 : index
          %get3A_744 = tpu.vector_load %arg8[%get3A_742, %get3A_743] {strides = array<i32>} : memref<1664x32xf32, #tpu.memory_space<vmem>>, vector<1x16xf32>,
          %get3A_745 = vector.shape_cast %get3A_744 : vector<1x16xf32> to vector<16xf32>
          %get3A_746 = arith.constant 14 : i32
          %get3A_747 = arith.index_cast %get3A_746 : i32 to index
          %get3A_748 = arith.constant 16 : index
          %get3A_749 = tpu.vector_load %arg10[%get3A_747, %get3A_748] {strides = array<i32>} : memref<26x32xf32, #tpu.memory_space<vmem>>, vector<1x16xf32>,
          %get3A_750 = vector.shape_cast %get3A_749 : vector<1x16xf32> to vector<16xf32>
          %mul3A_751 = arith.mulf %get3A_745, %get3A_750 : vector<16xf32>
          %add3A_752 = arith.addf %add3A_726, %mul3A_751 : vector<16xf32>
          %add3A_753 = arith.constant 15 : i32
          %add3A_754 = arith.addi %mul3A_369, %add3A_753 : i32
          %get3A_755 = arith.index_cast %add3A_754 : i32 to index
          %get3A_756 = arith.constant 0 : index
          %get3A_757 = tpu.vector_load %arg8[%get3A_755, %get3A_756] {strides = array<i32>} : memref<1664x32xf32, #tpu.memory_space<vmem>>, vector<1x16xf32>,
          %get3A_758 = vector.shape_cast %get3A_757 : vector<1x16xf32> to vector<16xf32>
          %get3A_759 = arith.constant 15 : i32
          %get3A_760 = arith.index_cast %get3A_759 : i32 to index
          %get3A_761 = arith.constant 0 : index
          %get3A_762 = tpu.vector_load %arg10[%get3A_760, %get3A_761] {strides = array<i32>} : memref<26x32xf32, #tpu.memory_space<vmem>>, vector<1x16xf32>,
          %get3A_763 = vector.shape_cast %get3A_762 : vector<1x16xf32> to vector<16xf32>
          %mul3A_764 = arith.mulf %get3A_758, %get3A_763 : vector<16xf32>
          %add3A_765 = arith.addf %add3A_739, %mul3A_764 : vector<16xf32>
          %add3A_766 = arith.constant 15 : i32
          %add3A_767 = arith.addi %mul3A_369, %add3A_766 : i32
          %get3A_768 = arith.index_cast %add3A_767 : i32 to index
          %get3A_769 = arith.constant 16 : index
          %get3A_770 = tpu.vector_load %arg8[%get3A_768, %get3A_769] {strides = array<i32>} : memref<1664x32xf32, #tpu.memory_space<vmem>>, vector<1x16xf32>,
          %get3A_771 = vector.shape_cast %get3A_770 : vector<1x16xf32> to vector<16xf32>
          %get3A_772 = arith.constant 15 : i32
          %get3A_773 = arith.index_cast %get3A_772 : i32 to index
          %get3A_774 = arith.constant 16 : index
          %get3A_775 = tpu.vector_load %arg10[%get3A_773, %get3A_774] {strides = array<i32>} : memref<26x32xf32, #tpu.memory_space<vmem>>, vector<1x16xf32>,
          %get3A_776 = vector.shape_cast %get3A_775 : vector<1x16xf32> to vector<16xf32>
          %mul3A_777 = arith.mulf %get3A_771, %get3A_776 : vector<16xf32>
          %add3A_778 = arith.addf %add3A_752, %mul3A_777 : vector<16xf32>
          %add3A_779 = arith.constant 16 : i32
          %add3A_780 = arith.addi %mul3A_369, %add3A_779 : i32
          %get3A_781 = arith.index_cast %add3A_780 : i32 to index
          %get3A_782 = arith.constant 0 : index
          %get3A_783 = tpu.vector_load %arg8[%get3A_781, %get3A_782] {strides = array<i32>} : memref<1664x32xf32, #tpu.memory_space<vmem>>, vector<1x16xf32>,
          %get3A_784 = vector.shape_cast %get3A_783 : vector<1x16xf32> to vector<16xf32>
          %get3A_785 = arith.constant 16 : i32
          %get3A_786 = arith.index_cast %get3A_785 : i32 to index
          %get3A_787 = arith.constant 0 : index
          %get3A_788 = tpu.vector_load %arg10[%get3A_786, %get3A_787] {strides = array<i32>} : memref<26x32xf32, #tpu.memory_space<vmem>>, vector<1x16xf32>,
          %get3A_789 = vector.shape_cast %get3A_788 : vector<1x16xf32> to vector<16xf32>
          %mul3A_790 = arith.mulf %get3A_784, %get3A_789 : vector<16xf32>
          %add3A_791 = arith.addf %add3A_765, %mul3A_790 : vector<16xf32>
          %add3A_792 = arith.constant 16 : i32
          %add3A_793 = arith.addi %mul3A_369, %add3A_792 : i32
          %get3A_794 = arith.index_cast %add3A_793 : i32 to index
          %get3A_795 = arith.constant 16 : index
          %get3A_796 = tpu.vector_load %arg8[%get3A_794, %get3A_795] {strides = array<i32>} : memref<1664x32xf32, #tpu.memory_space<vmem>>, vector<1x16xf32>,
          %get3A_797 = vector.shape_cast %get3A_796 : vector<1x16xf32> to vector<16xf32>
          %get3A_798 = arith.constant 16 : i32
          %get3A_799 = arith.index_cast %get3A_798 : i32 to index
          %get3A_800 = arith.constant 16 : index
          %get3A_801 = tpu.vector_load %arg10[%get3A_799, %get3A_800] {strides = array<i32>} : memref<26x32xf32, #tpu.memory_space<vmem>>, vector<1x16xf32>,
          %get3A_802 = vector.shape_cast %get3A_801 : vector<1x16xf32> to vector<16xf32>
          %mul3A_803 = arith.mulf %get3A_797, %get3A_802 : vector<16xf32>
          %add3A_804 = arith.addf %add3A_778, %mul3A_803 : vector<16xf32>
          %add3A_805 = arith.constant 17 : i32
          %add3A_806 = arith.addi %mul3A_369, %add3A_805 : i32
          %get3A_807 = arith.index_cast %add3A_806 : i32 to index
          %get3A_808 = arith.constant 0 : index
          %get3A_809 = tpu.vector_load %arg8[%get3A_807, %get3A_808] {strides = array<i32>} : memref<1664x32xf32, #tpu.memory_space<vmem>>, vector<1x16xf32>,
          %get3A_810 = vector.shape_cast %get3A_809 : vector<1x16xf32> to vector<16xf32>
          %get3A_811 = arith.constant 17 : i32
          %get3A_812 = arith.index_cast %get3A_811 : i32 to index
          %get3A_813 = arith.constant 0 : index
          %get3A_814 = tpu.vector_load %arg10[%get3A_812, %get3A_813] {strides = array<i32>} : memref<26x32xf32, #tpu.memory_space<vmem>>, vector<1x16xf32>,
          %get3A_815 = vector.shape_cast %get3A_814 : vector<1x16xf32> to vector<16xf32>
          %mul3A_816 = arith.mulf %get3A_810, %get3A_815 : vector<16xf32>
          %add3A_817 = arith.addf %add3A_791, %mul3A_816 : vector<16xf32>
          %add3A_818 = arith.constant 17 : i32
          %add3A_819 = arith.addi %mul3A_369, %add3A_818 : i32
          %get3A_820 = arith.index_cast %add3A_819 : i32 to index
          %get3A_821 = arith.constant 16 : index
          %get3A_822 = tpu.vector_load %arg8[%get3A_820, %get3A_821] {strides = array<i32>} : memref<1664x32xf32, #tpu.memory_space<vmem>>, vector<1x16xf32>,
          %get3A_823 = vector.shape_cast %get3A_822 : vector<1x16xf32> to vector<16xf32>
          %get3A_824 = arith.constant 17 : i32
          %get3A_825 = arith.index_cast %get3A_824 : i32 to index
          %get3A_826 = arith.constant 16 : index
          %get3A_827 = tpu.vector_load %arg10[%get3A_825, %get3A_826] {strides = array<i32>} : memref<26x32xf32, #tpu.memory_space<vmem>>, vector<1x16xf32>,
          %get3A_828 = vector.shape_cast %get3A_827 : vector<1x16xf32> to vector<16xf32>
          %mul3A_829 = arith.mulf %get3A_823, %get3A_828 : vector<16xf32>
          %add3A_830 = arith.addf %add3A_804, %mul3A_829 : vector<16xf32>
          %add3A_831 = arith.constant 18 : i32
          %add3A_832 = arith.addi %mul3A_369, %add3A_831 : i32
          %get3A_833 = arith.index_cast %add3A_832 : i32 to index
          %get3A_834 = arith.constant 0 : index
          %get3A_835 = tpu.vector_load %arg8[%get3A_833, %get3A_834] {strides = array<i32>} : memref<1664x32xf32, #tpu.memory_space<vmem>>, vector<1x16xf32>,
          %get3A_836 = vector.shape_cast %get3A_835 : vector<1x16xf32> to vector<16xf32>
          %get3A_837 = arith.constant 18 : i32
          %get3A_838 = arith.index_cast %get3A_837 : i32 to index
          %get3A_839 = arith.constant 0 : index
          %get3A_840 = tpu.vector_load %arg10[%get3A_838, %get3A_839] {strides = array<i32>} : memref<26x32xf32, #tpu.memory_space<vmem>>, vector<1x16xf32>,
          %get3A_841 = vector.shape_cast %get3A_840 : vector<1x16xf32> to vector<16xf32>
          %mul3A_842 = arith.mulf %get3A_836, %get3A_841 : vector<16xf32>
          %add3A_843 = arith.addf %add3A_817, %mul3A_842 : vector<16xf32>
          %add3A_844 = arith.constant 18 : i32
          %add3A_845 = arith.addi %mul3A_369, %add3A_844 : i32
          %get3A_846 = arith.index_cast %add3A_845 : i32 to index
          %get3A_847 = arith.constant 16 : index
          %get3A_848 = tpu.vector_load %arg8[%get3A_846, %get3A_847] {strides = array<i32>} : memref<1664x32xf32, #tpu.memory_space<vmem>>, vector<1x16xf32>,
          %get3A_849 = vector.shape_cast %get3A_848 : vector<1x16xf32> to vector<16xf32>
          %get3A_850 = arith.constant 18 : i32
          %get3A_851 = arith.index_cast %get3A_850 : i32 to index
          %get3A_852 = arith.constant 16 : index
          %get3A_853 = tpu.vector_load %arg10[%get3A_851, %get3A_852] {strides = array<i32>} : memref<26x32xf32, #tpu.memory_space<vmem>>, vector<1x16xf32>,
          %get3A_854 = vector.shape_cast %get3A_853 : vector<1x16xf32> to vector<16xf32>
          %mul3A_855 = arith.mulf %get3A_849, %get3A_854 : vector<16xf32>
          %add3A_856 = arith.addf %add3A_830, %mul3A_855 : vector<16xf32>
          %add3A_857 = arith.constant 19 : i32
          %add3A_858 = arith.addi %mul3A_369, %add3A_857 : i32
          %get3A_859 = arith.index_cast %add3A_858 : i32 to index
          %get3A_860 = arith.constant 0 : index
          %get3A_861 = tpu.vector_load %arg8[%get3A_859, %get3A_860] {strides = array<i32>} : memref<1664x32xf32, #tpu.memory_space<vmem>>, vector<1x16xf32>,
          %get3A_862 = vector.shape_cast %get3A_861 : vector<1x16xf32> to vector<16xf32>
          %get3A_863 = arith.constant 19 : i32
          %get3A_864 = arith.index_cast %get3A_863 : i32 to index
          %get3A_865 = arith.constant 0 : index
          %get3A_866 = tpu.vector_load %arg10[%get3A_864, %get3A_865] {strides = array<i32>} : memref<26x32xf32, #tpu.memory_space<vmem>>, vector<1x16xf32>,
          %get3A_867 = vector.shape_cast %get3A_866 : vector<1x16xf32> to vector<16xf32>
          %mul3A_868 = arith.mulf %get3A_862, %get3A_867 : vector<16xf32>
          %add3A_869 = arith.addf %add3A_843, %mul3A_868 : vector<16xf32>
          %add3A_870 = arith.constant 19 : i32
          %add3A_871 = arith.addi %mul3A_369, %add3A_870 : i32
          %get3A_872 = arith.index_cast %add3A_871 : i32 to index
          %get3A_873 = arith.constant 16 : index
          %get3A_874 = tpu.vector_load %arg8[%get3A_872, %get3A_873] {strides = array<i32>} : memref<1664x32xf32, #tpu.memory_space<vmem>>, vector<1x16xf32>,
          %get3A_875 = vector.shape_cast %get3A_874 : vector<1x16xf32> to vector<16xf32>
          %get3A_876 = arith.constant 19 : i32
          %get3A_877 = arith.index_cast %get3A_876 : i32 to index
          %get3A_878 = arith.constant 16 : index
          %get3A_879 = tpu.vector_load %arg10[%get3A_877, %get3A_878] {strides = array<i32>} : memref<26x32xf32, #tpu.memory_space<vmem>>, vector<1x16xf32>,
          %get3A_880 = vector.shape_cast %get3A_879 : vector<1x16xf32> to vector<16xf32>
          %mul3A_881 = arith.mulf %get3A_875, %get3A_880 : vector<16xf32>
          %add3A_882 = arith.addf %add3A_856, %mul3A_881 : vector<16xf32>
          %add3A_883 = arith.constant 20 : i32
          %add3A_884 = arith.addi %mul3A_369, %add3A_883 : i32
          %get3A_885 = arith.index_cast %add3A_884 : i32 to index
          %get3A_886 = arith.constant 0 : index
          %get3A_887 = tpu.vector_load %arg8[%get3A_885, %get3A_886] {strides = array<i32>} : memref<1664x32xf32, #tpu.memory_space<vmem>>, vector<1x16xf32>,
          %get3A_888 = vector.shape_cast %get3A_887 : vector<1x16xf32> to vector<16xf32>
          %get3A_889 = arith.constant 20 : i32
          %get3A_890 = arith.index_cast %get3A_889 : i32 to index
          %get3A_891 = arith.constant 0 : index
          %get3A_892 = tpu.vector_load %arg10[%get3A_890, %get3A_891] {strides = array<i32>} : memref<26x32xf32, #tpu.memory_space<vmem>>, vector<1x16xf32>,
          %get3A_893 = vector.shape_cast %get3A_892 : vector<1x16xf32> to vector<16xf32>
          %mul3A_894 = arith.mulf %get3A_888, %get3A_893 : vector<16xf32>
          %add3A_895 = arith.addf %add3A_869, %mul3A_894 : vector<16xf32>
          %add3A_896 = arith.constant 20 : i32
          %add3A_897 = arith.addi %mul3A_369, %add3A_896 : i32
          %get3A_898 = arith.index_cast %add3A_897 : i32 to index
          %get3A_899 = arith.constant 16 : index
          %get3A_900 = tpu.vector_load %arg8[%get3A_898, %get3A_899] {strides = array<i32>} : memref<1664x32xf32, #tpu.memory_space<vmem>>, vector<1x16xf32>,
          %get3A_901 = vector.shape_cast %get3A_900 : vector<1x16xf32> to vector<16xf32>
          %get3A_902 = arith.constant 20 : i32
          %get3A_903 = arith.index_cast %get3A_902 : i32 to index
          %get3A_904 = arith.constant 16 : index
          %get3A_905 = tpu.vector_load %arg10[%get3A_903, %get3A_904] {strides = array<i32>} : memref<26x32xf32, #tpu.memory_space<vmem>>, vector<1x16xf32>,
          %get3A_906 = vector.shape_cast %get3A_905 : vector<1x16xf32> to vector<16xf32>
          %mul3A_907 = arith.mulf %get3A_901, %get3A_906 : vector<16xf32>
          %add3A_908 = arith.addf %add3A_882, %mul3A_907 : vector<16xf32>
          %add3A_909 = arith.constant 21 : i32
          %add3A_910 = arith.addi %mul3A_369, %add3A_909 : i32
          %get3A_911 = arith.index_cast %add3A_910 : i32 to index
          %get3A_912 = arith.constant 0 : index
          %get3A_913 = tpu.vector_load %arg8[%get3A_911, %get3A_912] {strides = array<i32>} : memref<1664x32xf32, #tpu.memory_space<vmem>>, vector<1x16xf32>,
          %get3A_914 = vector.shape_cast %get3A_913 : vector<1x16xf32> to vector<16xf32>
          %get3A_915 = arith.constant 21 : i32
          %get3A_916 = arith.index_cast %get3A_915 : i32 to index
          %get3A_917 = arith.constant 0 : index
          %get3A_918 = tpu.vector_load %arg10[%get3A_916, %get3A_917] {strides = array<i32>} : memref<26x32xf32, #tpu.memory_space<vmem>>, vector<1x16xf32>,
          %get3A_919 = vector.shape_cast %get3A_918 : vector<1x16xf32> to vector<16xf32>
          %mul3A_920 = arith.mulf %get3A_914, %get3A_919 : vector<16xf32>
          %add3A_921 = arith.addf %add3A_895, %mul3A_920 : vector<16xf32>
          %add3A_922 = arith.constant 21 : i32
          %add3A_923 = arith.addi %mul3A_369, %add3A_922 : i32
          %get3A_924 = arith.index_cast %add3A_923 : i32 to index
          %get3A_925 = arith.constant 16 : index
          %get3A_926 = tpu.vector_load %arg8[%get3A_924, %get3A_925] {strides = array<i32>} : memref<1664x32xf32, #tpu.memory_space<vmem>>, vector<1x16xf32>,
          %get3A_927 = vector.shape_cast %get3A_926 : vector<1x16xf32> to vector<16xf32>
          %get3A_928 = arith.constant 21 : i32
          %get3A_929 = arith.index_cast %get3A_928 : i32 to index
          %get3A_930 = arith.constant 16 : index
          %get3A_931 = tpu.vector_load %arg10[%get3A_929, %get3A_930] {strides = array<i32>} : memref<26x32xf32, #tpu.memory_space<vmem>>, vector<1x16xf32>,
          %get3A_932 = vector.shape_cast %get3A_931 : vector<1x16xf32> to vector<16xf32>
          %mul3A_933 = arith.mulf %get3A_927, %get3A_932 : vector<16xf32>
          %add3A_934 = arith.addf %add3A_908, %mul3A_933 : vector<16xf32>
          %add3A_935 = arith.constant 22 : i32
          %add3A_936 = arith.addi %mul3A_369, %add3A_935 : i32
          %get3A_937 = arith.index_cast %add3A_936 : i32 to index
          %get3A_938 = arith.constant 0 : index
          %get3A_939 = tpu.vector_load %arg8[%get3A_937, %get3A_938] {strides = array<i32>} : memref<1664x32xf32, #tpu.memory_space<vmem>>, vector<1x16xf32>,
          %get3A_940 = vector.shape_cast %get3A_939 : vector<1x16xf32> to vector<16xf32>
          %get3A_941 = arith.constant 22 : i32
          %get3A_942 = arith.index_cast %get3A_941 : i32 to index
          %get3A_943 = arith.constant 0 : index
          %get3A_944 = tpu.vector_load %arg10[%get3A_942, %get3A_943] {strides = array<i32>} : memref<26x32xf32, #tpu.memory_space<vmem>>, vector<1x16xf32>,
          %get3A_945 = vector.shape_cast %get3A_944 : vector<1x16xf32> to vector<16xf32>
          %mul3A_946 = arith.mulf %get3A_940, %get3A_945 : vector<16xf32>
          %add3A_947 = arith.addf %add3A_921, %mul3A_946 : vector<16xf32>
          %add3A_948 = arith.constant 22 : i32
          %add3A_949 = arith.addi %mul3A_369, %add3A_948 : i32
          %get3A_950 = arith.index_cast %add3A_949 : i32 to index
          %get3A_951 = arith.constant 16 : index
          %get3A_952 = tpu.vector_load %arg8[%get3A_950, %get3A_951] {strides = array<i32>} : memref<1664x32xf32, #tpu.memory_space<vmem>>, vector<1x16xf32>,
          %get3A_953 = vector.shape_cast %get3A_952 : vector<1x16xf32> to vector<16xf32>
          %get3A_954 = arith.constant 22 : i32
          %get3A_955 = arith.index_cast %get3A_954 : i32 to index
          %get3A_956 = arith.constant 16 : index
          %get3A_957 = tpu.vector_load %arg10[%get3A_955, %get3A_956] {strides = array<i32>} : memref<26x32xf32, #tpu.memory_space<vmem>>, vector<1x16xf32>,
          %get3A_958 = vector.shape_cast %get3A_957 : vector<1x16xf32> to vector<16xf32>
          %mul3A_959 = arith.mulf %get3A_953, %get3A_958 : vector<16xf32>
          %add3A_960 = arith.addf %add3A_934, %mul3A_959 : vector<16xf32>
          %add3A_961 = arith.constant 23 : i32
          %add3A_962 = arith.addi %mul3A_369, %add3A_961 : i32
          %get3A_963 = arith.index_cast %add3A_962 : i32 to index
          %get3A_964 = arith.constant 0 : index
          %get3A_965 = tpu.vector_load %arg8[%get3A_963, %get3A_964] {strides = array<i32>} : memref<1664x32xf32, #tpu.memory_space<vmem>>, vector<1x16xf32>,
          %get3A_966 = vector.shape_cast %get3A_965 : vector<1x16xf32> to vector<16xf32>
          %get3A_967 = arith.constant 23 : i32
          %get3A_968 = arith.index_cast %get3A_967 : i32 to index
          %get3A_969 = arith.constant 0 : index
          %get3A_970 = tpu.vector_load %arg10[%get3A_968, %get3A_969] {strides = array<i32>} : memref<26x32xf32, #tpu.memory_space<vmem>>, vector<1x16xf32>,
          %get3A_971 = vector.shape_cast %get3A_970 : vector<1x16xf32> to vector<16xf32>
          %mul3A_972 = arith.mulf %get3A_966, %get3A_971 : vector<16xf32>
          %add3A_973 = arith.addf %add3A_947, %mul3A_972 : vector<16xf32>
          %add3A_974 = arith.constant 23 : i32
          %add3A_975 = arith.addi %mul3A_369, %add3A_974 : i32
          %get3A_976 = arith.index_cast %add3A_975 : i32 to index
          %get3A_977 = arith.constant 16 : index
          %get3A_978 = tpu.vector_load %arg8[%get3A_976, %get3A_977] {strides = array<i32>} : memref<1664x32xf32, #tpu.memory_space<vmem>>, vector<1x16xf32>,
          %get3A_979 = vector.shape_cast %get3A_978 : vector<1x16xf32> to vector<16xf32>
          %get3A_980 = arith.constant 23 : i32
          %get3A_981 = arith.index_cast %get3A_980 : i32 to index
          %get3A_982 = arith.constant 16 : index
          %get3A_983 = tpu.vector_load %arg10[%get3A_981, %get3A_982] {strides = array<i32>} : memref<26x32xf32, #tpu.memory_space<vmem>>, vector<1x16xf32>,
          %get3A_984 = vector.shape_cast %get3A_983 : vector<1x16xf32> to vector<16xf32>
          %mul3A_985 = arith.mulf %get3A_979, %get3A_984 : vector<16xf32>
          %add3A_986 = arith.addf %add3A_960, %mul3A_985 : vector<16xf32>
          %add3A_987 = arith.constant 24 : i32
          %add3A_988 = arith.addi %mul3A_369, %add3A_987 : i32
          %get3A_989 = arith.index_cast %add3A_988 : i32 to index
          %get3A_990 = arith.constant 0 : index
          %get3A_991 = tpu.vector_load %arg8[%get3A_989, %get3A_990] {strides = array<i32>} : memref<1664x32xf32, #tpu.memory_space<vmem>>, vector<1x16xf32>,
          %get3A_992 = vector.shape_cast %get3A_991 : vector<1x16xf32> to vector<16xf32>
          %get3A_993 = arith.constant 24 : i32
          %get3A_994 = arith.index_cast %get3A_993 : i32 to index
          %get3A_995 = arith.constant 0 : index
          %get3A_996 = tpu.vector_load %arg10[%get3A_994, %get3A_995] {strides = array<i32>} : memref<26x32xf32, #tpu.memory_space<vmem>>, vector<1x16xf32>,
          %get3A_997 = vector.shape_cast %get3A_996 : vector<1x16xf32> to vector<16xf32>
          %mul3A_998 = arith.mulf %get3A_992, %get3A_997 : vector<16xf32>
          %add3A_999 = arith.addf %add3A_973, %mul3A_998 : vector<16xf32>
          %add3A_1000 = arith.constant 24 : i32
          %add3A_1001 = arith.addi %mul3A_369, %add3A_1000 : i32
          %get3A_1002 = arith.index_cast %add3A_1001 : i32 to index
          %get3A_1003 = arith.constant 16 : index
          %get3A_1004 = tpu.vector_load %arg8[%get3A_1002, %get3A_1003] {strides = array<i32>} : memref<1664x32xf32, #tpu.memory_space<vmem>>, vector<1x16xf32>,
          %get3A_1005 = vector.shape_cast %get3A_1004 : vector<1x16xf32> to vector<16xf32>
          %get3A_1006 = arith.constant 24 : i32
          %get3A_1007 = arith.index_cast %get3A_1006 : i32 to index
          %get3A_1008 = arith.constant 16 : index
          %get3A_1009 = tpu.vector_load %arg10[%get3A_1007, %get3A_1008] {strides = array<i32>} : memref<26x32xf32, #tpu.memory_space<vmem>>, vector<1x16xf32>,
          %get3A_1010 = vector.shape_cast %get3A_1009 : vector<1x16xf32> to vector<16xf32>
          %mul3A_1011 = arith.mulf %get3A_1005, %get3A_1010 : vector<16xf32>
          %add3A_1012 = arith.addf %add3A_986, %mul3A_1011 : vector<16xf32>
          %add3A_1013 = arith.constant 25 : i32
          %add3A_1014 = arith.addi %mul3A_369, %add3A_1013 : i32
          %get3A_1015 = arith.index_cast %add3A_1014 : i32 to index
          %get3A_1016 = arith.constant 0 : index
          %get3A_1017 = tpu.vector_load %arg8[%get3A_1015, %get3A_1016] {strides = array<i32>} : memref<1664x32xf32, #tpu.memory_space<vmem>>, vector<1x16xf32>,
          %get3A_1018 = vector.shape_cast %get3A_1017 : vector<1x16xf32> to vector<16xf32>
          %get3A_1019 = arith.constant 25 : i32
          %get3A_1020 = arith.index_cast %get3A_1019 : i32 to index
          %get3A_1021 = arith.constant 0 : index
          %get3A_1022 = tpu.vector_load %arg10[%get3A_1020, %get3A_1021] {strides = array<i32>} : memref<26x32xf32, #tpu.memory_space<vmem>>, vector<1x16xf32>,
          %get3A_1023 = vector.shape_cast %get3A_1022 : vector<1x16xf32> to vector<16xf32>
          %mul3A_1024 = arith.mulf %get3A_1018, %get3A_1023 : vector<16xf32>
          %add3A_1025 = arith.addf %add3A_999, %mul3A_1024 : vector<16xf32>
          %add3A_1026 = arith.constant 25 : i32
          %add3A_1027 = arith.addi %mul3A_369, %add3A_1026 : i32
          %get3A_1028 = arith.index_cast %add3A_1027 : i32 to index
          %get3A_1029 = arith.constant 16 : index
          %get3A_1030 = tpu.vector_load %arg8[%get3A_1028, %get3A_1029] {strides = array<i32>} : memref<1664x32xf32, #tpu.memory_space<vmem>>, vector<1x16xf32>,
          %get3A_1031 = vector.shape_cast %get3A_1030 : vector<1x16xf32> to vector<16xf32>
          %get3A_1032 = arith.constant 25 : i32
          %get3A_1033 = arith.index_cast %get3A_1032 : i32 to index
          %get3A_1034 = arith.constant 16 : index
          %get3A_1035 = tpu.vector_load %arg10[%get3A_1033, %get3A_1034] {strides = array<i32>} : memref<26x32xf32, #tpu.memory_space<vmem>>, vector<1x16xf32>,
          %get3A_1036 = vector.shape_cast %get3A_1035 : vector<1x16xf32> to vector<16xf32>
          %mul3A_1037 = arith.mulf %get3A_1031, %get3A_1036 : vector<16xf32>
          %add3A_1038 = arith.addf %add3A_1012, %mul3A_1037 : vector<16xf32>
          %swap3A = arith.index_cast %add3A_367 : i32 to index
          %swap3A_1039 = arith.constant 0 : index
          %swap3A_1040 = tpu.vector_load %arg11[%swap3A, %swap3A_1039] {strides = array<i32>} : memref<64x32xf32, #tpu.memory_space<vmem>>, vector<1x16xf32>,
          %swap3A_1041 = vector.shape_cast %swap3A_1040 : vector<1x16xf32> to vector<16xf32>
          %swap3A_1042 = vector.shape_cast %add3A_1025 : vector<16xf32> to vector<1x16xf32>
          tpu.vector_store %arg11[%swap3A, %swap3A_1039], %swap3A_1042 {strides = array<i32>} : memref<64x32xf32, #tpu.memory_space<vmem>>, vector<1x16xf32>,
          %swap3A_1043 = arith.index_cast %add3A_367 : i32 to index
          %swap3A_1044 = arith.constant 16 : index
          %swap3A_1045 = tpu.vector_load %arg11[%swap3A_1043, %swap3A_1044] {strides = array<i32>} : memref<64x32xf32, #tpu.memory_space<vmem>>, vector<1x16xf32>,
          %swap3A_1046 = vector.shape_cast %swap3A_1045 : vector<1x16xf32> to vector<16xf32>
          %swap3A_1047 = vector.shape_cast %add3A_1038 : vector<16xf32> to vector<1x16xf32>
          tpu.vector_store %arg11[%swap3A_1043, %swap3A_1044], %swap3A_1047 {strides = array<i32>} : memref<64x32xf32, #tpu.memory_space<vmem>>, vector<1x16xf32>,
        }
        %scan3A_353 = arith.constant 64 : i32
        %mul3A_354 = arith.constant 512 : i32
        %mul3A_355 = arith.muli %add3A, %mul3A_354 : i32
        %mul3A_356 = arith.constant 64 : i32
        %mul3A_357 = arith.muli %add3A_141, %mul3A_356 : i32
        %add3A_358 = arith.addi %mul3A_355, %mul3A_357 : i32
        %dma_start3A_359 = arith.constant 0 : i32
        %dma_start3A_360 = tpu.memref_slice %arg5[%add3A_358, %dma_start3A_359] : memref<16384x32xf32, #tpu.memory_space<hbm>> -> memref<64x32xf32, #tpu.memory_space<hbm>>
        %dma_start3A_361 = arith.constant 0 : i32
        %dma_start3A_362 = tpu.memref_slice %arg5[%add3A_358, %dma_start3A_361] : memref<16384x32xf32, #tpu.memory_space<hbm>> -> memref<64x32xf32, #tpu.memory_space<hbm>>
        tpu.enqueue_dma source(%arg11 : memref<64x32xf32, #tpu.memory_space<vmem>>) target(%dma_start3A_362 : memref<64x32xf32, #tpu.memory_space<hbm>>) target_semaphore(%arg17 : memref<!tpu.dma_semaphore, #tpu.memory_space<semaphore_mem>>)
      } else {
      }
      %jit3A_154 = arith.constant 2 : i32
      %eq3A_155 = arith.constant 0 : i32
      %eq3A_156 = arith.cmpi eq, %jit3A_154, %eq3A_155 : i32
      %jit3A_157 = arith.constant 1 : i32
      %select_n3A_158 = arith.select %eq3A_156, %jit3A_157, %jit3A_154 : i32
      %rem3A_159 = arith.remsi %add3A_141, %select_n3A_158 : i32
      %ne3A_160 = arith.constant 0 : i32
      %ne3A_161 = arith.cmpi ne, %rem3A_159, %ne3A_160 : i32
      %lt3A_162 = arith.constant 0 : i32
      %lt3A_163 = arith.cmpi slt, %rem3A_159, %lt3A_162 : i32
      %lt3A_164 = arith.constant 0 : i32
      %lt3A_165 = arith.cmpi slt, %select_n3A_158, %lt3A_164 : i32
      %ne3A_166 = arith.xori %lt3A_163, %lt3A_165 : i1
      %and3A_167 = arith.andi %ne3A_166, %ne3A_161 : i1
      %add3A_168 = arith.addi %rem3A_159, %select_n3A_158 : i32
      %select_n3A_169 = arith.select %and3A_167, %add3A_168, %rem3A_159 : i32
      %eq3A_170 = arith.constant 1 : i32
      %eq3A_171 = arith.cmpi eq, %select_n3A_169, %eq3A_170 : i32
      %convert_element_type3A_172 = arith.extui %eq3A_171 : i1 to i32
      %cond3A_173 = arith.constant 0 : i32
      %cond3A_174 = arith.cmpi ne, %convert_element_type3A_172, %cond3A_173 : i32
      scf.if %cond3A_174 {
        %dma_wait3A_175 = arith.constant 0 : i32
        %dma_wait3A_176 = arith.constant 0 : i32
        %dma_wait3A_177 = tpu.memref_slice %arg9[%dma_wait3A_175, %dma_wait3A_176] : memref<1664x32xf32, #tpu.memory_space<vmem>> -> memref<128x32xf32, #tpu.memory_space<vmem>>
        %dma_wait3A_178 = arith.constant 0 : i32
        %dma_wait3A_179 = arith.constant 0 : i32
        %dma_wait3A_180 = tpu.memref_slice %arg3[%dma_wait3A_178, %dma_wait3A_179] : memref<1000000x32xf32, #tpu.memory_space<hbm>> -> memref<128x32xf32, #tpu.memory_space<hbm>>
        %dma_wait3A_181 = arith.constant 0 : i32
        %dma_wait3A_182 = arith.constant 0 : i32
        %dma_wait3A_183 = tpu.memref_slice %arg9[%dma_wait3A_181, %dma_wait3A_182] : memref<1664x32xf32, #tpu.memory_space<vmem>> -> memref<128x32xf32, #tpu.memory_space<vmem>>
        %dma_wait3A_184 = arith.constant 0 : i32
        %dma_wait3A_185 = arith.constant 0 : i32
        %dma_wait3A_186 = tpu.memref_slice %arg3[%dma_wait3A_184, %dma_wait3A_185] : memref<1000000x32xf32, #tpu.memory_space<hbm>> -> memref<128x32xf32, #tpu.memory_space<hbm>>
        tpu.wait_dma2 semaphore(%arg16 : memref<!tpu.dma_semaphore, #tpu.memory_space<semaphore_mem>>) src(%dma_wait3A_186 : memref<128x32xf32, #tpu.memory_space<hbm>>) dst(%dma_wait3A_183 : memref<128x32xf32, #tpu.memory_space<vmem>>)
        %dma_wait3A_187 = arith.constant 128 : i32
        %dma_wait3A_188 = arith.constant 0 : i32
        %dma_wait3A_189 = tpu.memref_slice %arg9[%dma_wait3A_187, %dma_wait3A_188] : memref<1664x32xf32, #tpu.memory_space<vmem>> -> memref<128x32xf32, #tpu.memory_space<vmem>>
        %dma_wait3A_190 = arith.constant 0 : i32
        %dma_wait3A_191 = arith.constant 0 : i32
        %dma_wait3A_192 = tpu.memref_slice %arg3[%dma_wait3A_190, %dma_wait3A_191] : memref<1000000x32xf32, #tpu.memory_space<hbm>> -> memref<128x32xf32, #tpu.memory_space<hbm>>
        %dma_wait3A_193 = arith.constant 128 : i32
        %dma_wait3A_194 = arith.constant 0 : i32
        %dma_wait3A_195 = tpu.memref_slice %arg9[%dma_wait3A_193, %dma_wait3A_194] : memref<1664x32xf32, #tpu.memory_space<vmem>> -> memref<128x32xf32, #tpu.memory_space<vmem>>
        %dma_wait3A_196 = arith.constant 0 : i32
        %dma_wait3A_197 = arith.constant 0 : i32
        %dma_wait3A_198 = tpu.memref_slice %arg3[%dma_wait3A_196, %dma_wait3A_197] : memref<1000000x32xf32, #tpu.memory_space<hbm>> -> memref<128x32xf32, #tpu.memory_space<hbm>>
        tpu.wait_dma2 semaphore(%arg16 : memref<!tpu.dma_semaphore, #tpu.memory_space<semaphore_mem>>) src(%dma_wait3A_198 : memref<128x32xf32, #tpu.memory_space<hbm>>) dst(%dma_wait3A_195 : memref<128x32xf32, #tpu.memory_space<vmem>>)
        %dma_wait3A_199 = arith.constant 256 : i32
        %dma_wait3A_200 = arith.constant 0 : i32
        %dma_wait3A_201 = tpu.memref_slice %arg9[%dma_wait3A_199, %dma_wait3A_200] : memref<1664x32xf32, #tpu.memory_space<vmem>> -> memref<128x32xf32, #tpu.memory_space<vmem>>
        %dma_wait3A_202 = arith.constant 0 : i32
        %dma_wait3A_203 = arith.constant 0 : i32
        %dma_wait3A_204 = tpu.memref_slice %arg3[%dma_wait3A_202, %dma_wait3A_203] : memref<1000000x32xf32, #tpu.memory_space<hbm>> -> memref<128x32xf32, #tpu.memory_space<hbm>>
        %dma_wait3A_205 = arith.constant 256 : i32
        %dma_wait3A_206 = arith.constant 0 : i32
        %dma_wait3A_207 = tpu.memref_slice %arg9[%dma_wait3A_205, %dma_wait3A_206] : memref<1664x32xf32, #tpu.memory_space<vmem>> -> memref<128x32xf32, #tpu.memory_space<vmem>>
        %dma_wait3A_208 = arith.constant 0 : i32
        %dma_wait3A_209 = arith.constant 0 : i32
        %dma_wait3A_210 = tpu.memref_slice %arg3[%dma_wait3A_208, %dma_wait3A_209] : memref<1000000x32xf32, #tpu.memory_space<hbm>> -> memref<128x32xf32, #tpu.memory_space<hbm>>
        tpu.wait_dma2 semaphore(%arg16 : memref<!tpu.dma_semaphore, #tpu.memory_space<semaphore_mem>>) src(%dma_wait3A_210 : memref<128x32xf32, #tpu.memory_space<hbm>>) dst(%dma_wait3A_207 : memref<128x32xf32, #tpu.memory_space<vmem>>)
        %dma_wait3A_211 = arith.constant 384 : i32
        %dma_wait3A_212 = arith.constant 0 : i32
        %dma_wait3A_213 = tpu.memref_slice %arg9[%dma_wait3A_211, %dma_wait3A_212] : memref<1664x32xf32, #tpu.memory_space<vmem>> -> memref<128x32xf32, #tpu.memory_space<vmem>>
        %dma_wait3A_214 = arith.constant 0 : i32
        %dma_wait3A_215 = arith.constant 0 : i32
        %dma_wait3A_216 = tpu.memref_slice %arg3[%dma_wait3A_214, %dma_wait3A_215] : memref<1000000x32xf32, #tpu.memory_space<hbm>> -> memref<128x32xf32, #tpu.memory_space<hbm>>
        %dma_wait3A_217 = arith.constant 384 : i32
        %dma_wait3A_218 = arith.constant 0 : i32
        %dma_wait3A_219 = tpu.memref_slice %arg9[%dma_wait3A_217, %dma_wait3A_218] : memref<1664x32xf32, #tpu.memory_space<vmem>> -> memref<128x32xf32, #tpu.memory_space<vmem>>
        %dma_wait3A_220 = arith.constant 0 : i32
        %dma_wait3A_221 = arith.constant 0 : i32
        %dma_wait3A_222 = tpu.memref_slice %arg3[%dma_wait3A_220, %dma_wait3A_221] : memref<1000000x32xf32, #tpu.memory_space<hbm>> -> memref<128x32xf32, #tpu.memory_space<hbm>>
        tpu.wait_dma2 semaphore(%arg16 : memref<!tpu.dma_semaphore, #tpu.memory_space<semaphore_mem>>) src(%dma_wait3A_222 : memref<128x32xf32, #tpu.memory_space<hbm>>) dst(%dma_wait3A_219 : memref<128x32xf32, #tpu.memory_space<vmem>>)
        %dma_wait3A_223 = arith.constant 512 : i32
        %dma_wait3A_224 = arith.constant 0 : i32
        %dma_wait3A_225 = tpu.memref_slice %arg9[%dma_wait3A_223, %dma_wait3A_224] : memref<1664x32xf32, #tpu.memory_space<vmem>> -> memref<128x32xf32, #tpu.memory_space<vmem>>
        %dma_wait3A_226 = arith.constant 0 : i32
        %dma_wait3A_227 = arith.constant 0 : i32
        %dma_wait3A_228 = tpu.memref_slice %arg3[%dma_wait3A_226, %dma_wait3A_227] : memref<1000000x32xf32, #tpu.memory_space<hbm>> -> memref<128x32xf32, #tpu.memory_space<hbm>>
        %dma_wait3A_229 = arith.constant 512 : i32
        %dma_wait3A_230 = arith.constant 0 : i32
        %dma_wait3A_231 = tpu.memref_slice %arg9[%dma_wait3A_229, %dma_wait3A_230] : memref<1664x32xf32, #tpu.memory_space<vmem>> -> memref<128x32xf32, #tpu.memory_space<vmem>>
        %dma_wait3A_232 = arith.constant 0 : i32
        %dma_wait3A_233 = arith.constant 0 : i32
        %dma_wait3A_234 = tpu.memref_slice %arg3[%dma_wait3A_232, %dma_wait3A_233] : memref<1000000x32xf32, #tpu.memory_space<hbm>> -> memref<128x32xf32, #tpu.memory_space<hbm>>
        tpu.wait_dma2 semaphore(%arg16 : memref<!tpu.dma_semaphore, #tpu.memory_space<semaphore_mem>>) src(%dma_wait3A_234 : memref<128x32xf32, #tpu.memory_space<hbm>>) dst(%dma_wait3A_231 : memref<128x32xf32, #tpu.memory_space<vmem>>)
        %dma_wait3A_235 = arith.constant 640 : i32
        %dma_wait3A_236 = arith.constant 0 : i32
        %dma_wait3A_237 = tpu.memref_slice %arg9[%dma_wait3A_235, %dma_wait3A_236] : memref<1664x32xf32, #tpu.memory_space<vmem>> -> memref<128x32xf32, #tpu.memory_space<vmem>>
        %dma_wait3A_238 = arith.constant 0 : i32
        %dma_wait3A_239 = arith.constant 0 : i32
        %dma_wait3A_240 = tpu.memref_slice %arg3[%dma_wait3A_238, %dma_wait3A_239] : memref<1000000x32xf32, #tpu.memory_space<hbm>> -> memref<128x32xf32, #tpu.memory_space<hbm>>
        %dma_wait3A_241 = arith.constant 640 : i32
        %dma_wait3A_242 = arith.constant 0 : i32
        %dma_wait3A_243 = tpu.memref_slice %arg9[%dma_wait3A_241, %dma_wait3A_242] : memref<1664x32xf32, #tpu.memory_space<vmem>> -> memref<128x32xf32, #tpu.memory_space<vmem>>
        %dma_wait3A_244 = arith.constant 0 : i32
        %dma_wait3A_245 = arith.constant 0 : i32
        %dma_wait3A_246 = tpu.memref_slice %arg3[%dma_wait3A_244, %dma_wait3A_245] : memref<1000000x32xf32, #tpu.memory_space<hbm>> -> memref<128x32xf32, #tpu.memory_space<hbm>>
        tpu.wait_dma2 semaphore(%arg16 : memref<!tpu.dma_semaphore, #tpu.memory_space<semaphore_mem>>) src(%dma_wait3A_246 : memref<128x32xf32, #tpu.memory_space<hbm>>) dst(%dma_wait3A_243 : memref<128x32xf32, #tpu.memory_space<vmem>>)
        %dma_wait3A_247 = arith.constant 768 : i32
        %dma_wait3A_248 = arith.constant 0 : i32
        %dma_wait3A_249 = tpu.memref_slice %arg9[%dma_wait3A_247, %dma_wait3A_248] : memref<1664x32xf32, #tpu.memory_space<vmem>> -> memref<128x32xf32, #tpu.memory_space<vmem>>
        %dma_wait3A_250 = arith.constant 0 : i32
        %dma_wait3A_251 = arith.constant 0 : i32
        %dma_wait3A_252 = tpu.memref_slice %arg3[%dma_wait3A_250, %dma_wait3A_251] : memref<1000000x32xf32, #tpu.memory_space<hbm>> -> memref<128x32xf32, #tpu.memory_space<hbm>>
        %dma_wait3A_253 = arith.constant 768 : i32
        %dma_wait3A_254 = arith.constant 0 : i32
        %dma_wait3A_255 = tpu.memref_slice %arg9[%dma_wait3A_253, %dma_wait3A_254] : memref<1664x32xf32, #tpu.memory_space<vmem>> -> memref<128x32xf32, #tpu.memory_space<vmem>>
        %dma_wait3A_256 = arith.constant 0 : i32
        %dma_wait3A_257 = arith.constant 0 : i32
        %dma_wait3A_258 = tpu.memref_slice %arg3[%dma_wait3A_256, %dma_wait3A_257] : memref<1000000x32xf32, #tpu.memory_space<hbm>> -> memref<128x32xf32, #tpu.memory_space<hbm>>
        tpu.wait_dma2 semaphore(%arg16 : memref<!tpu.dma_semaphore, #tpu.memory_space<semaphore_mem>>) src(%dma_wait3A_258 : memref<128x32xf32, #tpu.memory_space<hbm>>) dst(%dma_wait3A_255 : memref<128x32xf32, #tpu.memory_space<vmem>>)
        %dma_wait3A_259 = arith.constant 896 : i32
        %dma_wait3A_260 = arith.constant 0 : i32
        %dma_wait3A_261 = tpu.memref_slice %arg9[%dma_wait3A_259, %dma_wait3A_260] : memref<1664x32xf32, #tpu.memory_space<vmem>> -> memref<128x32xf32, #tpu.memory_space<vmem>>
        %dma_wait3A_262 = arith.constant 0 : i32
        %dma_wait3A_263 = arith.constant 0 : i32
        %dma_wait3A_264 = tpu.memref_slice %arg3[%dma_wait3A_262, %dma_wait3A_263] : memref<1000000x32xf32, #tpu.memory_space<hbm>> -> memref<128x32xf32, #tpu.memory_space<hbm>>
        %dma_wait3A_265 = arith.constant 896 : i32
        %dma_wait3A_266 = arith.constant 0 : i32
        %dma_wait3A_267 = tpu.memref_slice %arg9[%dma_wait3A_265, %dma_wait3A_266] : memref<1664x32xf32, #tpu.memory_space<vmem>> -> memref<128x32xf32, #tpu.memory_space<vmem>>
        %dma_wait3A_268 = arith.constant 0 : i32
        %dma_wait3A_269 = arith.constant 0 : i32
        %dma_wait3A_270 = tpu.memref_slice %arg3[%dma_wait3A_268, %dma_wait3A_269] : memref<1000000x32xf32, #tpu.memory_space<hbm>> -> memref<128x32xf32, #tpu.memory_space<hbm>>
        tpu.wait_dma2 semaphore(%arg16 : memref<!tpu.dma_semaphore, #tpu.memory_space<semaphore_mem>>) src(%dma_wait3A_270 : memref<128x32xf32, #tpu.memory_space<hbm>>) dst(%dma_wait3A_267 : memref<128x32xf32, #tpu.memory_space<vmem>>)
        %dma_wait3A_271 = arith.constant 1024 : i32
        %dma_wait3A_272 = arith.constant 0 : i32
        %dma_wait3A_273 = tpu.memref_slice %arg9[%dma_wait3A_271, %dma_wait3A_272] : memref<1664x32xf32, #tpu.memory_space<vmem>> -> memref<128x32xf32, #tpu.memory_space<vmem>>
        %dma_wait3A_274 = arith.constant 0 : i32
        %dma_wait3A_275 = arith.constant 0 : i32
        %dma_wait3A_276 = tpu.memref_slice %arg3[%dma_wait3A_274, %dma_wait3A_275] : memref<1000000x32xf32, #tpu.memory_space<hbm>> -> memref<128x32xf32, #tpu.memory_space<hbm>>
        %dma_wait3A_277 = arith.constant 1024 : i32
        %dma_wait3A_278 = arith.constant 0 : i32
        %dma_wait3A_279 = tpu.memref_slice %arg9[%dma_wait3A_277, %dma_wait3A_278] : memref<1664x32xf32, #tpu.memory_space<vmem>> -> memref<128x32xf32, #tpu.memory_space<vmem>>
        %dma_wait3A_280 = arith.constant 0 : i32
        %dma_wait3A_281 = arith.constant 0 : i32
        %dma_wait3A_282 = tpu.memref_slice %arg3[%dma_wait3A_280, %dma_wait3A_281] : memref<1000000x32xf32, #tpu.memory_space<hbm>> -> memref<128x32xf32, #tpu.memory_space<hbm>>
        tpu.wait_dma2 semaphore(%arg16 : memref<!tpu.dma_semaphore, #tpu.memory_space<semaphore_mem>>) src(%dma_wait3A_282 : memref<128x32xf32, #tpu.memory_space<hbm>>) dst(%dma_wait3A_279 : memref<128x32xf32, #tpu.memory_space<vmem>>)
        %dma_wait3A_283 = arith.constant 1152 : i32
        %dma_wait3A_284 = arith.constant 0 : i32
        %dma_wait3A_285 = tpu.memref_slice %arg9[%dma_wait3A_283, %dma_wait3A_284] : memref<1664x32xf32, #tpu.memory_space<vmem>> -> memref<128x32xf32, #tpu.memory_space<vmem>>
        %dma_wait3A_286 = arith.constant 0 : i32
        %dma_wait3A_287 = arith.constant 0 : i32
        %dma_wait3A_288 = tpu.memref_slice %arg3[%dma_wait3A_286, %dma_wait3A_287] : memref<1000000x32xf32, #tpu.memory_space<hbm>> -> memref<128x32xf32, #tpu.memory_space<hbm>>
        %dma_wait3A_289 = arith.constant 1152 : i32
        %dma_wait3A_290 = arith.constant 0 : i32
        %dma_wait3A_291 = tpu.memref_slice %arg9[%dma_wait3A_289, %dma_wait3A_290] : memref<1664x32xf32, #tpu.memory_space<vmem>> -> memref<128x32xf32, #tpu.memory_space<vmem>>
        %dma_wait3A_292 = arith.constant 0 : i32
        %dma_wait3A_293 = arith.constant 0 : i32
        %dma_wait3A_294 = tpu.memref_slice %arg3[%dma_wait3A_292, %dma_wait3A_293] : memref<1000000x32xf32, #tpu.memory_space<hbm>> -> memref<128x32xf32, #tpu.memory_space<hbm>>
        tpu.wait_dma2 semaphore(%arg16 : memref<!tpu.dma_semaphore, #tpu.memory_space<semaphore_mem>>) src(%dma_wait3A_294 : memref<128x32xf32, #tpu.memory_space<hbm>>) dst(%dma_wait3A_291 : memref<128x32xf32, #tpu.memory_space<vmem>>)
        %dma_wait3A_295 = arith.constant 1280 : i32
        %dma_wait3A_296 = arith.constant 0 : i32
        %dma_wait3A_297 = tpu.memref_slice %arg9[%dma_wait3A_295, %dma_wait3A_296] : memref<1664x32xf32, #tpu.memory_space<vmem>> -> memref<128x32xf32, #tpu.memory_space<vmem>>
        %dma_wait3A_298 = arith.constant 0 : i32
        %dma_wait3A_299 = arith.constant 0 : i32
        %dma_wait3A_300 = tpu.memref_slice %arg3[%dma_wait3A_298, %dma_wait3A_299] : memref<1000000x32xf32, #tpu.memory_space<hbm>> -> memref<128x32xf32, #tpu.memory_space<hbm>>
        %dma_wait3A_301 = arith.constant 1280 : i32
        %dma_wait3A_302 = arith.constant 0 : i32
        %dma_wait3A_303 = tpu.memref_slice %arg9[%dma_wait3A_301, %dma_wait3A_302] : memref<1664x32xf32, #tpu.memory_space<vmem>> -> memref<128x32xf32, #tpu.memory_space<vmem>>
        %dma_wait3A_304 = arith.constant 0 : i32
        %dma_wait3A_305 = arith.constant 0 : i32
        %dma_wait3A_306 = tpu.memref_slice %arg3[%dma_wait3A_304, %dma_wait3A_305] : memref<1000000x32xf32, #tpu.memory_space<hbm>> -> memref<128x32xf32, #tpu.memory_space<hbm>>
        tpu.wait_dma2 semaphore(%arg16 : memref<!tpu.dma_semaphore, #tpu.memory_space<semaphore_mem>>) src(%dma_wait3A_306 : memref<128x32xf32, #tpu.memory_space<hbm>>) dst(%dma_wait3A_303 : memref<128x32xf32, #tpu.memory_space<vmem>>)
        %dma_wait3A_307 = arith.constant 1408 : i32
        %dma_wait3A_308 = arith.constant 0 : i32
        %dma_wait3A_309 = tpu.memref_slice %arg9[%dma_wait3A_307, %dma_wait3A_308] : memref<1664x32xf32, #tpu.memory_space<vmem>> -> memref<128x32xf32, #tpu.memory_space<vmem>>
        %dma_wait3A_310 = arith.constant 0 : i32
        %dma_wait3A_311 = arith.constant 0 : i32
        %dma_wait3A_312 = tpu.memref_slice %arg3[%dma_wait3A_310, %dma_wait3A_311] : memref<1000000x32xf32, #tpu.memory_space<hbm>> -> memref<128x32xf32, #tpu.memory_space<hbm>>
        %dma_wait3A_313 = arith.constant 1408 : i32
        %dma_wait3A_314 = arith.constant 0 : i32
        %dma_wait3A_315 = tpu.memref_slice %arg9[%dma_wait3A_313, %dma_wait3A_314] : memref<1664x32xf32, #tpu.memory_space<vmem>> -> memref<128x32xf32, #tpu.memory_space<vmem>>
        %dma_wait3A_316 = arith.constant 0 : i32
        %dma_wait3A_317 = arith.constant 0 : i32
        %dma_wait3A_318 = tpu.memref_slice %arg3[%dma_wait3A_316, %dma_wait3A_317] : memref<1000000x32xf32, #tpu.memory_space<hbm>> -> memref<128x32xf32, #tpu.memory_space<hbm>>
        tpu.wait_dma2 semaphore(%arg16 : memref<!tpu.dma_semaphore, #tpu.memory_space<semaphore_mem>>) src(%dma_wait3A_318 : memref<128x32xf32, #tpu.memory_space<hbm>>) dst(%dma_wait3A_315 : memref<128x32xf32, #tpu.memory_space<vmem>>)
        %dma_wait3A_319 = arith.constant 1536 : i32
        %dma_wait3A_320 = arith.constant 0 : i32
        %dma_wait3A_321 = tpu.memref_slice %arg9[%dma_wait3A_319, %dma_wait3A_320] : memref<1664x32xf32, #tpu.memory_space<vmem>> -> memref<128x32xf32, #tpu.memory_space<vmem>>
        %dma_wait3A_322 = arith.constant 0 : i32
        %dma_wait3A_323 = arith.constant 0 : i32
        %dma_wait3A_324 = tpu.memref_slice %arg3[%dma_wait3A_322, %dma_wait3A_323] : memref<1000000x32xf32, #tpu.memory_space<hbm>> -> memref<128x32xf32, #tpu.memory_space<hbm>>
        %dma_wait3A_325 = arith.constant 1536 : i32
        %dma_wait3A_326 = arith.constant 0 : i32
        %dma_wait3A_327 = tpu.memref_slice %arg9[%dma_wait3A_325, %dma_wait3A_326] : memref<1664x32xf32, #tpu.memory_space<vmem>> -> memref<128x32xf32, #tpu.memory_space<vmem>>
        %dma_wait3A_328 = arith.constant 0 : i32
        %dma_wait3A_329 = arith.constant 0 : i32
        %dma_wait3A_330 = tpu.memref_slice %arg3[%dma_wait3A_328, %dma_wait3A_329] : memref<1000000x32xf32, #tpu.memory_space<hbm>> -> memref<128x32xf32, #tpu.memory_space<hbm>>
        tpu.wait_dma2 semaphore(%arg16 : memref<!tpu.dma_semaphore, #tpu.memory_space<semaphore_mem>>) src(%dma_wait3A_330 : memref<128x32xf32, #tpu.memory_space<hbm>>) dst(%dma_wait3A_327 : memref<128x32xf32, #tpu.memory_space<vmem>>)
        %add3A_331 = arith.constant 1 : i32
        %add3A_332 = arith.addi %add3A_141, %add3A_331 : i32
        %lt3A_333 = arith.constant 8 : i32
        %lt3A_334 = arith.cmpi slt, %add3A_332, %lt3A_333 : i32
        %convert_element_type3A_335 = arith.extui %lt3A_334 : i1 to i32
        %cond3A_336 = arith.constant 0 : i32
        %cond3A_337 = arith.cmpi ne, %convert_element_type3A_335, %cond3A_336 : i32
        scf.if %cond3A_337 {
          %mul3A_363 = arith.constant 512 : i32
          %mul3A_364 = arith.muli %add3A, %mul3A_363 : i32
          %add3A_365 = arith.constant 0 : i32
          %add3A_366 = arith.addi %mul3A_364, %add3A_365 : i32
          %mul3A_367 = arith.constant 26 : i32
          %mul3A_368 = arith.muli %add3A_366, %mul3A_367 : i32
          %dma_wait3A_369 = tpu.memref_slice %arg2[%mul3A_368] : memref<425984xi32, #tpu.memory_space<hbm>> -> memref<1664xi32, #tpu.memory_space<hbm>>
          %dma_wait3A_370 = tpu.memref_slice %arg2[%mul3A_368] : memref<425984xi32, #tpu.memory_space<hbm>> -> memref<1664xi32, #tpu.memory_space<hbm>>
          tpu.wait_dma2 semaphore(%arg13 : memref<!tpu.dma_semaphore, #tpu.memory_space<semaphore_mem>>) src(%dma_wait3A_370 : memref<1664xi32, #tpu.memory_space<hbm>>) dst(%arg6 : memref<1664xi32, #tpu.memory_space<vmem>>)
          %dma_start3A_371 = arith.constant 0 : i32
          %dma_start3A_372 = arith.constant 0 : i32
          %dma_start3A_373 = tpu.memref_slice %arg8[%dma_start3A_371, %dma_start3A_372] : memref<1664x32xf32, #tpu.memory_space<vmem>> -> memref<128x32xf32, #tpu.memory_space<vmem>>
          %dma_start3A_374 = arith.constant 0 : i32
          %dma_start3A_375 = tpu.memref_slice %arg6[%dma_start3A_374] : memref<1664xi32, #tpu.memory_space<vmem>> -> memref<128xi32, #tpu.memory_space<vmem>>
          %dma_start3A_376 = arith.constant 0 : i32
          %dma_start3A_377 = arith.constant 0 : i32
          %dma_start3A_378 = tpu.memref_slice %arg3[%dma_start3A_376, %dma_start3A_377] : memref<1000000x32xf32, #tpu.memory_space<hbm>> -> memref<1000000x32xf32, #tpu.memory_space<hbm>>
          tpu.enqueue_indirect_dma source(%dma_start3A_378 : memref<1000000x32xf32, #tpu.memory_space<hbm>>) target(%dma_start3A_373 : memref<128x32xf32, #tpu.memory_space<vmem>>) offsets(%dma_start3A_375 : memref<128xi32, #tpu.memory_space<vmem>>) semaphore(%arg15 : memref<!tpu.dma_semaphore, #tpu.memory_space<semaphore_mem>>)
          %dma_start3A_379 = arith.constant 128 : i32
          %dma_start3A_380 = arith.constant 0 : i32
          %dma_start3A_381 = tpu.memref_slice %arg8[%dma_start3A_379, %dma_start3A_380] : memref<1664x32xf32, #tpu.memory_space<vmem>> -> memref<128x32xf32, #tpu.memory_space<vmem>>
          %dma_start3A_382 = arith.constant 128 : i32
          %dma_start3A_383 = tpu.memref_slice %arg6[%dma_start3A_382] : memref<1664xi32, #tpu.memory_space<vmem>> -> memref<128xi32, #tpu.memory_space<vmem>>
          %dma_start3A_384 = arith.constant 0 : i32
          %dma_start3A_385 = arith.constant 0 : i32
          %dma_start3A_386 = tpu.memref_slice %arg3[%dma_start3A_384, %dma_start3A_385] : memref<1000000x32xf32, #tpu.memory_space<hbm>> -> memref<1000000x32xf32, #tpu.memory_space<hbm>>
          tpu.enqueue_indirect_dma source(%dma_start3A_386 : memref<1000000x32xf32, #tpu.memory_space<hbm>>) target(%dma_start3A_381 : memref<128x32xf32, #tpu.memory_space<vmem>>) offsets(%dma_start3A_383 : memref<128xi32, #tpu.memory_space<vmem>>) semaphore(%arg15 : memref<!tpu.dma_semaphore, #tpu.memory_space<semaphore_mem>>)
          %dma_start3A_387 = arith.constant 256 : i32
          %dma_start3A_388 = arith.constant 0 : i32
          %dma_start3A_389 = tpu.memref_slice %arg8[%dma_start3A_387, %dma_start3A_388] : memref<1664x32xf32, #tpu.memory_space<vmem>> -> memref<128x32xf32, #tpu.memory_space<vmem>>
          %dma_start3A_390 = arith.constant 256 : i32
          %dma_start3A_391 = tpu.memref_slice %arg6[%dma_start3A_390] : memref<1664xi32, #tpu.memory_space<vmem>> -> memref<128xi32, #tpu.memory_space<vmem>>
          %dma_start3A_392 = arith.constant 0 : i32
          %dma_start3A_393 = arith.constant 0 : i32
          %dma_start3A_394 = tpu.memref_slice %arg3[%dma_start3A_392, %dma_start3A_393] : memref<1000000x32xf32, #tpu.memory_space<hbm>> -> memref<1000000x32xf32, #tpu.memory_space<hbm>>
          tpu.enqueue_indirect_dma source(%dma_start3A_394 : memref<1000000x32xf32, #tpu.memory_space<hbm>>) target(%dma_start3A_389 : memref<128x32xf32, #tpu.memory_space<vmem>>) offsets(%dma_start3A_391 : memref<128xi32, #tpu.memory_space<vmem>>) semaphore(%arg15 : memref<!tpu.dma_semaphore, #tpu.memory_space<semaphore_mem>>)
          %dma_start3A_395 = arith.constant 384 : i32
          %dma_start3A_396 = arith.constant 0 : i32
          %dma_start3A_397 = tpu.memref_slice %arg8[%dma_start3A_395, %dma_start3A_396] : memref<1664x32xf32, #tpu.memory_space<vmem>> -> memref<128x32xf32, #tpu.memory_space<vmem>>
          %dma_start3A_398 = arith.constant 384 : i32
          %dma_start3A_399 = tpu.memref_slice %arg6[%dma_start3A_398] : memref<1664xi32, #tpu.memory_space<vmem>> -> memref<128xi32, #tpu.memory_space<vmem>>
          %dma_start3A_400 = arith.constant 0 : i32
          %dma_start3A_401 = arith.constant 0 : i32
          %dma_start3A_402 = tpu.memref_slice %arg3[%dma_start3A_400, %dma_start3A_401] : memref<1000000x32xf32, #tpu.memory_space<hbm>> -> memref<1000000x32xf32, #tpu.memory_space<hbm>>
          tpu.enqueue_indirect_dma source(%dma_start3A_402 : memref<1000000x32xf32, #tpu.memory_space<hbm>>) target(%dma_start3A_397 : memref<128x32xf32, #tpu.memory_space<vmem>>) offsets(%dma_start3A_399 : memref<128xi32, #tpu.memory_space<vmem>>) semaphore(%arg15 : memref<!tpu.dma_semaphore, #tpu.memory_space<semaphore_mem>>)
          %dma_start3A_403 = arith.constant 512 : i32
          %dma_start3A_404 = arith.constant 0 : i32
          %dma_start3A_405 = tpu.memref_slice %arg8[%dma_start3A_403, %dma_start3A_404] : memref<1664x32xf32, #tpu.memory_space<vmem>> -> memref<128x32xf32, #tpu.memory_space<vmem>>
          %dma_start3A_406 = arith.constant 512 : i32
          %dma_start3A_407 = tpu.memref_slice %arg6[%dma_start3A_406] : memref<1664xi32, #tpu.memory_space<vmem>> -> memref<128xi32, #tpu.memory_space<vmem>>
          %dma_start3A_408 = arith.constant 0 : i32
          %dma_start3A_409 = arith.constant 0 : i32
          %dma_start3A_410 = tpu.memref_slice %arg3[%dma_start3A_408, %dma_start3A_409] : memref<1000000x32xf32, #tpu.memory_space<hbm>> -> memref<1000000x32xf32, #tpu.memory_space<hbm>>
          tpu.enqueue_indirect_dma source(%dma_start3A_410 : memref<1000000x32xf32, #tpu.memory_space<hbm>>) target(%dma_start3A_405 : memref<128x32xf32, #tpu.memory_space<vmem>>) offsets(%dma_start3A_407 : memref<128xi32, #tpu.memory_space<vmem>>) semaphore(%arg15 : memref<!tpu.dma_semaphore, #tpu.memory_space<semaphore_mem>>)
          %dma_start3A_411 = arith.constant 640 : i32
          %dma_start3A_412 = arith.constant 0 : i32
          %dma_start3A_413 = tpu.memref_slice %arg8[%dma_start3A_411, %dma_start3A_412] : memref<1664x32xf32, #tpu.memory_space<vmem>> -> memref<128x32xf32, #tpu.memory_space<vmem>>
          %dma_start3A_414 = arith.constant 640 : i32
          %dma_start3A_415 = tpu.memref_slice %arg6[%dma_start3A_414] : memref<1664xi32, #tpu.memory_space<vmem>> -> memref<128xi32, #tpu.memory_space<vmem>>
          %dma_start3A_416 = arith.constant 0 : i32
          %dma_start3A_417 = arith.constant 0 : i32
          %dma_start3A_418 = tpu.memref_slice %arg3[%dma_start3A_416, %dma_start3A_417] : memref<1000000x32xf32, #tpu.memory_space<hbm>> -> memref<1000000x32xf32, #tpu.memory_space<hbm>>
          tpu.enqueue_indirect_dma source(%dma_start3A_418 : memref<1000000x32xf32, #tpu.memory_space<hbm>>) target(%dma_start3A_413 : memref<128x32xf32, #tpu.memory_space<vmem>>) offsets(%dma_start3A_415 : memref<128xi32, #tpu.memory_space<vmem>>) semaphore(%arg15 : memref<!tpu.dma_semaphore, #tpu.memory_space<semaphore_mem>>)
          %dma_start3A_419 = arith.constant 768 : i32
          %dma_start3A_420 = arith.constant 0 : i32
          %dma_start3A_421 = tpu.memref_slice %arg8[%dma_start3A_419, %dma_start3A_420] : memref<1664x32xf32, #tpu.memory_space<vmem>> -> memref<128x32xf32, #tpu.memory_space<vmem>>
          %dma_start3A_422 = arith.constant 768 : i32
          %dma_start3A_423 = tpu.memref_slice %arg6[%dma_start3A_422] : memref<1664xi32, #tpu.memory_space<vmem>> -> memref<128xi32, #tpu.memory_space<vmem>>
          %dma_start3A_424 = arith.constant 0 : i32
          %dma_start3A_425 = arith.constant 0 : i32
          %dma_start3A_426 = tpu.memref_slice %arg3[%dma_start3A_424, %dma_start3A_425] : memref<1000000x32xf32, #tpu.memory_space<hbm>> -> memref<1000000x32xf32, #tpu.memory_space<hbm>>
          tpu.enqueue_indirect_dma source(%dma_start3A_426 : memref<1000000x32xf32, #tpu.memory_space<hbm>>) target(%dma_start3A_421 : memref<128x32xf32, #tpu.memory_space<vmem>>) offsets(%dma_start3A_423 : memref<128xi32, #tpu.memory_space<vmem>>) semaphore(%arg15 : memref<!tpu.dma_semaphore, #tpu.memory_space<semaphore_mem>>)
          %dma_start3A_427 = arith.constant 896 : i32
          %dma_start3A_428 = arith.constant 0 : i32
          %dma_start3A_429 = tpu.memref_slice %arg8[%dma_start3A_427, %dma_start3A_428] : memref<1664x32xf32, #tpu.memory_space<vmem>> -> memref<128x32xf32, #tpu.memory_space<vmem>>
          %dma_start3A_430 = arith.constant 896 : i32
          %dma_start3A_431 = tpu.memref_slice %arg6[%dma_start3A_430] : memref<1664xi32, #tpu.memory_space<vmem>> -> memref<128xi32, #tpu.memory_space<vmem>>
          %dma_start3A_432 = arith.constant 0 : i32
          %dma_start3A_433 = arith.constant 0 : i32
          %dma_start3A_434 = tpu.memref_slice %arg3[%dma_start3A_432, %dma_start3A_433] : memref<1000000x32xf32, #tpu.memory_space<hbm>> -> memref<1000000x32xf32, #tpu.memory_space<hbm>>
          tpu.enqueue_indirect_dma source(%dma_start3A_434 : memref<1000000x32xf32, #tpu.memory_space<hbm>>) target(%dma_start3A_429 : memref<128x32xf32, #tpu.memory_space<vmem>>) offsets(%dma_start3A_431 : memref<128xi32, #tpu.memory_space<vmem>>) semaphore(%arg15 : memref<!tpu.dma_semaphore, #tpu.memory_space<semaphore_mem>>)
          %dma_start3A_435 = arith.constant 1024 : i32
          %dma_start3A_436 = arith.constant 0 : i32
          %dma_start3A_437 = tpu.memref_slice %arg8[%dma_start3A_435, %dma_start3A_436] : memref<1664x32xf32, #tpu.memory_space<vmem>> -> memref<128x32xf32, #tpu.memory_space<vmem>>
          %dma_start3A_438 = arith.constant 1024 : i32
          %dma_start3A_439 = tpu.memref_slice %arg6[%dma_start3A_438] : memref<1664xi32, #tpu.memory_space<vmem>> -> memref<128xi32, #tpu.memory_space<vmem>>
          %dma_start3A_440 = arith.constant 0 : i32
          %dma_start3A_441 = arith.constant 0 : i32
          %dma_start3A_442 = tpu.memref_slice %arg3[%dma_start3A_440, %dma_start3A_441] : memref<1000000x32xf32, #tpu.memory_space<hbm>> -> memref<1000000x32xf32, #tpu.memory_space<hbm>>
          tpu.enqueue_indirect_dma source(%dma_start3A_442 : memref<1000000x32xf32, #tpu.memory_space<hbm>>) target(%dma_start3A_437 : memref<128x32xf32, #tpu.memory_space<vmem>>) offsets(%dma_start3A_439 : memref<128xi32, #tpu.memory_space<vmem>>) semaphore(%arg15 : memref<!tpu.dma_semaphore, #tpu.memory_space<semaphore_mem>>)
          %dma_start3A_443 = arith.constant 1152 : i32
          %dma_start3A_444 = arith.constant 0 : i32
          %dma_start3A_445 = tpu.memref_slice %arg8[%dma_start3A_443, %dma_start3A_444] : memref<1664x32xf32, #tpu.memory_space<vmem>> -> memref<128x32xf32, #tpu.memory_space<vmem>>
          %dma_start3A_446 = arith.constant 1152 : i32
          %dma_start3A_447 = tpu.memref_slice %arg6[%dma_start3A_446] : memref<1664xi32, #tpu.memory_space<vmem>> -> memref<128xi32, #tpu.memory_space<vmem>>
          %dma_start3A_448 = arith.constant 0 : i32
          %dma_start3A_449 = arith.constant 0 : i32
          %dma_start3A_450 = tpu.memref_slice %arg3[%dma_start3A_448, %dma_start3A_449] : memref<1000000x32xf32, #tpu.memory_space<hbm>> -> memref<1000000x32xf32, #tpu.memory_space<hbm>>
          tpu.enqueue_indirect_dma source(%dma_start3A_450 : memref<1000000x32xf32, #tpu.memory_space<hbm>>) target(%dma_start3A_445 : memref<128x32xf32, #tpu.memory_space<vmem>>) offsets(%dma_start3A_447 : memref<128xi32, #tpu.memory_space<vmem>>) semaphore(%arg15 : memref<!tpu.dma_semaphore, #tpu.memory_space<semaphore_mem>>)
          %dma_start3A_451 = arith.constant 1280 : i32
          %dma_start3A_452 = arith.constant 0 : i32
          %dma_start3A_453 = tpu.memref_slice %arg8[%dma_start3A_451, %dma_start3A_452] : memref<1664x32xf32, #tpu.memory_space<vmem>> -> memref<128x32xf32, #tpu.memory_space<vmem>>
          %dma_start3A_454 = arith.constant 1280 : i32
          %dma_start3A_455 = tpu.memref_slice %arg6[%dma_start3A_454] : memref<1664xi32, #tpu.memory_space<vmem>> -> memref<128xi32, #tpu.memory_space<vmem>>
          %dma_start3A_456 = arith.constant 0 : i32
          %dma_start3A_457 = arith.constant 0 : i32
          %dma_start3A_458 = tpu.memref_slice %arg3[%dma_start3A_456, %dma_start3A_457] : memref<1000000x32xf32, #tpu.memory_space<hbm>> -> memref<1000000x32xf32, #tpu.memory_space<hbm>>
          tpu.enqueue_indirect_dma source(%dma_start3A_458 : memref<1000000x32xf32, #tpu.memory_space<hbm>>) target(%dma_start3A_453 : memref<128x32xf32, #tpu.memory_space<vmem>>) offsets(%dma_start3A_455 : memref<128xi32, #tpu.memory_space<vmem>>) semaphore(%arg15 : memref<!tpu.dma_semaphore, #tpu.memory_space<semaphore_mem>>)
          %dma_start3A_459 = arith.constant 1408 : i32
          %dma_start3A_460 = arith.constant 0 : i32
          %dma_start3A_461 = tpu.memref_slice %arg8[%dma_start3A_459, %dma_start3A_460] : memref<1664x32xf32, #tpu.memory_space<vmem>> -> memref<128x32xf32, #tpu.memory_space<vmem>>
          %dma_start3A_462 = arith.constant 1408 : i32
          %dma_start3A_463 = tpu.memref_slice %arg6[%dma_start3A_462] : memref<1664xi32, #tpu.memory_space<vmem>> -> memref<128xi32, #tpu.memory_space<vmem>>
          %dma_start3A_464 = arith.constant 0 : i32
          %dma_start3A_465 = arith.constant 0 : i32
          %dma_start3A_466 = tpu.memref_slice %arg3[%dma_start3A_464, %dma_start3A_465] : memref<1000000x32xf32, #tpu.memory_space<hbm>> -> memref<1000000x32xf32, #tpu.memory_space<hbm>>
          tpu.enqueue_indirect_dma source(%dma_start3A_466 : memref<1000000x32xf32, #tpu.memory_space<hbm>>) target(%dma_start3A_461 : memref<128x32xf32, #tpu.memory_space<vmem>>) offsets(%dma_start3A_463 : memref<128xi32, #tpu.memory_space<vmem>>) semaphore(%arg15 : memref<!tpu.dma_semaphore, #tpu.memory_space<semaphore_mem>>)
          %dma_start3A_467 = arith.constant 1536 : i32
          %dma_start3A_468 = arith.constant 0 : i32
          %dma_start3A_469 = tpu.memref_slice %arg8[%dma_start3A_467, %dma_start3A_468] : memref<1664x32xf32, #tpu.memory_space<vmem>> -> memref<128x32xf32, #tpu.memory_space<vmem>>
          %dma_start3A_470 = arith.constant 1536 : i32
          %dma_start3A_471 = tpu.memref_slice %arg6[%dma_start3A_470] : memref<1664xi32, #tpu.memory_space<vmem>> -> memref<128xi32, #tpu.memory_space<vmem>>
          %dma_start3A_472 = arith.constant 0 : i32
          %dma_start3A_473 = arith.constant 0 : i32
          %dma_start3A_474 = tpu.memref_slice %arg3[%dma_start3A_472, %dma_start3A_473] : memref<1000000x32xf32, #tpu.memory_space<hbm>> -> memref<1000000x32xf32, #tpu.memory_space<hbm>>
          tpu.enqueue_indirect_dma source(%dma_start3A_474 : memref<1000000x32xf32, #tpu.memory_space<hbm>>) target(%dma_start3A_469 : memref<128x32xf32, #tpu.memory_space<vmem>>) offsets(%dma_start3A_471 : memref<128xi32, #tpu.memory_space<vmem>>) semaphore(%arg15 : memref<!tpu.dma_semaphore, #tpu.memory_space<semaphore_mem>>)
        } else {
        }
        %add3A_338 = arith.constant 2 : i32
        %add3A_339 = arith.addi %add3A_141, %add3A_338 : i32
        %lt3A_340 = arith.constant 8 : i32
        %lt3A_341 = arith.cmpi slt, %add3A_339, %lt3A_340 : i32
        %convert_element_type3A_342 = arith.extui %lt3A_341 : i1 to i32
        %cond3A_343 = arith.constant 0 : i32
        %cond3A_344 = arith.cmpi ne, %convert_element_type3A_342, %cond3A_343 : i32
        scf.if %cond3A_344 {
          %add3A_363 = arith.constant 2 : i32
          %add3A_364 = arith.addi %add3A_141, %add3A_363 : i32
          %mul3A_365 = arith.constant 512 : i32
          %mul3A_366 = arith.muli %add3A, %mul3A_365 : i32
          %mul3A_367 = arith.constant 64 : i32
          %mul3A_368 = arith.muli %add3A_364, %mul3A_367 : i32
          %add3A_369 = arith.addi %mul3A_366, %mul3A_368 : i32
          %mul3A_370 = arith.constant 26 : i32
          %mul3A_371 = arith.muli %add3A_369, %mul3A_370 : i32
          %dma_start3A_372 = tpu.memref_slice %arg2[%mul3A_371] : memref<425984xi32, #tpu.memory_space<hbm>> -> memref<1664xi32, #tpu.memory_space<hbm>>
          %dma_start3A_373 = tpu.memref_slice %arg2[%mul3A_371] : memref<425984xi32, #tpu.memory_space<hbm>> -> memref<1664xi32, #tpu.memory_space<hbm>>
          tpu.enqueue_dma source(%dma_start3A_373 : memref<1664xi32, #tpu.memory_space<hbm>>) target(%arg7 : memref<1664xi32, #tpu.memory_space<vmem>>) target_semaphore(%arg14 : memref<!tpu.dma_semaphore, #tpu.memory_space<semaphore_mem>>)
        } else {
        }
        %ge3A = arith.constant 2 : i32
        %ge3A_345 = arith.cmpi sge, %add3A_141, %ge3A : i32
        %convert_element_type3A_346 = arith.extui %ge3A_345 : i1 to i32
        %cond3A_347 = arith.constant 0 : i32
        %cond3A_348 = arith.cmpi ne, %convert_element_type3A_346, %cond3A_347 : i32
        scf.if %cond3A_348 {
          %mul3A_363 = arith.constant 512 : i32
          %mul3A_364 = arith.muli %add3A, %mul3A_363 : i32
          %add3A_365 = arith.constant 0 : i32
          %add3A_366 = arith.addi %mul3A_364, %add3A_365 : i32
          %dma_wait3A_367 = arith.constant 0 : i32
          %dma_wait3A_368 = tpu.memref_slice %arg5[%add3A_366, %dma_wait3A_367] : memref<16384x32xf32, #tpu.memory_space<hbm>> -> memref<64x32xf32, #tpu.memory_space<hbm>>
          %dma_wait3A_369 = arith.constant 0 : i32
          %dma_wait3A_370 = tpu.memref_slice %arg5[%add3A_366, %dma_wait3A_369] : memref<16384x32xf32, #tpu.memory_space<hbm>> -> memref<64x32xf32, #tpu.memory_space<hbm>>
          tpu.wait_dma2 semaphore(%arg18 : memref<!tpu.dma_semaphore, #tpu.memory_space<semaphore_mem>>) src(%arg12 : memref<64x32xf32, #tpu.memory_space<vmem>>) dst(%dma_wait3A_370 : memref<64x32xf32, #tpu.memory_space<hbm>>)
        } else {
        }
        %scan3A_349 = arith.constant 0 : i32
        %scan3A_350 = arith.constant 64 : i32
        %scan3A_351 = arith.addi %scan3A_349, %scan3A_350 : i32
        %scan3A_352 = arith.constant 1 : i32
        scf.for %scan3A_363 = %scan3A_349 to %scan3A_351 step %scan3A_352  : i32 {
          %mul3A_364 = arith.constant 1 : i32
          %mul3A_365 = arith.muli %scan3A_363, %mul3A_364 : i32
          %add3A_366 = arith.constant 0 : i32
          %add3A_367 = arith.addi %add3A_366, %mul3A_365 : i32
          %mul3A_368 = arith.constant 26 : i32
          %mul3A_369 = arith.muli %add3A_367, %mul3A_368 : i32
          %get3A = arith.index_cast %mul3A_369 : i32 to index
          %get3A_370 = arith.constant 0 : index
          %get3A_371 = tpu.vector_load %arg9[%get3A, %get3A_370] {strides = array<i32>} : memref<1664x32xf32, #tpu.memory_space<vmem>>, vector<1x16xf32>,
          %get3A_372 = vector.shape_cast %get3A_371 : vector<1x16xf32> to vector<16xf32>
          %get3A_373 = arith.constant 0 : i32
          %get3A_374 = arith.index_cast %get3A_373 : i32 to index
          %get3A_375 = arith.constant 0 : index
          %get3A_376 = tpu.vector_load %arg10[%get3A_374, %get3A_375] {strides = array<i32>} : memref<26x32xf32, #tpu.memory_space<vmem>>, vector<1x16xf32>,
          %get3A_377 = vector.shape_cast %get3A_376 : vector<1x16xf32> to vector<16xf32>
          %mul3A_378 = arith.mulf %get3A_372, %get3A_377 : vector<16xf32>
          %get3A_379 = arith.index_cast %mul3A_369 : i32 to index
          %get3A_380 = arith.constant 16 : index
          %get3A_381 = tpu.vector_load %arg9[%get3A_379, %get3A_380] {strides = array<i32>} : memref<1664x32xf32, #tpu.memory_space<vmem>>, vector<1x16xf32>,
          %get3A_382 = vector.shape_cast %get3A_381 : vector<1x16xf32> to vector<16xf32>
          %get3A_383 = arith.constant 0 : i32
          %get3A_384 = arith.index_cast %get3A_383 : i32 to index
          %get3A_385 = arith.constant 16 : index
          %get3A_386 = tpu.vector_load %arg10[%get3A_384, %get3A_385] {strides = array<i32>} : memref<26x32xf32, #tpu.memory_space<vmem>>, vector<1x16xf32>,
          %get3A_387 = vector.shape_cast %get3A_386 : vector<1x16xf32> to vector<16xf32>
          %mul3A_388 = arith.mulf %get3A_382, %get3A_387 : vector<16xf32>
          %add3A_389 = arith.constant 1 : i32
          %add3A_390 = arith.addi %mul3A_369, %add3A_389 : i32
          %get3A_391 = arith.index_cast %add3A_390 : i32 to index
          %get3A_392 = arith.constant 0 : index
          %get3A_393 = tpu.vector_load %arg9[%get3A_391, %get3A_392] {strides = array<i32>} : memref<1664x32xf32, #tpu.memory_space<vmem>>, vector<1x16xf32>,
          %get3A_394 = vector.shape_cast %get3A_393 : vector<1x16xf32> to vector<16xf32>
          %get3A_395 = arith.constant 1 : i32
          %get3A_396 = arith.index_cast %get3A_395 : i32 to index
          %get3A_397 = arith.constant 0 : index
          %get3A_398 = tpu.vector_load %arg10[%get3A_396, %get3A_397] {strides = array<i32>} : memref<26x32xf32, #tpu.memory_space<vmem>>, vector<1x16xf32>,
          %get3A_399 = vector.shape_cast %get3A_398 : vector<1x16xf32> to vector<16xf32>
          %mul3A_400 = arith.mulf %get3A_394, %get3A_399 : vector<16xf32>
          %add3A_401 = arith.addf %mul3A_378, %mul3A_400 : vector<16xf32>
          %add3A_402 = arith.constant 1 : i32
          %add3A_403 = arith.addi %mul3A_369, %add3A_402 : i32
          %get3A_404 = arith.index_cast %add3A_403 : i32 to index
          %get3A_405 = arith.constant 16 : index
          %get3A_406 = tpu.vector_load %arg9[%get3A_404, %get3A_405] {strides = array<i32>} : memref<1664x32xf32, #tpu.memory_space<vmem>>, vector<1x16xf32>,
          %get3A_407 = vector.shape_cast %get3A_406 : vector<1x16xf32> to vector<16xf32>
          %get3A_408 = arith.constant 1 : i32
          %get3A_409 = arith.index_cast %get3A_408 : i32 to index
          %get3A_410 = arith.constant 16 : index
          %get3A_411 = tpu.vector_load %arg10[%get3A_409, %get3A_410] {strides = array<i32>} : memref<26x32xf32, #tpu.memory_space<vmem>>, vector<1x16xf32>,
          %get3A_412 = vector.shape_cast %get3A_411 : vector<1x16xf32> to vector<16xf32>
          %mul3A_413 = arith.mulf %get3A_407, %get3A_412 : vector<16xf32>
          %add3A_414 = arith.addf %mul3A_388, %mul3A_413 : vector<16xf32>
          %add3A_415 = arith.constant 2 : i32
          %add3A_416 = arith.addi %mul3A_369, %add3A_415 : i32
          %get3A_417 = arith.index_cast %add3A_416 : i32 to index
          %get3A_418 = arith.constant 0 : index
          %get3A_419 = tpu.vector_load %arg9[%get3A_417, %get3A_418] {strides = array<i32>} : memref<1664x32xf32, #tpu.memory_space<vmem>>, vector<1x16xf32>,
          %get3A_420 = vector.shape_cast %get3A_419 : vector<1x16xf32> to vector<16xf32>
          %get3A_421 = arith.constant 2 : i32
          %get3A_422 = arith.index_cast %get3A_421 : i32 to index
          %get3A_423 = arith.constant 0 : index
          %get3A_424 = tpu.vector_load %arg10[%get3A_422, %get3A_423] {strides = array<i32>} : memref<26x32xf32, #tpu.memory_space<vmem>>, vector<1x16xf32>,
          %get3A_425 = vector.shape_cast %get3A_424 : vector<1x16xf32> to vector<16xf32>
          %mul3A_426 = arith.mulf %get3A_420, %get3A_425 : vector<16xf32>
          %add3A_427 = arith.addf %add3A_401, %mul3A_426 : vector<16xf32>
          %add3A_428 = arith.constant 2 : i32
          %add3A_429 = arith.addi %mul3A_369, %add3A_428 : i32
          %get3A_430 = arith.index_cast %add3A_429 : i32 to index
          %get3A_431 = arith.constant 16 : index
          %get3A_432 = tpu.vector_load %arg9[%get3A_430, %get3A_431] {strides = array<i32>} : memref<1664x32xf32, #tpu.memory_space<vmem>>, vector<1x16xf32>,
          %get3A_433 = vector.shape_cast %get3A_432 : vector<1x16xf32> to vector<16xf32>
          %get3A_434 = arith.constant 2 : i32
          %get3A_435 = arith.index_cast %get3A_434 : i32 to index
          %get3A_436 = arith.constant 16 : index
          %get3A_437 = tpu.vector_load %arg10[%get3A_435, %get3A_436] {strides = array<i32>} : memref<26x32xf32, #tpu.memory_space<vmem>>, vector<1x16xf32>,
          %get3A_438 = vector.shape_cast %get3A_437 : vector<1x16xf32> to vector<16xf32>
          %mul3A_439 = arith.mulf %get3A_433, %get3A_438 : vector<16xf32>
          %add3A_440 = arith.addf %add3A_414, %mul3A_439 : vector<16xf32>
          %add3A_441 = arith.constant 3 : i32
          %add3A_442 = arith.addi %mul3A_369, %add3A_441 : i32
          %get3A_443 = arith.index_cast %add3A_442 : i32 to index
          %get3A_444 = arith.constant 0 : index
          %get3A_445 = tpu.vector_load %arg9[%get3A_443, %get3A_444] {strides = array<i32>} : memref<1664x32xf32, #tpu.memory_space<vmem>>, vector<1x16xf32>,
          %get3A_446 = vector.shape_cast %get3A_445 : vector<1x16xf32> to vector<16xf32>
          %get3A_447 = arith.constant 3 : i32
          %get3A_448 = arith.index_cast %get3A_447 : i32 to index
          %get3A_449 = arith.constant 0 : index
          %get3A_450 = tpu.vector_load %arg10[%get3A_448, %get3A_449] {strides = array<i32>} : memref<26x32xf32, #tpu.memory_space<vmem>>, vector<1x16xf32>,
          %get3A_451 = vector.shape_cast %get3A_450 : vector<1x16xf32> to vector<16xf32>
          %mul3A_452 = arith.mulf %get3A_446, %get3A_451 : vector<16xf32>
          %add3A_453 = arith.addf %add3A_427, %mul3A_452 : vector<16xf32>
          %add3A_454 = arith.constant 3 : i32
          %add3A_455 = arith.addi %mul3A_369, %add3A_454 : i32
          %get3A_456 = arith.index_cast %add3A_455 : i32 to index
          %get3A_457 = arith.constant 16 : index
          %get3A_458 = tpu.vector_load %arg9[%get3A_456, %get3A_457] {strides = array<i32>} : memref<1664x32xf32, #tpu.memory_space<vmem>>, vector<1x16xf32>,
          %get3A_459 = vector.shape_cast %get3A_458 : vector<1x16xf32> to vector<16xf32>
          %get3A_460 = arith.constant 3 : i32
          %get3A_461 = arith.index_cast %get3A_460 : i32 to index
          %get3A_462 = arith.constant 16 : index
          %get3A_463 = tpu.vector_load %arg10[%get3A_461, %get3A_462] {strides = array<i32>} : memref<26x32xf32, #tpu.memory_space<vmem>>, vector<1x16xf32>,
          %get3A_464 = vector.shape_cast %get3A_463 : vector<1x16xf32> to vector<16xf32>
          %mul3A_465 = arith.mulf %get3A_459, %get3A_464 : vector<16xf32>
          %add3A_466 = arith.addf %add3A_440, %mul3A_465 : vector<16xf32>
          %add3A_467 = arith.constant 4 : i32
          %add3A_468 = arith.addi %mul3A_369, %add3A_467 : i32
          %get3A_469 = arith.index_cast %add3A_468 : i32 to index
          %get3A_470 = arith.constant 0 : index
          %get3A_471 = tpu.vector_load %arg9[%get3A_469, %get3A_470] {strides = array<i32>} : memref<1664x32xf32, #tpu.memory_space<vmem>>, vector<1x16xf32>,
          %get3A_472 = vector.shape_cast %get3A_471 : vector<1x16xf32> to vector<16xf32>
          %get3A_473 = arith.constant 4 : i32
          %get3A_474 = arith.index_cast %get3A_473 : i32 to index
          %get3A_475 = arith.constant 0 : index
          %get3A_476 = tpu.vector_load %arg10[%get3A_474, %get3A_475] {strides = array<i32>} : memref<26x32xf32, #tpu.memory_space<vmem>>, vector<1x16xf32>,
          %get3A_477 = vector.shape_cast %get3A_476 : vector<1x16xf32> to vector<16xf32>
          %mul3A_478 = arith.mulf %get3A_472, %get3A_477 : vector<16xf32>
          %add3A_479 = arith.addf %add3A_453, %mul3A_478 : vector<16xf32>
          %add3A_480 = arith.constant 4 : i32
          %add3A_481 = arith.addi %mul3A_369, %add3A_480 : i32
          %get3A_482 = arith.index_cast %add3A_481 : i32 to index
          %get3A_483 = arith.constant 16 : index
          %get3A_484 = tpu.vector_load %arg9[%get3A_482, %get3A_483] {strides = array<i32>} : memref<1664x32xf32, #tpu.memory_space<vmem>>, vector<1x16xf32>,
          %get3A_485 = vector.shape_cast %get3A_484 : vector<1x16xf32> to vector<16xf32>
          %get3A_486 = arith.constant 4 : i32
          %get3A_487 = arith.index_cast %get3A_486 : i32 to index
          %get3A_488 = arith.constant 16 : index
          %get3A_489 = tpu.vector_load %arg10[%get3A_487, %get3A_488] {strides = array<i32>} : memref<26x32xf32, #tpu.memory_space<vmem>>, vector<1x16xf32>,
          %get3A_490 = vector.shape_cast %get3A_489 : vector<1x16xf32> to vector<16xf32>
          %mul3A_491 = arith.mulf %get3A_485, %get3A_490 : vector<16xf32>
          %add3A_492 = arith.addf %add3A_466, %mul3A_491 : vector<16xf32>
          %add3A_493 = arith.constant 5 : i32
          %add3A_494 = arith.addi %mul3A_369, %add3A_493 : i32
          %get3A_495 = arith.index_cast %add3A_494 : i32 to index
          %get3A_496 = arith.constant 0 : index
          %get3A_497 = tpu.vector_load %arg9[%get3A_495, %get3A_496] {strides = array<i32>} : memref<1664x32xf32, #tpu.memory_space<vmem>>, vector<1x16xf32>,
          %get3A_498 = vector.shape_cast %get3A_497 : vector<1x16xf32> to vector<16xf32>
          %get3A_499 = arith.constant 5 : i32
          %get3A_500 = arith.index_cast %get3A_499 : i32 to index
          %get3A_501 = arith.constant 0 : index
          %get3A_502 = tpu.vector_load %arg10[%get3A_500, %get3A_501] {strides = array<i32>} : memref<26x32xf32, #tpu.memory_space<vmem>>, vector<1x16xf32>,
          %get3A_503 = vector.shape_cast %get3A_502 : vector<1x16xf32> to vector<16xf32>
          %mul3A_504 = arith.mulf %get3A_498, %get3A_503 : vector<16xf32>
          %add3A_505 = arith.addf %add3A_479, %mul3A_504 : vector<16xf32>
          %add3A_506 = arith.constant 5 : i32
          %add3A_507 = arith.addi %mul3A_369, %add3A_506 : i32
          %get3A_508 = arith.index_cast %add3A_507 : i32 to index
          %get3A_509 = arith.constant 16 : index
          %get3A_510 = tpu.vector_load %arg9[%get3A_508, %get3A_509] {strides = array<i32>} : memref<1664x32xf32, #tpu.memory_space<vmem>>, vector<1x16xf32>,
          %get3A_511 = vector.shape_cast %get3A_510 : vector<1x16xf32> to vector<16xf32>
          %get3A_512 = arith.constant 5 : i32
          %get3A_513 = arith.index_cast %get3A_512 : i32 to index
          %get3A_514 = arith.constant 16 : index
          %get3A_515 = tpu.vector_load %arg10[%get3A_513, %get3A_514] {strides = array<i32>} : memref<26x32xf32, #tpu.memory_space<vmem>>, vector<1x16xf32>,
          %get3A_516 = vector.shape_cast %get3A_515 : vector<1x16xf32> to vector<16xf32>
          %mul3A_517 = arith.mulf %get3A_511, %get3A_516 : vector<16xf32>
          %add3A_518 = arith.addf %add3A_492, %mul3A_517 : vector<16xf32>
          %add3A_519 = arith.constant 6 : i32
          %add3A_520 = arith.addi %mul3A_369, %add3A_519 : i32
          %get3A_521 = arith.index_cast %add3A_520 : i32 to index
          %get3A_522 = arith.constant 0 : index
          %get3A_523 = tpu.vector_load %arg9[%get3A_521, %get3A_522] {strides = array<i32>} : memref<1664x32xf32, #tpu.memory_space<vmem>>, vector<1x16xf32>,
          %get3A_524 = vector.shape_cast %get3A_523 : vector<1x16xf32> to vector<16xf32>
          %get3A_525 = arith.constant 6 : i32
          %get3A_526 = arith.index_cast %get3A_525 : i32 to index
          %get3A_527 = arith.constant 0 : index
          %get3A_528 = tpu.vector_load %arg10[%get3A_526, %get3A_527] {strides = array<i32>} : memref<26x32xf32, #tpu.memory_space<vmem>>, vector<1x16xf32>,
          %get3A_529 = vector.shape_cast %get3A_528 : vector<1x16xf32> to vector<16xf32>
          %mul3A_530 = arith.mulf %get3A_524, %get3A_529 : vector<16xf32>
          %add3A_531 = arith.addf %add3A_505, %mul3A_530 : vector<16xf32>
          %add3A_532 = arith.constant 6 : i32
          %add3A_533 = arith.addi %mul3A_369, %add3A_532 : i32
          %get3A_534 = arith.index_cast %add3A_533 : i32 to index
          %get3A_535 = arith.constant 16 : index
          %get3A_536 = tpu.vector_load %arg9[%get3A_534, %get3A_535] {strides = array<i32>} : memref<1664x32xf32, #tpu.memory_space<vmem>>, vector<1x16xf32>,
          %get3A_537 = vector.shape_cast %get3A_536 : vector<1x16xf32> to vector<16xf32>
          %get3A_538 = arith.constant 6 : i32
          %get3A_539 = arith.index_cast %get3A_538 : i32 to index
          %get3A_540 = arith.constant 16 : index
          %get3A_541 = tpu.vector_load %arg10[%get3A_539, %get3A_540] {strides = array<i32>} : memref<26x32xf32, #tpu.memory_space<vmem>>, vector<1x16xf32>,
          %get3A_542 = vector.shape_cast %get3A_541 : vector<1x16xf32> to vector<16xf32>
          %mul3A_543 = arith.mulf %get3A_537, %get3A_542 : vector<16xf32>
          %add3A_544 = arith.addf %add3A_518, %mul3A_543 : vector<16xf32>
          %add3A_545 = arith.constant 7 : i32
          %add3A_546 = arith.addi %mul3A_369, %add3A_545 : i32
          %get3A_547 = arith.index_cast %add3A_546 : i32 to index
          %get3A_548 = arith.constant 0 : index
          %get3A_549 = tpu.vector_load %arg9[%get3A_547, %get3A_548] {strides = array<i32>} : memref<1664x32xf32, #tpu.memory_space<vmem>>, vector<1x16xf32>,
          %get3A_550 = vector.shape_cast %get3A_549 : vector<1x16xf32> to vector<16xf32>
          %get3A_551 = arith.constant 7 : i32
          %get3A_552 = arith.index_cast %get3A_551 : i32 to index
          %get3A_553 = arith.constant 0 : index
          %get3A_554 = tpu.vector_load %arg10[%get3A_552, %get3A_553] {strides = array<i32>} : memref<26x32xf32, #tpu.memory_space<vmem>>, vector<1x16xf32>,
          %get3A_555 = vector.shape_cast %get3A_554 : vector<1x16xf32> to vector<16xf32>
          %mul3A_556 = arith.mulf %get3A_550, %get3A_555 : vector<16xf32>
          %add3A_557 = arith.addf %add3A_531, %mul3A_556 : vector<16xf32>
          %add3A_558 = arith.constant 7 : i32
          %add3A_559 = arith.addi %mul3A_369, %add3A_558 : i32
          %get3A_560 = arith.index_cast %add3A_559 : i32 to index
          %get3A_561 = arith.constant 16 : index
          %get3A_562 = tpu.vector_load %arg9[%get3A_560, %get3A_561] {strides = array<i32>} : memref<1664x32xf32, #tpu.memory_space<vmem>>, vector<1x16xf32>,
          %get3A_563 = vector.shape_cast %get3A_562 : vector<1x16xf32> to vector<16xf32>
          %get3A_564 = arith.constant 7 : i32
          %get3A_565 = arith.index_cast %get3A_564 : i32 to index
          %get3A_566 = arith.constant 16 : index
          %get3A_567 = tpu.vector_load %arg10[%get3A_565, %get3A_566] {strides = array<i32>} : memref<26x32xf32, #tpu.memory_space<vmem>>, vector<1x16xf32>,
          %get3A_568 = vector.shape_cast %get3A_567 : vector<1x16xf32> to vector<16xf32>
          %mul3A_569 = arith.mulf %get3A_563, %get3A_568 : vector<16xf32>
          %add3A_570 = arith.addf %add3A_544, %mul3A_569 : vector<16xf32>
          %add3A_571 = arith.constant 8 : i32
          %add3A_572 = arith.addi %mul3A_369, %add3A_571 : i32
          %get3A_573 = arith.index_cast %add3A_572 : i32 to index
          %get3A_574 = arith.constant 0 : index
          %get3A_575 = tpu.vector_load %arg9[%get3A_573, %get3A_574] {strides = array<i32>} : memref<1664x32xf32, #tpu.memory_space<vmem>>, vector<1x16xf32>,
          %get3A_576 = vector.shape_cast %get3A_575 : vector<1x16xf32> to vector<16xf32>
          %get3A_577 = arith.constant 8 : i32
          %get3A_578 = arith.index_cast %get3A_577 : i32 to index
          %get3A_579 = arith.constant 0 : index
          %get3A_580 = tpu.vector_load %arg10[%get3A_578, %get3A_579] {strides = array<i32>} : memref<26x32xf32, #tpu.memory_space<vmem>>, vector<1x16xf32>,
          %get3A_581 = vector.shape_cast %get3A_580 : vector<1x16xf32> to vector<16xf32>
          %mul3A_582 = arith.mulf %get3A_576, %get3A_581 : vector<16xf32>
          %add3A_583 = arith.addf %add3A_557, %mul3A_582 : vector<16xf32>
          %add3A_584 = arith.constant 8 : i32
          %add3A_585 = arith.addi %mul3A_369, %add3A_584 : i32
          %get3A_586 = arith.index_cast %add3A_585 : i32 to index
          %get3A_587 = arith.constant 16 : index
          %get3A_588 = tpu.vector_load %arg9[%get3A_586, %get3A_587] {strides = array<i32>} : memref<1664x32xf32, #tpu.memory_space<vmem>>, vector<1x16xf32>,
          %get3A_589 = vector.shape_cast %get3A_588 : vector<1x16xf32> to vector<16xf32>
          %get3A_590 = arith.constant 8 : i32
          %get3A_591 = arith.index_cast %get3A_590 : i32 to index
          %get3A_592 = arith.constant 16 : index
          %get3A_593 = tpu.vector_load %arg10[%get3A_591, %get3A_592] {strides = array<i32>} : memref<26x32xf32, #tpu.memory_space<vmem>>, vector<1x16xf32>,
          %get3A_594 = vector.shape_cast %get3A_593 : vector<1x16xf32> to vector<16xf32>
          %mul3A_595 = arith.mulf %get3A_589, %get3A_594 : vector<16xf32>
          %add3A_596 = arith.addf %add3A_570, %mul3A_595 : vector<16xf32>
          %add3A_597 = arith.constant 9 : i32
          %add3A_598 = arith.addi %mul3A_369, %add3A_597 : i32
          %get3A_599 = arith.index_cast %add3A_598 : i32 to index
          %get3A_600 = arith.constant 0 : index
          %get3A_601 = tpu.vector_load %arg9[%get3A_599, %get3A_600] {strides = array<i32>} : memref<1664x32xf32, #tpu.memory_space<vmem>>, vector<1x16xf32>,
          %get3A_602 = vector.shape_cast %get3A_601 : vector<1x16xf32> to vector<16xf32>
          %get3A_603 = arith.constant 9 : i32
          %get3A_604 = arith.index_cast %get3A_603 : i32 to index
          %get3A_605 = arith.constant 0 : index
          %get3A_606 = tpu.vector_load %arg10[%get3A_604, %get3A_605] {strides = array<i32>} : memref<26x32xf32, #tpu.memory_space<vmem>>, vector<1x16xf32>,
          %get3A_607 = vector.shape_cast %get3A_606 : vector<1x16xf32> to vector<16xf32>
          %mul3A_608 = arith.mulf %get3A_602, %get3A_607 : vector<16xf32>
          %add3A_609 = arith.addf %add3A_583, %mul3A_608 : vector<16xf32>
          %add3A_610 = arith.constant 9 : i32
          %add3A_611 = arith.addi %mul3A_369, %add3A_610 : i32
          %get3A_612 = arith.index_cast %add3A_611 : i32 to index
          %get3A_613 = arith.constant 16 : index
          %get3A_614 = tpu.vector_load %arg9[%get3A_612, %get3A_613] {strides = array<i32>} : memref<1664x32xf32, #tpu.memory_space<vmem>>, vector<1x16xf32>,
          %get3A_615 = vector.shape_cast %get3A_614 : vector<1x16xf32> to vector<16xf32>
          %get3A_616 = arith.constant 9 : i32
          %get3A_617 = arith.index_cast %get3A_616 : i32 to index
          %get3A_618 = arith.constant 16 : index
          %get3A_619 = tpu.vector_load %arg10[%get3A_617, %get3A_618] {strides = array<i32>} : memref<26x32xf32, #tpu.memory_space<vmem>>, vector<1x16xf32>,
          %get3A_620 = vector.shape_cast %get3A_619 : vector<1x16xf32> to vector<16xf32>
          %mul3A_621 = arith.mulf %get3A_615, %get3A_620 : vector<16xf32>
          %add3A_622 = arith.addf %add3A_596, %mul3A_621 : vector<16xf32>
          %add3A_623 = arith.constant 10 : i32
          %add3A_624 = arith.addi %mul3A_369, %add3A_623 : i32
          %get3A_625 = arith.index_cast %add3A_624 : i32 to index
          %get3A_626 = arith.constant 0 : index
          %get3A_627 = tpu.vector_load %arg9[%get3A_625, %get3A_626] {strides = array<i32>} : memref<1664x32xf32, #tpu.memory_space<vmem>>, vector<1x16xf32>,
          %get3A_628 = vector.shape_cast %get3A_627 : vector<1x16xf32> to vector<16xf32>
          %get3A_629 = arith.constant 10 : i32
          %get3A_630 = arith.index_cast %get3A_629 : i32 to index
          %get3A_631 = arith.constant 0 : index
          %get3A_632 = tpu.vector_load %arg10[%get3A_630, %get3A_631] {strides = array<i32>} : memref<26x32xf32, #tpu.memory_space<vmem>>, vector<1x16xf32>,
          %get3A_633 = vector.shape_cast %get3A_632 : vector<1x16xf32> to vector<16xf32>
          %mul3A_634 = arith.mulf %get3A_628, %get3A_633 : vector<16xf32>
          %add3A_635 = arith.addf %add3A_609, %mul3A_634 : vector<16xf32>
          %add3A_636 = arith.constant 10 : i32
          %add3A_637 = arith.addi %mul3A_369, %add3A_636 : i32
          %get3A_638 = arith.index_cast %add3A_637 : i32 to index
          %get3A_639 = arith.constant 16 : index
          %get3A_640 = tpu.vector_load %arg9[%get3A_638, %get3A_639] {strides = array<i32>} : memref<1664x32xf32, #tpu.memory_space<vmem>>, vector<1x16xf32>,
          %get3A_641 = vector.shape_cast %get3A_640 : vector<1x16xf32> to vector<16xf32>
          %get3A_642 = arith.constant 10 : i32
          %get3A_643 = arith.index_cast %get3A_642 : i32 to index
          %get3A_644 = arith.constant 16 : index
          %get3A_645 = tpu.vector_load %arg10[%get3A_643, %get3A_644] {strides = array<i32>} : memref<26x32xf32, #tpu.memory_space<vmem>>, vector<1x16xf32>,
          %get3A_646 = vector.shape_cast %get3A_645 : vector<1x16xf32> to vector<16xf32>
          %mul3A_647 = arith.mulf %get3A_641, %get3A_646 : vector<16xf32>
          %add3A_648 = arith.addf %add3A_622, %mul3A_647 : vector<16xf32>
          %add3A_649 = arith.constant 11 : i32
          %add3A_650 = arith.addi %mul3A_369, %add3A_649 : i32
          %get3A_651 = arith.index_cast %add3A_650 : i32 to index
          %get3A_652 = arith.constant 0 : index
          %get3A_653 = tpu.vector_load %arg9[%get3A_651, %get3A_652] {strides = array<i32>} : memref<1664x32xf32, #tpu.memory_space<vmem>>, vector<1x16xf32>,
          %get3A_654 = vector.shape_cast %get3A_653 : vector<1x16xf32> to vector<16xf32>
          %get3A_655 = arith.constant 11 : i32
          %get3A_656 = arith.index_cast %get3A_655 : i32 to index
          %get3A_657 = arith.constant 0 : index
          %get3A_658 = tpu.vector_load %arg10[%get3A_656, %get3A_657] {strides = array<i32>} : memref<26x32xf32, #tpu.memory_space<vmem>>, vector<1x16xf32>,
          %get3A_659 = vector.shape_cast %get3A_658 : vector<1x16xf32> to vector<16xf32>
          %mul3A_660 = arith.mulf %get3A_654, %get3A_659 : vector<16xf32>
          %add3A_661 = arith.addf %add3A_635, %mul3A_660 : vector<16xf32>
          %add3A_662 = arith.constant 11 : i32
          %add3A_663 = arith.addi %mul3A_369, %add3A_662 : i32
          %get3A_664 = arith.index_cast %add3A_663 : i32 to index
          %get3A_665 = arith.constant 16 : index
          %get3A_666 = tpu.vector_load %arg9[%get3A_664, %get3A_665] {strides = array<i32>} : memref<1664x32xf32, #tpu.memory_space<vmem>>, vector<1x16xf32>,
          %get3A_667 = vector.shape_cast %get3A_666 : vector<1x16xf32> to vector<16xf32>
          %get3A_668 = arith.constant 11 : i32
          %get3A_669 = arith.index_cast %get3A_668 : i32 to index
          %get3A_670 = arith.constant 16 : index
          %get3A_671 = tpu.vector_load %arg10[%get3A_669, %get3A_670] {strides = array<i32>} : memref<26x32xf32, #tpu.memory_space<vmem>>, vector<1x16xf32>,
          %get3A_672 = vector.shape_cast %get3A_671 : vector<1x16xf32> to vector<16xf32>
          %mul3A_673 = arith.mulf %get3A_667, %get3A_672 : vector<16xf32>
          %add3A_674 = arith.addf %add3A_648, %mul3A_673 : vector<16xf32>
          %add3A_675 = arith.constant 12 : i32
          %add3A_676 = arith.addi %mul3A_369, %add3A_675 : i32
          %get3A_677 = arith.index_cast %add3A_676 : i32 to index
          %get3A_678 = arith.constant 0 : index
          %get3A_679 = tpu.vector_load %arg9[%get3A_677, %get3A_678] {strides = array<i32>} : memref<1664x32xf32, #tpu.memory_space<vmem>>, vector<1x16xf32>,
          %get3A_680 = vector.shape_cast %get3A_679 : vector<1x16xf32> to vector<16xf32>
          %get3A_681 = arith.constant 12 : i32
          %get3A_682 = arith.index_cast %get3A_681 : i32 to index
          %get3A_683 = arith.constant 0 : index
          %get3A_684 = tpu.vector_load %arg10[%get3A_682, %get3A_683] {strides = array<i32>} : memref<26x32xf32, #tpu.memory_space<vmem>>, vector<1x16xf32>,
          %get3A_685 = vector.shape_cast %get3A_684 : vector<1x16xf32> to vector<16xf32>
          %mul3A_686 = arith.mulf %get3A_680, %get3A_685 : vector<16xf32>
          %add3A_687 = arith.addf %add3A_661, %mul3A_686 : vector<16xf32>
          %add3A_688 = arith.constant 12 : i32
          %add3A_689 = arith.addi %mul3A_369, %add3A_688 : i32
          %get3A_690 = arith.index_cast %add3A_689 : i32 to index
          %get3A_691 = arith.constant 16 : index
          %get3A_692 = tpu.vector_load %arg9[%get3A_690, %get3A_691] {strides = array<i32>} : memref<1664x32xf32, #tpu.memory_space<vmem>>, vector<1x16xf32>,
          %get3A_693 = vector.shape_cast %get3A_692 : vector<1x16xf32> to vector<16xf32>
          %get3A_694 = arith.constant 12 : i32
          %get3A_695 = arith.index_cast %get3A_694 : i32 to index
          %get3A_696 = arith.constant 16 : index
          %get3A_697 = tpu.vector_load %arg10[%get3A_695, %get3A_696] {strides = array<i32>} : memref<26x32xf32, #tpu.memory_space<vmem>>, vector<1x16xf32>,
          %get3A_698 = vector.shape_cast %get3A_697 : vector<1x16xf32> to vector<16xf32>
          %mul3A_699 = arith.mulf %get3A_693, %get3A_698 : vector<16xf32>
          %add3A_700 = arith.addf %add3A_674, %mul3A_699 : vector<16xf32>
          %add3A_701 = arith.constant 13 : i32
          %add3A_702 = arith.addi %mul3A_369, %add3A_701 : i32
          %get3A_703 = arith.index_cast %add3A_702 : i32 to index
          %get3A_704 = arith.constant 0 : index
          %get3A_705 = tpu.vector_load %arg9[%get3A_703, %get3A_704] {strides = array<i32>} : memref<1664x32xf32, #tpu.memory_space<vmem>>, vector<1x16xf32>,
          %get3A_706 = vector.shape_cast %get3A_705 : vector<1x16xf32> to vector<16xf32>
          %get3A_707 = arith.constant 13 : i32
          %get3A_708 = arith.index_cast %get3A_707 : i32 to index
          %get3A_709 = arith.constant 0 : index
          %get3A_710 = tpu.vector_load %arg10[%get3A_708, %get3A_709] {strides = array<i32>} : memref<26x32xf32, #tpu.memory_space<vmem>>, vector<1x16xf32>,
          %get3A_711 = vector.shape_cast %get3A_710 : vector<1x16xf32> to vector<16xf32>
          %mul3A_712 = arith.mulf %get3A_706, %get3A_711 : vector<16xf32>
          %add3A_713 = arith.addf %add3A_687, %mul3A_712 : vector<16xf32>
          %add3A_714 = arith.constant 13 : i32
          %add3A_715 = arith.addi %mul3A_369, %add3A_714 : i32
          %get3A_716 = arith.index_cast %add3A_715 : i32 to index
          %get3A_717 = arith.constant 16 : index
          %get3A_718 = tpu.vector_load %arg9[%get3A_716, %get3A_717] {strides = array<i32>} : memref<1664x32xf32, #tpu.memory_space<vmem>>, vector<1x16xf32>,
          %get3A_719 = vector.shape_cast %get3A_718 : vector<1x16xf32> to vector<16xf32>
          %get3A_720 = arith.constant 13 : i32
          %get3A_721 = arith.index_cast %get3A_720 : i32 to index
          %get3A_722 = arith.constant 16 : index
          %get3A_723 = tpu.vector_load %arg10[%get3A_721, %get3A_722] {strides = array<i32>} : memref<26x32xf32, #tpu.memory_space<vmem>>, vector<1x16xf32>,
          %get3A_724 = vector.shape_cast %get3A_723 : vector<1x16xf32> to vector<16xf32>
          %mul3A_725 = arith.mulf %get3A_719, %get3A_724 : vector<16xf32>
          %add3A_726 = arith.addf %add3A_700, %mul3A_725 : vector<16xf32>
          %add3A_727 = arith.constant 14 : i32
          %add3A_728 = arith.addi %mul3A_369, %add3A_727 : i32
          %get3A_729 = arith.index_cast %add3A_728 : i32 to index
          %get3A_730 = arith.constant 0 : index
          %get3A_731 = tpu.vector_load %arg9[%get3A_729, %get3A_730] {strides = array<i32>} : memref<1664x32xf32, #tpu.memory_space<vmem>>, vector<1x16xf32>,
          %get3A_732 = vector.shape_cast %get3A_731 : vector<1x16xf32> to vector<16xf32>
          %get3A_733 = arith.constant 14 : i32
          %get3A_734 = arith.index_cast %get3A_733 : i32 to index
          %get3A_735 = arith.constant 0 : index
          %get3A_736 = tpu.vector_load %arg10[%get3A_734, %get3A_735] {strides = array<i32>} : memref<26x32xf32, #tpu.memory_space<vmem>>, vector<1x16xf32>,
          %get3A_737 = vector.shape_cast %get3A_736 : vector<1x16xf32> to vector<16xf32>
          %mul3A_738 = arith.mulf %get3A_732, %get3A_737 : vector<16xf32>
          %add3A_739 = arith.addf %add3A_713, %mul3A_738 : vector<16xf32>
          %add3A_740 = arith.constant 14 : i32
          %add3A_741 = arith.addi %mul3A_369, %add3A_740 : i32
          %get3A_742 = arith.index_cast %add3A_741 : i32 to index
          %get3A_743 = arith.constant 16 : index
          %get3A_744 = tpu.vector_load %arg9[%get3A_742, %get3A_743] {strides = array<i32>} : memref<1664x32xf32, #tpu.memory_space<vmem>>, vector<1x16xf32>,
          %get3A_745 = vector.shape_cast %get3A_744 : vector<1x16xf32> to vector<16xf32>
          %get3A_746 = arith.constant 14 : i32
          %get3A_747 = arith.index_cast %get3A_746 : i32 to index
          %get3A_748 = arith.constant 16 : index
          %get3A_749 = tpu.vector_load %arg10[%get3A_747, %get3A_748] {strides = array<i32>} : memref<26x32xf32, #tpu.memory_space<vmem>>, vector<1x16xf32>,
          %get3A_750 = vector.shape_cast %get3A_749 : vector<1x16xf32> to vector<16xf32>
          %mul3A_751 = arith.mulf %get3A_745, %get3A_750 : vector<16xf32>
          %add3A_752 = arith.addf %add3A_726, %mul3A_751 : vector<16xf32>
          %add3A_753 = arith.constant 15 : i32
          %add3A_754 = arith.addi %mul3A_369, %add3A_753 : i32
          %get3A_755 = arith.index_cast %add3A_754 : i32 to index
          %get3A_756 = arith.constant 0 : index
          %get3A_757 = tpu.vector_load %arg9[%get3A_755, %get3A_756] {strides = array<i32>} : memref<1664x32xf32, #tpu.memory_space<vmem>>, vector<1x16xf32>,
          %get3A_758 = vector.shape_cast %get3A_757 : vector<1x16xf32> to vector<16xf32>
          %get3A_759 = arith.constant 15 : i32
          %get3A_760 = arith.index_cast %get3A_759 : i32 to index
          %get3A_761 = arith.constant 0 : index
          %get3A_762 = tpu.vector_load %arg10[%get3A_760, %get3A_761] {strides = array<i32>} : memref<26x32xf32, #tpu.memory_space<vmem>>, vector<1x16xf32>,
          %get3A_763 = vector.shape_cast %get3A_762 : vector<1x16xf32> to vector<16xf32>
          %mul3A_764 = arith.mulf %get3A_758, %get3A_763 : vector<16xf32>
          %add3A_765 = arith.addf %add3A_739, %mul3A_764 : vector<16xf32>
          %add3A_766 = arith.constant 15 : i32
          %add3A_767 = arith.addi %mul3A_369, %add3A_766 : i32
          %get3A_768 = arith.index_cast %add3A_767 : i32 to index
          %get3A_769 = arith.constant 16 : index
          %get3A_770 = tpu.vector_load %arg9[%get3A_768, %get3A_769] {strides = array<i32>} : memref<1664x32xf32, #tpu.memory_space<vmem>>, vector<1x16xf32>,
          %get3A_771 = vector.shape_cast %get3A_770 : vector<1x16xf32> to vector<16xf32>
          %get3A_772 = arith.constant 15 : i32
          %get3A_773 = arith.index_cast %get3A_772 : i32 to index
          %get3A_774 = arith.constant 16 : index
          %get3A_775 = tpu.vector_load %arg10[%get3A_773, %get3A_774] {strides = array<i32>} : memref<26x32xf32, #tpu.memory_space<vmem>>, vector<1x16xf32>,
          %get3A_776 = vector.shape_cast %get3A_775 : vector<1x16xf32> to vector<16xf32>
          %mul3A_777 = arith.mulf %get3A_771, %get3A_776 : vector<16xf32>
          %add3A_778 = arith.addf %add3A_752, %mul3A_777 : vector<16xf32>
          %add3A_779 = arith.constant 16 : i32
          %add3A_780 = arith.addi %mul3A_369, %add3A_779 : i32
          %get3A_781 = arith.index_cast %add3A_780 : i32 to index
          %get3A_782 = arith.constant 0 : index
          %get3A_783 = tpu.vector_load %arg9[%get3A_781, %get3A_782] {strides = array<i32>} : memref<1664x32xf32, #tpu.memory_space<vmem>>, vector<1x16xf32>,
          %get3A_784 = vector.shape_cast %get3A_783 : vector<1x16xf32> to vector<16xf32>
          %get3A_785 = arith.constant 16 : i32
          %get3A_786 = arith.index_cast %get3A_785 : i32 to index
          %get3A_787 = arith.constant 0 : index
          %get3A_788 = tpu.vector_load %arg10[%get3A_786, %get3A_787] {strides = array<i32>} : memref<26x32xf32, #tpu.memory_space<vmem>>, vector<1x16xf32>,
          %get3A_789 = vector.shape_cast %get3A_788 : vector<1x16xf32> to vector<16xf32>
          %mul3A_790 = arith.mulf %get3A_784, %get3A_789 : vector<16xf32>
          %add3A_791 = arith.addf %add3A_765, %mul3A_790 : vector<16xf32>
          %add3A_792 = arith.constant 16 : i32
          %add3A_793 = arith.addi %mul3A_369, %add3A_792 : i32
          %get3A_794 = arith.index_cast %add3A_793 : i32 to index
          %get3A_795 = arith.constant 16 : index
          %get3A_796 = tpu.vector_load %arg9[%get3A_794, %get3A_795] {strides = array<i32>} : memref<1664x32xf32, #tpu.memory_space<vmem>>, vector<1x16xf32>,
          %get3A_797 = vector.shape_cast %get3A_796 : vector<1x16xf32> to vector<16xf32>
          %get3A_798 = arith.constant 16 : i32
          %get3A_799 = arith.index_cast %get3A_798 : i32 to index
          %get3A_800 = arith.constant 16 : index
          %get3A_801 = tpu.vector_load %arg10[%get3A_799, %get3A_800] {strides = array<i32>} : memref<26x32xf32, #tpu.memory_space<vmem>>, vector<1x16xf32>,
          %get3A_802 = vector.shape_cast %get3A_801 : vector<1x16xf32> to vector<16xf32>
          %mul3A_803 = arith.mulf %get3A_797, %get3A_802 : vector<16xf32>
          %add3A_804 = arith.addf %add3A_778, %mul3A_803 : vector<16xf32>
          %add3A_805 = arith.constant 17 : i32
          %add3A_806 = arith.addi %mul3A_369, %add3A_805 : i32
          %get3A_807 = arith.index_cast %add3A_806 : i32 to index
          %get3A_808 = arith.constant 0 : index
          %get3A_809 = tpu.vector_load %arg9[%get3A_807, %get3A_808] {strides = array<i32>} : memref<1664x32xf32, #tpu.memory_space<vmem>>, vector<1x16xf32>,
          %get3A_810 = vector.shape_cast %get3A_809 : vector<1x16xf32> to vector<16xf32>
          %get3A_811 = arith.constant 17 : i32
          %get3A_812 = arith.index_cast %get3A_811 : i32 to index
          %get3A_813 = arith.constant 0 : index
          %get3A_814 = tpu.vector_load %arg10[%get3A_812, %get3A_813] {strides = array<i32>} : memref<26x32xf32, #tpu.memory_space<vmem>>, vector<1x16xf32>,
          %get3A_815 = vector.shape_cast %get3A_814 : vector<1x16xf32> to vector<16xf32>
          %mul3A_816 = arith.mulf %get3A_810, %get3A_815 : vector<16xf32>
          %add3A_817 = arith.addf %add3A_791, %mul3A_816 : vector<16xf32>
          %add3A_818 = arith.constant 17 : i32
          %add3A_819 = arith.addi %mul3A_369, %add3A_818 : i32
          %get3A_820 = arith.index_cast %add3A_819 : i32 to index
          %get3A_821 = arith.constant 16 : index
          %get3A_822 = tpu.vector_load %arg9[%get3A_820, %get3A_821] {strides = array<i32>} : memref<1664x32xf32, #tpu.memory_space<vmem>>, vector<1x16xf32>,
          %get3A_823 = vector.shape_cast %get3A_822 : vector<1x16xf32> to vector<16xf32>
          %get3A_824 = arith.constant 17 : i32
          %get3A_825 = arith.index_cast %get3A_824 : i32 to index
          %get3A_826 = arith.constant 16 : index
          %get3A_827 = tpu.vector_load %arg10[%get3A_825, %get3A_826] {strides = array<i32>} : memref<26x32xf32, #tpu.memory_space<vmem>>, vector<1x16xf32>,
          %get3A_828 = vector.shape_cast %get3A_827 : vector<1x16xf32> to vector<16xf32>
          %mul3A_829 = arith.mulf %get3A_823, %get3A_828 : vector<16xf32>
          %add3A_830 = arith.addf %add3A_804, %mul3A_829 : vector<16xf32>
          %add3A_831 = arith.constant 18 : i32
          %add3A_832 = arith.addi %mul3A_369, %add3A_831 : i32
          %get3A_833 = arith.index_cast %add3A_832 : i32 to index
          %get3A_834 = arith.constant 0 : index
          %get3A_835 = tpu.vector_load %arg9[%get3A_833, %get3A_834] {strides = array<i32>} : memref<1664x32xf32, #tpu.memory_space<vmem>>, vector<1x16xf32>,
          %get3A_836 = vector.shape_cast %get3A_835 : vector<1x16xf32> to vector<16xf32>
          %get3A_837 = arith.constant 18 : i32
          %get3A_838 = arith.index_cast %get3A_837 : i32 to index
          %get3A_839 = arith.constant 0 : index
          %get3A_840 = tpu.vector_load %arg10[%get3A_838, %get3A_839] {strides = array<i32>} : memref<26x32xf32, #tpu.memory_space<vmem>>, vector<1x16xf32>,
          %get3A_841 = vector.shape_cast %get3A_840 : vector<1x16xf32> to vector<16xf32>
          %mul3A_842 = arith.mulf %get3A_836, %get3A_841 : vector<16xf32>
          %add3A_843 = arith.addf %add3A_817, %mul3A_842 : vector<16xf32>
          %add3A_844 = arith.constant 18 : i32
          %add3A_845 = arith.addi %mul3A_369, %add3A_844 : i32
          %get3A_846 = arith.index_cast %add3A_845 : i32 to index
          %get3A_847 = arith.constant 16 : index
          %get3A_848 = tpu.vector_load %arg9[%get3A_846, %get3A_847] {strides = array<i32>} : memref<1664x32xf32, #tpu.memory_space<vmem>>, vector<1x16xf32>,
          %get3A_849 = vector.shape_cast %get3A_848 : vector<1x16xf32> to vector<16xf32>
          %get3A_850 = arith.constant 18 : i32
          %get3A_851 = arith.index_cast %get3A_850 : i32 to index
          %get3A_852 = arith.constant 16 : index
          %get3A_853 = tpu.vector_load %arg10[%get3A_851, %get3A_852] {strides = array<i32>} : memref<26x32xf32, #tpu.memory_space<vmem>>, vector<1x16xf32>,
          %get3A_854 = vector.shape_cast %get3A_853 : vector<1x16xf32> to vector<16xf32>
          %mul3A_855 = arith.mulf %get3A_849, %get3A_854 : vector<16xf32>
          %add3A_856 = arith.addf %add3A_830, %mul3A_855 : vector<16xf32>
          %add3A_857 = arith.constant 19 : i32
          %add3A_858 = arith.addi %mul3A_369, %add3A_857 : i32
          %get3A_859 = arith.index_cast %add3A_858 : i32 to index
          %get3A_860 = arith.constant 0 : index
          %get3A_861 = tpu.vector_load %arg9[%get3A_859, %get3A_860] {strides = array<i32>} : memref<1664x32xf32, #tpu.memory_space<vmem>>, vector<1x16xf32>,
          %get3A_862 = vector.shape_cast %get3A_861 : vector<1x16xf32> to vector<16xf32>
          %get3A_863 = arith.constant 19 : i32
          %get3A_864 = arith.index_cast %get3A_863 : i32 to index
          %get3A_865 = arith.constant 0 : index
          %get3A_866 = tpu.vector_load %arg10[%get3A_864, %get3A_865] {strides = array<i32>} : memref<26x32xf32, #tpu.memory_space<vmem>>, vector<1x16xf32>,
          %get3A_867 = vector.shape_cast %get3A_866 : vector<1x16xf32> to vector<16xf32>
          %mul3A_868 = arith.mulf %get3A_862, %get3A_867 : vector<16xf32>
          %add3A_869 = arith.addf %add3A_843, %mul3A_868 : vector<16xf32>
          %add3A_870 = arith.constant 19 : i32
          %add3A_871 = arith.addi %mul3A_369, %add3A_870 : i32
          %get3A_872 = arith.index_cast %add3A_871 : i32 to index
          %get3A_873 = arith.constant 16 : index
          %get3A_874 = tpu.vector_load %arg9[%get3A_872, %get3A_873] {strides = array<i32>} : memref<1664x32xf32, #tpu.memory_space<vmem>>, vector<1x16xf32>,
          %get3A_875 = vector.shape_cast %get3A_874 : vector<1x16xf32> to vector<16xf32>
          %get3A_876 = arith.constant 19 : i32
          %get3A_877 = arith.index_cast %get3A_876 : i32 to index
          %get3A_878 = arith.constant 16 : index
          %get3A_879 = tpu.vector_load %arg10[%get3A_877, %get3A_878] {strides = array<i32>} : memref<26x32xf32, #tpu.memory_space<vmem>>, vector<1x16xf32>,
          %get3A_880 = vector.shape_cast %get3A_879 : vector<1x16xf32> to vector<16xf32>
          %mul3A_881 = arith.mulf %get3A_875, %get3A_880 : vector<16xf32>
          %add3A_882 = arith.addf %add3A_856, %mul3A_881 : vector<16xf32>
          %add3A_883 = arith.constant 20 : i32
          %add3A_884 = arith.addi %mul3A_369, %add3A_883 : i32
          %get3A_885 = arith.index_cast %add3A_884 : i32 to index
          %get3A_886 = arith.constant 0 : index
          %get3A_887 = tpu.vector_load %arg9[%get3A_885, %get3A_886] {strides = array<i32>} : memref<1664x32xf32, #tpu.memory_space<vmem>>, vector<1x16xf32>,
          %get3A_888 = vector.shape_cast %get3A_887 : vector<1x16xf32> to vector<16xf32>
          %get3A_889 = arith.constant 20 : i32
          %get3A_890 = arith.index_cast %get3A_889 : i32 to index
          %get3A_891 = arith.constant 0 : index
          %get3A_892 = tpu.vector_load %arg10[%get3A_890, %get3A_891] {strides = array<i32>} : memref<26x32xf32, #tpu.memory_space<vmem>>, vector<1x16xf32>,
          %get3A_893 = vector.shape_cast %get3A_892 : vector<1x16xf32> to vector<16xf32>
          %mul3A_894 = arith.mulf %get3A_888, %get3A_893 : vector<16xf32>
          %add3A_895 = arith.addf %add3A_869, %mul3A_894 : vector<16xf32>
          %add3A_896 = arith.constant 20 : i32
          %add3A_897 = arith.addi %mul3A_369, %add3A_896 : i32
          %get3A_898 = arith.index_cast %add3A_897 : i32 to index
          %get3A_899 = arith.constant 16 : index
          %get3A_900 = tpu.vector_load %arg9[%get3A_898, %get3A_899] {strides = array<i32>} : memref<1664x32xf32, #tpu.memory_space<vmem>>, vector<1x16xf32>,
          %get3A_901 = vector.shape_cast %get3A_900 : vector<1x16xf32> to vector<16xf32>
          %get3A_902 = arith.constant 20 : i32
          %get3A_903 = arith.index_cast %get3A_902 : i32 to index
          %get3A_904 = arith.constant 16 : index
          %get3A_905 = tpu.vector_load %arg10[%get3A_903, %get3A_904] {strides = array<i32>} : memref<26x32xf32, #tpu.memory_space<vmem>>, vector<1x16xf32>,
          %get3A_906 = vector.shape_cast %get3A_905 : vector<1x16xf32> to vector<16xf32>
          %mul3A_907 = arith.mulf %get3A_901, %get3A_906 : vector<16xf32>
          %add3A_908 = arith.addf %add3A_882, %mul3A_907 : vector<16xf32>
          %add3A_909 = arith.constant 21 : i32
          %add3A_910 = arith.addi %mul3A_369, %add3A_909 : i32
          %get3A_911 = arith.index_cast %add3A_910 : i32 to index
          %get3A_912 = arith.constant 0 : index
          %get3A_913 = tpu.vector_load %arg9[%get3A_911, %get3A_912] {strides = array<i32>} : memref<1664x32xf32, #tpu.memory_space<vmem>>, vector<1x16xf32>,
          %get3A_914 = vector.shape_cast %get3A_913 : vector<1x16xf32> to vector<16xf32>
          %get3A_915 = arith.constant 21 : i32
          %get3A_916 = arith.index_cast %get3A_915 : i32 to index
          %get3A_917 = arith.constant 0 : index
          %get3A_918 = tpu.vector_load %arg10[%get3A_916, %get3A_917] {strides = array<i32>} : memref<26x32xf32, #tpu.memory_space<vmem>>, vector<1x16xf32>,
          %get3A_919 = vector.shape_cast %get3A_918 : vector<1x16xf32> to vector<16xf32>
          %mul3A_920 = arith.mulf %get3A_914, %get3A_919 : vector<16xf32>
          %add3A_921 = arith.addf %add3A_895, %mul3A_920 : vector<16xf32>
          %add3A_922 = arith.constant 21 : i32
          %add3A_923 = arith.addi %mul3A_369, %add3A_922 : i32
          %get3A_924 = arith.index_cast %add3A_923 : i32 to index
          %get3A_925 = arith.constant 16 : index
          %get3A_926 = tpu.vector_load %arg9[%get3A_924, %get3A_925] {strides = array<i32>} : memref<1664x32xf32, #tpu.memory_space<vmem>>, vector<1x16xf32>,
          %get3A_927 = vector.shape_cast %get3A_926 : vector<1x16xf32> to vector<16xf32>
          %get3A_928 = arith.constant 21 : i32
          %get3A_929 = arith.index_cast %get3A_928 : i32 to index
          %get3A_930 = arith.constant 16 : index
          %get3A_931 = tpu.vector_load %arg10[%get3A_929, %get3A_930] {strides = array<i32>} : memref<26x32xf32, #tpu.memory_space<vmem>>, vector<1x16xf32>,
          %get3A_932 = vector.shape_cast %get3A_931 : vector<1x16xf32> to vector<16xf32>
          %mul3A_933 = arith.mulf %get3A_927, %get3A_932 : vector<16xf32>
          %add3A_934 = arith.addf %add3A_908, %mul3A_933 : vector<16xf32>
          %add3A_935 = arith.constant 22 : i32
          %add3A_936 = arith.addi %mul3A_369, %add3A_935 : i32
          %get3A_937 = arith.index_cast %add3A_936 : i32 to index
          %get3A_938 = arith.constant 0 : index
          %get3A_939 = tpu.vector_load %arg9[%get3A_937, %get3A_938] {strides = array<i32>} : memref<1664x32xf32, #tpu.memory_space<vmem>>, vector<1x16xf32>,
          %get3A_940 = vector.shape_cast %get3A_939 : vector<1x16xf32> to vector<16xf32>
          %get3A_941 = arith.constant 22 : i32
          %get3A_942 = arith.index_cast %get3A_941 : i32 to index
          %get3A_943 = arith.constant 0 : index
          %get3A_944 = tpu.vector_load %arg10[%get3A_942, %get3A_943] {strides = array<i32>} : memref<26x32xf32, #tpu.memory_space<vmem>>, vector<1x16xf32>,
          %get3A_945 = vector.shape_cast %get3A_944 : vector<1x16xf32> to vector<16xf32>
          %mul3A_946 = arith.mulf %get3A_940, %get3A_945 : vector<16xf32>
          %add3A_947 = arith.addf %add3A_921, %mul3A_946 : vector<16xf32>
          %add3A_948 = arith.constant 22 : i32
          %add3A_949 = arith.addi %mul3A_369, %add3A_948 : i32
          %get3A_950 = arith.index_cast %add3A_949 : i32 to index
          %get3A_951 = arith.constant 16 : index
          %get3A_952 = tpu.vector_load %arg9[%get3A_950, %get3A_951] {strides = array<i32>} : memref<1664x32xf32, #tpu.memory_space<vmem>>, vector<1x16xf32>,
          %get3A_953 = vector.shape_cast %get3A_952 : vector<1x16xf32> to vector<16xf32>
          %get3A_954 = arith.constant 22 : i32
          %get3A_955 = arith.index_cast %get3A_954 : i32 to index
          %get3A_956 = arith.constant 16 : index
          %get3A_957 = tpu.vector_load %arg10[%get3A_955, %get3A_956] {strides = array<i32>} : memref<26x32xf32, #tpu.memory_space<vmem>>, vector<1x16xf32>,
          %get3A_958 = vector.shape_cast %get3A_957 : vector<1x16xf32> to vector<16xf32>
          %mul3A_959 = arith.mulf %get3A_953, %get3A_958 : vector<16xf32>
          %add3A_960 = arith.addf %add3A_934, %mul3A_959 : vector<16xf32>
          %add3A_961 = arith.constant 23 : i32
          %add3A_962 = arith.addi %mul3A_369, %add3A_961 : i32
          %get3A_963 = arith.index_cast %add3A_962 : i32 to index
          %get3A_964 = arith.constant 0 : index
          %get3A_965 = tpu.vector_load %arg9[%get3A_963, %get3A_964] {strides = array<i32>} : memref<1664x32xf32, #tpu.memory_space<vmem>>, vector<1x16xf32>,
          %get3A_966 = vector.shape_cast %get3A_965 : vector<1x16xf32> to vector<16xf32>
          %get3A_967 = arith.constant 23 : i32
          %get3A_968 = arith.index_cast %get3A_967 : i32 to index
          %get3A_969 = arith.constant 0 : index
          %get3A_970 = tpu.vector_load %arg10[%get3A_968, %get3A_969] {strides = array<i32>} : memref<26x32xf32, #tpu.memory_space<vmem>>, vector<1x16xf32>,
          %get3A_971 = vector.shape_cast %get3A_970 : vector<1x16xf32> to vector<16xf32>
          %mul3A_972 = arith.mulf %get3A_966, %get3A_971 : vector<16xf32>
          %add3A_973 = arith.addf %add3A_947, %mul3A_972 : vector<16xf32>
          %add3A_974 = arith.constant 23 : i32
          %add3A_975 = arith.addi %mul3A_369, %add3A_974 : i32
          %get3A_976 = arith.index_cast %add3A_975 : i32 to index
          %get3A_977 = arith.constant 16 : index
          %get3A_978 = tpu.vector_load %arg9[%get3A_976, %get3A_977] {strides = array<i32>} : memref<1664x32xf32, #tpu.memory_space<vmem>>, vector<1x16xf32>,
          %get3A_979 = vector.shape_cast %get3A_978 : vector<1x16xf32> to vector<16xf32>
          %get3A_980 = arith.constant 23 : i32
          %get3A_981 = arith.index_cast %get3A_980 : i32 to index
          %get3A_982 = arith.constant 16 : index
          %get3A_983 = tpu.vector_load %arg10[%get3A_981, %get3A_982] {strides = array<i32>} : memref<26x32xf32, #tpu.memory_space<vmem>>, vector<1x16xf32>,
          %get3A_984 = vector.shape_cast %get3A_983 : vector<1x16xf32> to vector<16xf32>
          %mul3A_985 = arith.mulf %get3A_979, %get3A_984 : vector<16xf32>
          %add3A_986 = arith.addf %add3A_960, %mul3A_985 : vector<16xf32>
          %add3A_987 = arith.constant 24 : i32
          %add3A_988 = arith.addi %mul3A_369, %add3A_987 : i32
          %get3A_989 = arith.index_cast %add3A_988 : i32 to index
          %get3A_990 = arith.constant 0 : index
          %get3A_991 = tpu.vector_load %arg9[%get3A_989, %get3A_990] {strides = array<i32>} : memref<1664x32xf32, #tpu.memory_space<vmem>>, vector<1x16xf32>,
          %get3A_992 = vector.shape_cast %get3A_991 : vector<1x16xf32> to vector<16xf32>
          %get3A_993 = arith.constant 24 : i32
          %get3A_994 = arith.index_cast %get3A_993 : i32 to index
          %get3A_995 = arith.constant 0 : index
          %get3A_996 = tpu.vector_load %arg10[%get3A_994, %get3A_995] {strides = array<i32>} : memref<26x32xf32, #tpu.memory_space<vmem>>, vector<1x16xf32>,
          %get3A_997 = vector.shape_cast %get3A_996 : vector<1x16xf32> to vector<16xf32>
          %mul3A_998 = arith.mulf %get3A_992, %get3A_997 : vector<16xf32>
          %add3A_999 = arith.addf %add3A_973, %mul3A_998 : vector<16xf32>
          %add3A_1000 = arith.constant 24 : i32
          %add3A_1001 = arith.addi %mul3A_369, %add3A_1000 : i32
          %get3A_1002 = arith.index_cast %add3A_1001 : i32 to index
          %get3A_1003 = arith.constant 16 : index
          %get3A_1004 = tpu.vector_load %arg9[%get3A_1002, %get3A_1003] {strides = array<i32>} : memref<1664x32xf32, #tpu.memory_space<vmem>>, vector<1x16xf32>,
          %get3A_1005 = vector.shape_cast %get3A_1004 : vector<1x16xf32> to vector<16xf32>
          %get3A_1006 = arith.constant 24 : i32
          %get3A_1007 = arith.index_cast %get3A_1006 : i32 to index
          %get3A_1008 = arith.constant 16 : index
          %get3A_1009 = tpu.vector_load %arg10[%get3A_1007, %get3A_1008] {strides = array<i32>} : memref<26x32xf32, #tpu.memory_space<vmem>>, vector<1x16xf32>,
          %get3A_1010 = vector.shape_cast %get3A_1009 : vector<1x16xf32> to vector<16xf32>
          %mul3A_1011 = arith.mulf %get3A_1005, %get3A_1010 : vector<16xf32>
          %add3A_1012 = arith.addf %add3A_986, %mul3A_1011 : vector<16xf32>
          %add3A_1013 = arith.constant 25 : i32
          %add3A_1014 = arith.addi %mul3A_369, %add3A_1013 : i32
          %get3A_1015 = arith.index_cast %add3A_1014 : i32 to index
          %get3A_1016 = arith.constant 0 : index
          %get3A_1017 = tpu.vector_load %arg9[%get3A_1015, %get3A_1016] {strides = array<i32>} : memref<1664x32xf32, #tpu.memory_space<vmem>>, vector<1x16xf32>,
          %get3A_1018 = vector.shape_cast %get3A_1017 : vector<1x16xf32> to vector<16xf32>
          %get3A_1019 = arith.constant 25 : i32
          %get3A_1020 = arith.index_cast %get3A_1019 : i32 to index
          %get3A_1021 = arith.constant 0 : index
          %get3A_1022 = tpu.vector_load %arg10[%get3A_1020, %get3A_1021] {strides = array<i32>} : memref<26x32xf32, #tpu.memory_space<vmem>>, vector<1x16xf32>,
          %get3A_1023 = vector.shape_cast %get3A_1022 : vector<1x16xf32> to vector<16xf32>
          %mul3A_1024 = arith.mulf %get3A_1018, %get3A_1023 : vector<16xf32>
          %add3A_1025 = arith.addf %add3A_999, %mul3A_1024 : vector<16xf32>
          %add3A_1026 = arith.constant 25 : i32
          %add3A_1027 = arith.addi %mul3A_369, %add3A_1026 : i32
          %get3A_1028 = arith.index_cast %add3A_1027 : i32 to index
          %get3A_1029 = arith.constant 16 : index
          %get3A_1030 = tpu.vector_load %arg9[%get3A_1028, %get3A_1029] {strides = array<i32>} : memref<1664x32xf32, #tpu.memory_space<vmem>>, vector<1x16xf32>,
          %get3A_1031 = vector.shape_cast %get3A_1030 : vector<1x16xf32> to vector<16xf32>
          %get3A_1032 = arith.constant 25 : i32
          %get3A_1033 = arith.index_cast %get3A_1032 : i32 to index
          %get3A_1034 = arith.constant 16 : index
          %get3A_1035 = tpu.vector_load %arg10[%get3A_1033, %get3A_1034] {strides = array<i32>} : memref<26x32xf32, #tpu.memory_space<vmem>>, vector<1x16xf32>,
          %get3A_1036 = vector.shape_cast %get3A_1035 : vector<1x16xf32> to vector<16xf32>
          %mul3A_1037 = arith.mulf %get3A_1031, %get3A_1036 : vector<16xf32>
          %add3A_1038 = arith.addf %add3A_1012, %mul3A_1037 : vector<16xf32>
          %swap3A = arith.index_cast %add3A_367 : i32 to index
          %swap3A_1039 = arith.constant 0 : index
          %swap3A_1040 = tpu.vector_load %arg12[%swap3A, %swap3A_1039] {strides = array<i32>} : memref<64x32xf32, #tpu.memory_space<vmem>>, vector<1x16xf32>,
          %swap3A_1041 = vector.shape_cast %swap3A_1040 : vector<1x16xf32> to vector<16xf32>
          %swap3A_1042 = vector.shape_cast %add3A_1025 : vector<16xf32> to vector<1x16xf32>
          tpu.vector_store %arg12[%swap3A, %swap3A_1039], %swap3A_1042 {strides = array<i32>} : memref<64x32xf32, #tpu.memory_space<vmem>>, vector<1x16xf32>,
          %swap3A_1043 = arith.index_cast %add3A_367 : i32 to index
          %swap3A_1044 = arith.constant 16 : index
          %swap3A_1045 = tpu.vector_load %arg12[%swap3A_1043, %swap3A_1044] {strides = array<i32>} : memref<64x32xf32, #tpu.memory_space<vmem>>, vector<1x16xf32>,
          %swap3A_1046 = vector.shape_cast %swap3A_1045 : vector<1x16xf32> to vector<16xf32>
          %swap3A_1047 = vector.shape_cast %add3A_1038 : vector<16xf32> to vector<1x16xf32>
          tpu.vector_store %arg12[%swap3A_1043, %swap3A_1044], %swap3A_1047 {strides = array<i32>} : memref<64x32xf32, #tpu.memory_space<vmem>>, vector<1x16xf32>,
        }
        %scan3A_353 = arith.constant 64 : i32
        %mul3A_354 = arith.constant 512 : i32
        %mul3A_355 = arith.muli %add3A, %mul3A_354 : i32
        %mul3A_356 = arith.constant 64 : i32
        %mul3A_357 = arith.muli %add3A_141, %mul3A_356 : i32
        %add3A_358 = arith.addi %mul3A_355, %mul3A_357 : i32
        %dma_start3A_359 = arith.constant 0 : i32
        %dma_start3A_360 = tpu.memref_slice %arg5[%add3A_358, %dma_start3A_359] : memref<16384x32xf32, #tpu.memory_space<hbm>> -> memref<64x32xf32, #tpu.memory_space<hbm>>
        %dma_start3A_361 = arith.constant 0 : i32
        %dma_start3A_362 = tpu.memref_slice %arg5[%add3A_358, %dma_start3A_361] : memref<16384x32xf32, #tpu.memory_space<hbm>> -> memref<64x32xf32, #tpu.memory_space<hbm>>
        tpu.enqueue_dma source(%arg12 : memref<64x32xf32, #tpu.memory_space<vmem>>) target(%dma_start3A_362 : memref<64x32xf32, #tpu.memory_space<hbm>>) target_semaphore(%arg18 : memref<!tpu.dma_semaphore, #tpu.memory_space<semaphore_mem>>)
      } else {
      }
    }
    %scan3A_121 = arith.constant 8 : i32
    %mul3A_122 = arith.constant 512 : i32
    %mul3A_123 = arith.muli %add3A, %mul3A_122 : i32
    %add3A_124 = arith.constant 0 : i32
    %add3A_125 = arith.addi %mul3A_123, %add3A_124 : i32
    %dma_wait3A = arith.constant 0 : i32
    %dma_wait3A_126 = tpu.memref_slice %arg5[%add3A_125, %dma_wait3A] : memref<16384x32xf32, #tpu.memory_space<hbm>> -> memref<64x32xf32, #tpu.memory_space<hbm>>
    %dma_wait3A_127 = arith.constant 0 : i32
    %dma_wait3A_128 = tpu.memref_slice %arg5[%add3A_125, %dma_wait3A_127] : memref<16384x32xf32, #tpu.memory_space<hbm>> -> memref<64x32xf32, #tpu.memory_space<hbm>>
    tpu.wait_dma2 semaphore(%arg17 : memref<!tpu.dma_semaphore, #tpu.memory_space<semaphore_mem>>) src(%arg11 : memref<64x32xf32, #tpu.memory_space<vmem>>) dst(%dma_wait3A_128 : memref<64x32xf32, #tpu.memory_space<hbm>>)
    %mul3A_129 = arith.constant 512 : i32
    %mul3A_130 = arith.muli %add3A, %mul3A_129 : i32
    %add3A_131 = arith.constant 0 : i32
    %add3A_132 = arith.addi %mul3A_130, %add3A_131 : i32
    %dma_wait3A_133 = arith.constant 0 : i32
    %dma_wait3A_134 = tpu.memref_slice %arg5[%add3A_132, %dma_wait3A_133] : memref<16384x32xf32, #tpu.memory_space<hbm>> -> memref<64x32xf32, #tpu.memory_space<hbm>>
    %dma_wait3A_135 = arith.constant 0 : i32
    %dma_wait3A_136 = tpu.memref_slice %arg5[%add3A_132, %dma_wait3A_135] : memref<16384x32xf32, #tpu.memory_space<hbm>> -> memref<64x32xf32, #tpu.memory_space<hbm>>
    tpu.wait_dma2 semaphore(%arg18 : memref<!tpu.dma_semaphore, #tpu.memory_space<semaphore_mem>>) src(%arg12 : memref<64x32xf32, #tpu.memory_space<vmem>>) dst(%dma_wait3A_136 : memref<64x32xf32, #tpu.memory_space<hbm>>)
    return
  }
}

</mosaic_0001>

<sc_bundles>
// kernel: _run.3.cloned.1.call-start
scs
__scs_entry_jumppad:
0x0: {  	(pc) =	sbr.rel $0x88, $3  }
0x1: {  	(tag) =	ssettag $0x0;
	lr =	simm.s32 $0x1  }
0x2: {  	[smem:$0x3F9E] =	sst lr;
	_ =	strace $0xD0000000  }
0x3: {  	_ = 	snop  }
0x4: {  	_ = 	snop  }
0x5: {  	_ = 	snop  }
0x6: {  	_ = 	snop  }
0x7: {  	_ = 	snop  }
__scs_overlays_trampoline_lowered:
0x8: {  	[smem:$0x3FAD] =	sst s0  }
0x9: {  	[smem:$0x3FAE] =	sst s1  }
0xa: {  	[smem:$0x3FAF] =	sst s2  }
0xb: {  	[smem:$0x3FB0] =	sst s3  }
0xc: {  	[smem:$0x3FB1] =	sst s4  }
0xd: {  	[smem:$0x3FB2] =	sst s5  }
0xe: {  	[smem:$0x3FB3] =	sst s6  }
0xf: {  	[smem:$0x3FB4] =	sst s7  }
0x10: {  	[smem:$0x3FB5] =	sst s8  }
0x11: {  	[smem:$0x3FB6] =	sst s9;
	s0 =	simm.s32 @!p0 $0x0  }
0x12: {  	s1 =	sld [smem:$0x3F9C];
	s0 =	simm.s32 @p0 $0x1  }
0x13: {  	[smem:$0x3FB7] =	sst s0;
	s0 =	simm.s32 @!p1 $0x0  }
0x14: {  	s2 =	sld [smem:$0x3F9B];
	s0 =	simm.s32 @p1 $0x1  }
0x15: {  	[smem:$0x3FB8] =	sst s0;
	s0 =	simm.s32 @!p2 $0x0  }
0x16: {  	s3 =	sld [smem:$0x3FDB];
	s0 =	simm.s32 @p2 $0x1  }
0x17: {  	s4 =	simm.s32 $0x1BF5;
	[smem:$0x3FBA] =	sst s0  }
0x18: {  	s0 =	sld [smem:$0x3F9D];
	_ =	swait.ge [sflag:s4], $0x0  }
0x19: {  	s7 =	sld [smem:$0x3F9E]  }
0x1a: {  	s8 =	sadd.s32 $0xFFFFE003, lr  }
0x1b: {  	s9 =	sadd.s32 $0xFFFFFEF7, lr;
	s5 =	simm.s32 $0xFFFFFFFF;
	p2 =	slt.u32 s8, $0xFFFFF086  }
0x1c: {  	p1 =	slt.u32 s9, $0xF7A;
	s5 =	simm.s32 @!p2 $0x0  }
0x1d: {  	s5 =	simm.s32 @p1 $0x1;
	p0 =	seq.s32 s7, s2  }
0x1e: {  	s7 =	smul.u32 @!p0 $0xF7A, s2;
	p2 =	seq.s32 @!p0 s5, $0x0  }
0x1f: {  	s9 =	smul.u32 $0xF7A, s1;
	s8 =	simm.s32 @!p0 $0x1BF5;
	p2 =	por !p2, p0  }
0x20: {  	[sflag:s8] =	ssyncset.s32 @!p0 $0xFFFFF086;
	s6 =	sadd.s32 @!p0 s3, s7;
	s7 =	simm.s32 @!p0 $0x108  }
0x21: {  	s3 =	sadd.s32 s3, s9;
	s6 =	sadd.s32 @!p0 $0x88, s6;
	s7 =	simm.s32 @p2 $0x1082  }
0x22: {  	[simem:s7], [sflag:s8] =	dma.local @!p0 [hbm:s6], $0xF7A  }
0x23: {  	s9 =	sor.u32 $0xD0000000, s2;
	s6 =	simm.s32 $0x108;
	_ =	swait.ge @!p0 [sflag:s8], $0x0  }
0x24: {  	s3 =	sadd.s32 $0x88, s3;
	s6 =	simm.s32 @!p1 $0x1082;
	[sflag:s4] =	ssyncset.s32 $0xFFFFF086  }
0x25: {  	[simem:s6], [sflag:s4] =	dma.local [hbm:s3], $0xF7A  }
0x26: {  	[smem:$0x3F9E] =	sst s1;
	(tag) =	ssettag s2;
	_ =	strace s9  }
0x27: {  	s1 =	sld [smem:$0x3FAE]  }
0x28: {  	s2 =	sld [smem:$0x3FAF]  }
0x29: {  	s4 =	sld [smem:$0x3FB1]  }
0x2a: {  	p0 =	seq.s32 s5, $0x0;
	s5 =	sld [smem:$0x3FB2]  }
0x2b: {  	s6 =	sld [smem:$0x3FB3]  }
0x2c: {  	s7 =	sld [smem:$0x3FB4]  }
0x2d: {  	s3 =	simm.s32 $0x108;
	s8 =	sld [smem:$0x3FB5]  }
0x2e: {  	s3 =	simm.s32 @!p0 $0x1082;
	s9 =	sld [smem:$0x3FB6]  }
0x2f: {  	lr =	sadd.s32 s0, s3;
	s0 =	sld [smem:$0x3FAD]  }
0x30: {  	s3 =	sld [smem:$0x3FB0]  }
0x31: {  	[smem:$0x3FB9] =	sst s10  }
0x32: {  	s10 =	sld [smem:$0x3FB7];
	_ =	sdelay $0x3  }
0x33: {  	p0 =	seq.s32 s10, $0x1;
	s10 =	sld [smem:$0x3FB9];
	_ =	sdelay $0x3  }
0x34: {  	[smem:$0x3FB9] =	sst s10  }
0x35: {  	s10 =	sld [smem:$0x3FB8];
	_ =	sdelay $0x3  }
0x36: {  	p1 =	seq.s32 s10, $0x1;
	s10 =	sld [smem:$0x3FB9];
	_ =	sdelay $0x3  }
0x37: {  	[smem:$0x3FB9] =	sst s10  }
0x38: {  	s10 =	sld [smem:$0x3FBA]  }
0x39: {  	_ = 	snop;
	(pc) =	sbr.ind lr, $3  }
0x3a: {  	_ = 	snop  }
0x3b: {  	_ = 	snop  }
0x3c: {  	p2 =	seq.s32 s10, $0x1;
	s10 =	sld [smem:$0x3FB9]  }
0x3d: {  	_ =	shalt  }
0x3e: {  	_ =	shalt  }
0x3f: {  	_ =	shalt  }
0x40: {  	_ =	shalt  }
0x41: {  	_ =	shalt  }
0x42: {  	_ =	shalt  }
0x43: {  	_ =	shalt  }
0x44: {  	_ =	shalt  }
0x45: {  	_ =	shalt  }
0x46: {  	_ =	shalt  }
0x47: {  	_ =	shalt  }
0x48: {  	_ =	shalt  }
0x49: {  	_ =	shalt  }
0x4a: {  	_ =	shalt  }
0x4b: {  	_ =	shalt  }
0x4c: {  	_ =	shalt  }
0x4d: {  	_ =	shalt  }
0x4e: {  	_ =	shalt  }
0x4f: {  	_ =	shalt  }
0x50: {  	_ =	shalt  }
0x51: {  	_ =	shalt  }
0x52: {  	_ =	shalt  }
0x53: {  	_ =	shalt  }
0x54: {  	_ =	shalt  }
0x55: {  	_ =	shalt  }
0x56: {  	_ =	shalt  }
0x57: {  	_ =	shalt  }
0x58: {  	_ =	shalt  }
0x59: {  	_ =	shalt  }
0x5a: {  	_ =	shalt  }
0x5b: {  	_ =	shalt  }
0x5c: {  	_ =	shalt  }
0x5d: {  	_ =	shalt  }
0x5e: {  	_ =	shalt  }
0x5f: {  	_ =	shalt  }
0x60: {  	_ =	shalt  }
0x61: {  	_ =	shalt  }
0x62: {  	_ =	shalt  }
0x63: {  	_ =	shalt  }
0x64: {  	_ =	shalt  }
0x65: {  	_ =	shalt  }
0x66: {  	_ =	shalt  }
0x67: {  	_ =	shalt  }
0x68: {  	_ =	shalt  }
0x69: {  	_ =	shalt  }
0x6a: {  	_ =	shalt  }
0x6b: {  	_ =	shalt  }
0x6c: {  	_ =	shalt  }
0x6d: {  	_ =	shalt  }
0x6e: {  	_ =	shalt  }
0x6f: {  	_ =	shalt  }
0x70: {  	_ =	shalt  }
0x71: {  	_ =	shalt  }
0x72: {  	_ =	shalt  }
0x73: {  	_ =	shalt  }
0x74: {  	_ =	shalt  }
0x75: {  	_ =	shalt  }
0x76: {  	_ =	shalt  }
0x77: {  	_ =	shalt  }
0x78: {  	_ =	shalt  }
0x79: {  	_ =	shalt  }
0x7a: {  	_ =	shalt  }
0x7b: {  	_ =	shalt  }
0x7c: {  	_ =	shalt  }
0x7d: {  	_ =	shalt  }
0x7e: {  	_ =	shalt  }
0x7f: {  	_ =	shalt  }
0x80: {  	_ =	shalt  }
0x81: {  	_ =	shalt  }
0x82: {  	_ =	shalt  }
0x83: {  	_ =	shalt  }
0x84: {  	_ =	shalt  }
0x85: {  	_ =	shalt  }
0x86: {  	_ =	shalt  }
0x87: {  	_ =	shalt  }
.Lfunc_end0:
.L_simem_size_0:
called_computation_lowered:
.L_overlay_start_0:
0x88: {  	s2 =	sld [smem:$0x3FD9]  }
0x89: {  	s3 =	sld [smem:$0x3FFE];
	_ =	sdelay $0x1  }
0x8a: {  	s1 =	srdreg.scid  }
0x8b: {  	s0 =	sand.u32 $0x1, s1  }
0x8c: {  	s17 =	sshll.u32 s0, $0xA;
	s2 =	sadd.s32 s3, s2  }
0x8d: {  	s2 =	sadd.s32 s2, s17  }
0x8e: {  	[smem:$0x3FC5] =	sst s2  }
0x8f: {  	_ = 	snop  }
0x90: {  	s2 =	sld [smem:$0x3FC9]  }
0x91: {  	s18 =	sld [smem:$0x3FD0];
	(tm) =	ssettm $0x1  }
0x92: {  	s4 =	sld [smem:$0x3FFB];
	_ =	sdelay $0x3  }
0x93: {  	_ =	strace s4  }
0x94: {  	s4 =	sld [smem:$0x3FFC];
	_ =	sdelay $0x3  }
0x95: {  	_ =	strace s4  }
0x96: {  	s4 =	sld [smem:$0x3FFD];
	_ =	sdelay $0x3  }
0x97: {  	_ =	strace s4  }
0x98: {  	_ =	strace $0x8FFFFFFF  }
0x99: {  	s19 =	sld [smem:$0x3FDB];
	_ =	sdelay $0x1  }
0x9a: {  	s5 =	simm.s32 $_scs_section_size  }
0x9b: {  	s6 =	simm.s32 $_size__tile_overlayer_lowered;
	s7 =	simm.s32 $_tile_overlayer_lowered  }
0x9c: {  	s22 =	simm.s32 $0x1BFF;
	s21 =	sshll.u32 s7, $0x1;
	s4 =	sadd.s32 s5, s19  }
0x9d: {  	s8 =	simm.s32 $0x0;
	s20 =	sshll.u32 s6, $0x1;
	s6 =	sadd.s32 s21, s4  }
0x9e: {  	[timem:s8], [sflag:s22] =	dma.local [hbm:s6], s20  }
0x9f: {  	_ =	swait.ge [sflag:s22], s20  }
0xa0: {  	s5 =	ssub.s32 $0x0, s20;
	[sflag:s22] =	ssyncset.done $0x0  }
0xa1: {  	[sflag:s22] =	ssyncadd.s32 s5;
	_ =	sdelay $0x1  }
0xa2: {  	s23 =	simm.s32 $0x1B8B  }
0xa3: {  	_ =	swait.ge [sflag:s23], $0x1  }
0xa4: {  	[sflag:s23] =	ssyncset.done $0x0  }
0xa5: {  	s25 =	simm.s32 $0x1B8E;
	s24 =	sld [smem:$0x3FFE];
	[sflag:s23] =	ssyncadd.s32 $0xFFFFFFFF  }
0xa6: {  	s26 =	simm.s32 $execute0_lowered;
	[smem:$0x3FD2] =	sst s25  }
0xa7: {  	s6 =	sshll.u32 s26, $0x1;
	_ =	strace $0x80000046;
	[dreg:$0x1] =	wrdreg $0xFFFFFFFF  }
0xa8: {  	s28 =	simm.s32 $_size_execute0_lowered;
	s4 =	sadd.s32 s4, s6;
	[dreg:$0x0] =	wrdreg $0x0  }
0xa9: {  	s6 =	sshll.u32 s28, $0x1;
	[dreg:$0x2] =	wrdreg s4  }
0xaa: {  	[dreg:$0x3] =	wrdreg s6  }
0xab: {  	[dreg:$0x4] =	wrdreg $0xC0  }
0xac: {  	_ =	task [dreg:s8], $0x5FFFF  }
0xad: {  	[dreg:$0x1] =	wrdreg $0xFFFFFFFF  }
0xae: {  	[dreg:$0x0] =	wrdreg $0x60  }
0xaf: {  	[dreg:$0x2] =	wrdreg s2  }
0xb0: {  	[dreg:$0x3] =	wrdreg s24  }
0xb1: {  	[dreg:$0x4] =	wrdreg s18  }
0xb2: {  	[dreg:$0x5] =	wrdreg $0x9  }
0xb3: {  	_ =	task.clear_ibuf [dreg:s8], $0x6FFFF;
	_ =	strace $0x90000046  }
0xb4: {  	s29 =	simm.s32 $0x9;
	_ =	strace $0x80000048  }
0xb5: {  	_ =	swait.ge [sflag:s29], $0x1  }
0xb6: {  	[sflag:s29] =	ssyncadd.s32 $0xFFFFFFFF  }
0xb7: {  	_ =	strace $0x90000048  }
0xb8: {  	_ =	sfence  }
0xb9: {  	s30 =	sld [smem:$0x0];
	_ =	sdelay $0x2  }
0xba: {  	s31 =	sshll.u32 s1, $0xD;
	s1 =	sshrl.u32 s1, $0x2  }
0xbb: {  	s3 =	sand.u32 $0x4000, s31;
	s1 =	sadd.s32 s1, s30  }
0xbc: {  	s0 =	sor.u32 s3, s0;
	s1 =	sshll.u32 s1, $0x11  }
0xbd: {  	s0 =	sor.u32 s1, s0  }
0xbe: {  	s0 =	sadd.s32 $0x8F2B, s0  }
0xbf: {  	[sflag:s0] =	ssyncadd.remote.s32 $0x1  }
0xc0: {  	_ =	sfence.sel $0xFFFF  }
0xc1: {  	[dreg:$0x0] =	wrdreg $0xFFFFFFFF;
	(pc) =	sbr.abs _section_cstart, $3  }
0xc2: {  	[dreg:$0x1] =	wrdreg $0xFFFFFFFF  }
0xc3: {  	_ =	task.clear_ibuf [dreg:s8], $0x2FFFF;
	_ =	strace $0x9FFFFFFF  }
0xc4: {  	(tm) =	ssettm $0x7FFFFFFF  }
0xc5: {  	_ =	shalt  }
tec
execute0_lowered:
.L_overlay_start_1:
0x0: {  	(tag) =	ssettag $0x1  }
0x1: {  	s1 =	rddreg [dreg:$0x0]  }
0x2: {  	s0 =	rddreg [dreg:$0x1]  }
0x3: {  	s2 =	rddreg [dreg:$0x2]  }
0x4: {  	s4 =	srdreg.scid;
	s5 =	stileid.u32;
	s3 =	simm.s32 $0x0  }
0x5: {  	s13 =	simm.s32 $0x80;
	s18 =	simm.s32 $0x680;
	s19 =	simm.s32 $0x4  }
0x6: {  	s20 =	simm.s32 $0x6;
	s21 =	simm.s32 $0x1B840;
	s22 =	simm.s32 $0x5  }
0x7: {  	s10 =	simm.s32 $0x15D00;
	s12 =	simm.s32 $0xB00;
	s28 =	simm.s32 $0x17D00  }
0x8: {  	s29 =	simm.s32 $0xC00;
	s30 =	simm.s32 $0x18D00;
	s31 =	simm.s32 $0xC80  }
0x9: {  	s4 =	sand.u32 $0x1, s4;
	s5 =	sshll.u32 s5, $0x1;
	[smem:$0x7FF] =	sst s3  }
0xa: {  	s14 =	simm.s32 $0x0;
	s5 =	sor.u32 s4, s5;
	_ =	strace $0x80000047  }
0xb: {  	s6 =	ssub.s32 $0x2, s4;
	s4 =	sadd.s32 $0xF42A00, s0;
	s7 =	smul.u32 $0x3400, s5  }
0xc: {  	s0 =	sadd.s32 $0x600, s0;
	s8 =	sshrl.u32 s6, $0x1;
	s9 =	smul.u32 $0x680, s5  }
0xd: {  	[dreg:$0x4] =	wrdreg s0;
	s26 =	sshll.u32 s5, $0x9;
	s5 =	sshll.u32 s5, $0xB  }
0xe: {  	s23 =	ssub.s32 s6, s8;
	s8 =	sor.u32 $0x80, s26;
	s26 =	simm.s32 $0xB80  }
0xf: {  	s24 =	sshrl.u32 s7, $0x3;
	s25 =	sadd.s32 s1, s9;
	s9 =	sadd.s32 s2, s5  }
.Ltmp0:
0x10: {  	s0 =	smax.u32 s23, $0x1;
	s23 =	simm.s32 $0x3;
	(pc) =	sbr.rel .LBB2_1-.Ltmp0, $4  }
0x11: {  	s5 =	simm.s32 $0xA00;
	s7 =	simm.s32 $0xA80;
	[dreg:$0x5] =	wrdreg s25  }
0x12: {  	s2 =	simm.s32 $0x1B040;
	s6 =	sadd.s32 s1, s24;
	[dreg:$0x7] =	wrdreg s0  }
0x13: {  	s24 =	simm.s32 $0x2;
	s25 =	simm.s32 $0x16D00;
	s6 =	sadd.s32 $0xD0, s6  }
0x14: {  	s0 =	simm.s32 $0x19D00;
	[dreg:$0x6] =	wrdreg s6;
	s6 =	simm.s32 $0x14D00  }
.LBB2_10:
0x15: {  	_ =	swait.ge [sflag:s22], $0x800  }
0x16: {  	[sflag:s22] =	ssyncset.done $0x0  }
0x17: {  	[sflag:s22] =	ssyncadd.s32 $0xFFFFF800  }
0x18: {  	_ =	swait.ge [sflag:s20], $0x800  }
0x19: {  	s14 =	rddreg [dreg:$0x8]  }
0x1a: {  	s11 =	rddreg [dreg:$0x7];
	s14 =	sadd.s32 $0x1, s14  }
0x1b: {  	p0 =	sne.s32 s14, s11  }
.Ltmp1:
0x1c: {  	_ = 	snop;
	(pc) =	sbr.rel @!p0 .LBB2_11-.Ltmp1, $3  }
0x1d: {  	_ =	sdelay $0x1  }
0x1e: {  	[sflag:s20] =	ssyncset.done $0x0  }
0x1f: {  	[sflag:s20] =	ssyncadd.s32 $0xFFFFF800  }
.LBB2_1:
0x20: {  	[dreg:$0x8] =	wrdreg s14  }
0x21: {  	s11 =	rddreg [dreg:$0x4];
	s16 =	simm.s32 $0x1AD00;
	s17 =	simm.s32 $0x7  }
0x22: {  	[tilespmem:s16], [sflag:$0x7] =	stream.linear.gather [hbm4b:s11+s3], $0x340, $0x38;
	[tilespmem:$0x1C040] =	vst v63  }
0x23: {  	_ =	swait.ge [sflag:s17], $0x340  }
0x24: {  	[sflag:s17] =	ssyncset.done $0x0  }
0x25: {  	s15 =	rddreg [dreg:$0x5];
	[sflag:s17] =	ssyncadd.s32 $0xFFFFFCC0  }
0x26: {  	[tilespmem:s3], [sflag:$0x7] =	stream.linear.gather [hbm4b:s15+s3], $0x680, $0x38;
	[tilespmem:$0x1C040] =	vst v63  }
0x27: {  	_ =	swait.ge [sflag:s17], $0x680  }
0x28: {  	[sflag:s17] =	ssyncset.done $0x0  }
0x29: {  	s16 =	simm.s32 $0xD00;
	[sflag:s17] =	ssyncadd.s32 $0xFFFFF980  }
0x2a: {  	[tilespmem:s16], [sflag:$0x3] =	stream.indirect.gather [hbm4b:s4+s13], $0x20, s3, s13, $0xb8;
	[tilespmem:$0x1C040] =	vst v63  }
0x2b: {  	s17 =	simm.s32 $0x1D00  }
0x2c: {  	[tilespmem:s17], [sflag:$0x3] =	stream.indirect.gather [hbm4b:s4+s13], $0x20, s13, s13, $0xb8;
	[tilespmem:$0x1C040] =	vst v63  }
0x2d: {  	s14 =	simm.s32 $0x100;
	s15 =	simm.s32 $0x2D00  }
0x2e: {  	[tilespmem:s15], [sflag:$0x3] =	stream.indirect.gather [hbm4b:s4+s13], $0x20, s14, s13, $0xb8;
	[tilespmem:$0x1C040] =	vst v63  }
0x2f: {  	s16 =	simm.s32 $0x180;
	s17 =	simm.s32 $0x3D00  }
0x30: {  	[tilespmem:s17], [sflag:$0x3] =	stream.indirect.gather [hbm4b:s4+s13], $0x20, s16, s13, $0xb8;
	[tilespmem:$0x1C040] =	vst v63  }
0x31: {  	s14 =	simm.s32 $0x200;
	s15 =	simm.s32 $0x4D00  }
0x32: {  	[tilespmem:s15], [sflag:$0x3] =	stream.indirect.gather [hbm4b:s4+s13], $0x20, s14, s13, $0xb8;
	[tilespmem:$0x1C040] =	vst v63  }
0x33: {  	s16 =	simm.s32 $0x280;
	s17 =	simm.s32 $0x5D00  }
0x34: {  	[tilespmem:s17], [sflag:$0x3] =	stream.indirect.gather [hbm4b:s4+s13], $0x20, s16, s13, $0xb8;
	[tilespmem:$0x1C040] =	vst v63  }
0x35: {  	s14 =	simm.s32 $0x300;
	s15 =	simm.s32 $0x6D00  }
0x36: {  	[tilespmem:s15], [sflag:$0x3] =	stream.indirect.gather [hbm4b:s4+s13], $0x20, s14, s13, $0xb8;
	[tilespmem:$0x1C040] =	vst v63  }
0x37: {  	s16 =	simm.s32 $0x380;
	s17 =	simm.s32 $0x7D00  }
0x38: {  	[tilespmem:s17], [sflag:$0x3] =	stream.indirect.gather [hbm4b:s4+s13], $0x20, s16, s13, $0xb8;
	[tilespmem:$0x1C040] =	vst v63  }
0x39: {  	s14 =	simm.s32 $0x400;
	s15 =	simm.s32 $0x8D00  }
0x3a: {  	[tilespmem:s15], [sflag:$0x3] =	stream.indirect.gather [hbm4b:s4+s13], $0x20, s14, s13, $0xb8;
	[tilespmem:$0x1C040] =	vst v63  }
0x3b: {  	s16 =	simm.s32 $0x480;
	s17 =	simm.s32 $0x9D00  }
0x3c: {  	[tilespmem:s17], [sflag:$0x3] =	stream.indirect.gather [hbm4b:s4+s13], $0x20, s16, s13, $0xb8;
	[tilespmem:$0x1C040] =	vst v63  }
0x3d: {  	s14 =	simm.s32 $0x500;
	s15 =	simm.s32 $0xAD00  }
0x3e: {  	[tilespmem:s15], [sflag:$0x3] =	stream.indirect.gather [hbm4b:s4+s13], $0x20, s14, s13, $0xb8;
	[tilespmem:$0x1C040] =	vst v63  }
0x3f: {  	s16 =	simm.s32 $0x580;
	s17 =	simm.s32 $0xBD00  }
0x40: {  	[tilespmem:s17], [sflag:$0x3] =	stream.indirect.gather [hbm4b:s4+s13], $0x20, s16, s13, $0xb8;
	[tilespmem:$0x1C040] =	vst v63  }
.Ltmp2:
0x41: {  	_ = 	snop;
	(pc) =	sbr.rel .LBB2_2-.Ltmp2, $4  }
0x42: {  	s15 =	simm.s32 $0x600;
	s16 =	simm.s32 $0xCD00  }
0x43: {  	[tilespmem:s16], [sflag:$0x3] =	stream.indirect.gather [hbm4b:s4+s13], $0x20, s15, s13, $0xb8;
	[tilespmem:$0x1C040] =	vst v63  }
0x44: {  	s11 =	simm.s32 $0x0;
	s17 =	rddreg [dreg:$0x6]  }
0x45: {  	[tilespmem:s18], [sflag:$0x2] =	stream.linear.gather [hbm4b:s17+s3], $0x680, $0x38;
	[tilespmem:$0x1C040] =	vst v63  }
.LBB2_9:
0x46: {  	s11 =	sadd.s32 $0x1, s11  }
0x47: {  	p0 =	sne.s32 s11, $0x8  }
.Ltmp3:
0x48: {  	_ = 	snop;
	(pc) =	sbr.rel @!p0 .LBB2_10-.Ltmp3, $1  }
0x49: {  	_ =	sdelay $0x3  }
.LBB2_2:
0x4a: {  	s14 =	sand.u32 $0x1, s11  }
0x4b: {  	p0 =	seq.s32 s14, $0x1  }
.Ltmp4:
0x4c: {  	_ = 	snop;
	(pc) =	sbr.rel @p0 .LBB2_6-.Ltmp4, $1  }
0x4d: {  	_ =	sdelay $0x3  }
0x4e: {  	_ =	swait.ge [sflag:s23], $0x1000  }
0x4f: {  	[sflag:s23] =	ssyncset.done $0x0  }
0x50: {  	[sflag:s23] =	ssyncadd.s32 $0xFFFFF000  }
0x51: {  	_ =	swait.ge [sflag:s23], $0x1000  }
0x52: {  	[sflag:s23] =	ssyncset.done $0x0  }
0x53: {  	[sflag:s23] =	ssyncadd.s32 $0xFFFFF000  }
0x54: {  	_ =	swait.ge [sflag:s23], $0x1000  }
0x55: {  	[sflag:s23] =	ssyncset.done $0x0  }
0x56: {  	[sflag:s23] =	ssyncadd.s32 $0xFFFFF000  }
0x57: {  	_ =	swait.ge [sflag:s23], $0x1000  }
0x58: {  	[sflag:s23] =	ssyncset.done $0x0  }
0x59: {  	[sflag:s23] =	ssyncadd.s32 $0xFFFFF000  }
0x5a: {  	_ =	swait.ge [sflag:s23], $0x1000  }
0x5b: {  	[sflag:s23] =	ssyncset.done $0x0  }
0x5c: {  	[sflag:s23] =	ssyncadd.s32 $0xFFFFF000  }
0x5d: {  	_ =	swait.ge [sflag:s23], $0x1000  }
0x5e: {  	[sflag:s23] =	ssyncset.done $0x0  }
0x5f: {  	[sflag:s23] =	ssyncadd.s32 $0xFFFFF000  }
0x60: {  	_ =	swait.ge [sflag:s23], $0x1000  }
0x61: {  	[sflag:s23] =	ssyncset.done $0x0  }
0x62: {  	[sflag:s23] =	ssyncadd.s32 $0xFFFFF000  }
0x63: {  	_ =	swait.ge [sflag:s23], $0x1000  }
0x64: {  	[sflag:s23] =	ssyncset.done $0x0  }
0x65: {  	[sflag:s23] =	ssyncadd.s32 $0xFFFFF000  }
0x66: {  	_ =	swait.ge [sflag:s23], $0x1000  }
0x67: {  	[sflag:s23] =	ssyncset.done $0x0  }
0x68: {  	[sflag:s23] =	ssyncadd.s32 $0xFFFFF000  }
0x69: {  	_ =	swait.ge [sflag:s23], $0x1000  }
0x6a: {  	[sflag:s23] =	ssyncset.done $0x0  }
0x6b: {  	[sflag:s23] =	ssyncadd.s32 $0xFFFFF000  }
0x6c: {  	_ =	swait.ge [sflag:s23], $0x1000  }
0x6d: {  	[sflag:s23] =	ssyncset.done $0x0  }
0x6e: {  	[sflag:s23] =	ssyncadd.s32 $0xFFFFF000  }
0x6f: {  	_ =	swait.ge [sflag:s23], $0x1000  }
0x70: {  	[sflag:s23] =	ssyncset.done $0x0  }
0x71: {  	[sflag:s23] =	ssyncadd.s32 $0xFFFFF000  }
0x72: {  	_ =	swait.ge [sflag:s23], $0x1000  }
0x73: {  	[sflag:s23] =	ssyncset.done $0x0  }
0x74: {  	[sflag:s23] =	ssyncadd.s32 $0xFFFFF000  }
0x75: {  	_ =	swait.ge [sflag:s24], $0x680  }
0x76: {  	[sflag:s24] =	ssyncset.done $0x0  }
0x77: {  	s15 =	simm.s32 $0xDD00;
	[sflag:s24] =	ssyncadd.s32 $0xFFFFF980  }
0x78: {  	[tilespmem:s15], [sflag:$0x4] =	stream.indirect.gather [hbm4b:s4+s13], $0x20, s18, s13, $0xb8;
	[tilespmem:$0x1C040] =	vst v63  }
0x79: {  	s17 =	simm.s32 $0x700;
	s16 =	simm.s32 $0xED00  }
0x7a: {  	[tilespmem:s16], [sflag:$0x4] =	stream.indirect.gather [hbm4b:s4+s13], $0x20, s17, s13, $0xb8;
	[tilespmem:$0x1C040] =	vst v63  }
0x7b: {  	s16 =	simm.s32 $0x780;
	s17 =	simm.s32 $0xFD00  }
0x7c: {  	[tilespmem:s17], [sflag:$0x4] =	stream.indirect.gather [hbm4b:s4+s13], $0x20, s16, s13, $0xb8;
	[tilespmem:$0x1C040] =	vst v63  }
0x7d: {  	s16 =	simm.s32 $0x800;
	s17 =	simm.s32 $0x10D00  }
0x7e: {  	[tilespmem:s17], [sflag:$0x4] =	stream.indirect.gather [hbm4b:s4+s13], $0x20, s16, s13, $0xb8;
	[tilespmem:$0x1C040] =	vst v63  }
0x7f: {  	s16 =	simm.s32 $0x880;
	s17 =	simm.s32 $0x11D00  }
0x80: {  	[tilespmem:s17], [sflag:$0x4] =	stream.indirect.gather [hbm4b:s4+s13], $0x20, s16, s13, $0xb8;
	[tilespmem:$0x1C040] =	vst v63  }
0x81: {  	s16 =	simm.s32 $0x900;
	s17 =	simm.s32 $0x12D00  }
0x82: {  	[tilespmem:s17], [sflag:$0x4] =	stream.indirect.gather [hbm4b:s4+s13], $0x20, s16, s13, $0xb8;
	[tilespmem:$0x1C040] =	vst v63  }
0x83: {  	s16 =	simm.s32 $0x980;
	s17 =	simm.s32 $0x13D00  }
0x84: {  	[tilespmem:s17], [sflag:$0x4] =	stream.indirect.gather [hbm4b:s4+s13], $0x20, s16, s13, $0xb8;
	[tilespmem:$0x1C040] =	vst v63  }
0x85: {  	_ = 	snop  }
0x86: {  	[tilespmem:s6], [sflag:$0x4] =	stream.indirect.gather [hbm4b:s4+s13], $0x20, s5, s13, $0xb8;
	[tilespmem:$0x1C040] =	vst v63  }
0x87: {  	p0 =	sgt.u32 s11, $0x5  }
0x88: {  	[tilespmem:s10], [sflag:$0x4] =	stream.indirect.gather [hbm4b:s4+s13], $0x20, s7, s13, $0xb8;
	[tilespmem:$0x1C040] =	vst v63  }
0x89: {  	s15 =	sshll.u32 @!p0 s11, $0x6  }
0x8a: {  	[tilespmem:s25], [sflag:$0x4] =	stream.indirect.gather [hbm4b:s4+s13], $0x20, s12, s13, $0xb8;
	[tilespmem:$0x1C040] =	vst v63  }
0x8b: {  	s15 =	sadd.s32 @!p0 s15, s8  }
0x8c: {  	[tilespmem:s28], [sflag:$0x4] =	stream.indirect.gather [hbm4b:s4+s13], $0x20, s26, s13, $0xb8;
	[tilespmem:$0x1C040] =	vst v63  }
0x8d: {  	s15 =	smul.u32 @!p0 $0x1A, s15  }
0x8e: {  	[tilespmem:s30], [sflag:$0x4] =	stream.indirect.gather [hbm4b:s4+s13], $0x20, s29, s13, $0xb8;
	[tilespmem:$0x1C040] =	vst v63  }
0x8f: {  	s15 =	sshrl.u32 @!p0 s15, $0x3  }
0x90: {  	[tilespmem:s0], [sflag:$0x4] =	stream.indirect.gather [hbm4b:s4+s13], $0x20, s31, s13, $0xb8;
	[tilespmem:$0x1C040] =	vst v63  }
0x91: {  	p1 =	slt.u32 @!p0 s11, $0x2;
	s15 =	sadd.s32 @!p0 s1, s15;
	s16 =	simm.s32 @!p0 $0x0  }
0x92: {  	[tilespmem:s16], [sflag:$0x1] =	stream.linear.gather @!p0 [hbm4b:s15+s16], $0x680, $0x38;
	[tilespmem:$0x1C040] =	vst v63  }
0x93: {  	p0 =	por p0, !p1  }
0x94: {  	_ =	swait.ge @p0 [sflag:s22], $0x800  }
0x95: {  	[sflag:s22] =	ssyncset.done @p0 $0x0  }
0x96: {  	s15 =	simm.s32 $0xEA0;
	[sflag:s22] =	ssyncadd.s32 @p0 $0xFFFFF800  }
0x97: {  	v18 =	vld [tilespmem:s15+$0xFFFFFE70]  }
0x98: {  	v19 =	vld [tilespmem:$0x1AD10]  }
0x99: {  	v20 =	vld [tilespmem:s15+$0xFFFFFE80]  }
0x9a: {  	v21 =	vld [tilespmem:$0x1AD20]  }
0x9b: {  	v0 =	vld [tilespmem:$0x1B030]  }
0x9c: {  	v1 =	vld [tilespmem:$0x1B000]  }
0x9d: {  	v2 =	vld [tilespmem:s15+$0x170]  }
0x9e: {  	v5 =	vld [tilespmem:s15+$0x130]  }
0x9f: {  	v3 =	vld [tilespmem:$0x1AFE0]  }
0xa0: {  	v4 =	vld [tilespmem:$0x1AFF0]  }
0xa1: {  	v6 =	vld [tilespmem:$0x1AFC0]  }
0xa2: {  	v7 =	vld [tilespmem:$0x1AFA0]  }
0xa3: {  	v8 =	vld [tilespmem:$0x1AFB0]  }
0xa4: {  	v9 =	vld [tilespmem:$0x1AF80]  }
0xa5: {  	v10 =	vld [tilespmem:$0x1AF90]  }
0xa6: {  	v11 =	vld [tilespmem:$0x1AF60]  }
0xa7: {  	v12 =	vld [tilespmem:$0x1AF70]  }
0xa8: {  	v13 =	vld [tilespmem:$0x1AF40]  }
0xa9: {  	v14 =	vld [tilespmem:$0x1AF50]  }
0xaa: {  	v16 =	vld [tilespmem:s15+$0x90]  }
0xab: {  	v15 =	vld [tilespmem:$0x1AF20]  }
0xac: {  	v22 =	vld [tilespmem:s15+$0x70]  }
0xad: {  	v17 =	vld [tilespmem:$0x1AF00]  }
0xae: {  	v23 =	vld [tilespmem:$0x1AEE0]  }
0xaf: {  	v24 =	vld [tilespmem:$0x1AEF0]  }
0xb0: {  	v25 =	vld [tilespmem:s15+$0x30]  }
0xb1: {  	v26 =	vld [tilespmem:$0x1AEC0]  }
0xb2: {  	v27 =	vld [tilespmem:s15+$0x10]  }
0xb3: {  	v28 =	vld [tilespmem:$0x1AEA0]  }
0xb4: {  	v29 =	vld [tilespmem:s15+$0xFFFFFFF0]  }
0xb5: {  	v30 =	vld [tilespmem:$0x1AE80]  }
0xb6: {  	v31 =	vld [tilespmem:s15+$0xFFFFFFD0]  }
0xb7: {  	v32 =	vld [tilespmem:$0x1AE60]  }
0xb8: {  	v33 =	vld [tilespmem:s15+$0xFFFFFFB0]  }
0xb9: {  	v34 =	vld [tilespmem:$0x1AE40]  }
0xba: {  	v35 =	vld [tilespmem:s15+$0xFFFFFF90]  }
0xbb: {  	v36 =	vld [tilespmem:$0x1AE20]  }
0xbc: {  	v37 =	vld [tilespmem:$0x1AE10]  }
0xbd: {  	v38 =	vld [tilespmem:s15+$0xFFFFFF70]  }
0xbe: {  	v39 =	vld [tilespmem:s15+$0xFFFFFF50]  }
0xbf: {  	v40 =	vld [tilespmem:$0x1ADE0]  }
0xc0: {  	v41 =	vld [tilespmem:s15+$0xFFFFFF30]  }
0xc1: {  	v42 =	vld [tilespmem:$0x1ADC0]  }
0xc2: {  	v43 =	vld [tilespmem:$0x1ADB0]  }
0xc3: {  	v44 =	vld [tilespmem:s15+$0xFFFFFF10]  }
0xc4: {  	v45 =	vld [tilespmem:$0x1AD90]  }
0xc5: {  	v46 =	vld [tilespmem:s15+$0xFFFFFEF0]  }
0xc6: {  	v47 =	vld [tilespmem:$0x1AD70]  }
0xc7: {  	v48 =	vld [tilespmem:s15+$0xFFFFFED0]  }
0xc8: {  	v49 =	vld [tilespmem:$0x1AD50]  }
0xc9: {  	v50 =	vld [tilespmem:s15+$0xFFFFFEB0]  }
0xca: {  	v51 =	vld [tilespmem:s15+$0xFFFFFE60]  }
0xcb: {  	v52 =	vld [tilespmem:$0x1AD30]  }
0xcc: {  	v53 =	vld [tilespmem:s15+$0xFFFFFE90]  }
0xcd: {  	v54 =	vld [tilespmem:$0x1AD00]  }
0xce: {  	v55 =	vld [tilespmem:$0x1AD40]  }
0xcf: {  	v56 =	vld [tilespmem:s15+$0xFFFFFEA0]  }
0xd0: {  	v57 =	vld [tilespmem:$0x1AD60]  }
0xd1: {  	v60 =	vld [tilespmem:s15+$0xFFFFFEC0];
	v18 =	vmul.f32 v19, v18;
	v59 =	vmul.f32 v52, v53  }
0xd2: {  	v62 =	vld [tilespmem:$0x1AD80];
	v20 =	vmul.f32 v21, v20  }
0xd3: {  	v63 =	vld [tilespmem:s15+$0xFFFFFEE0];
	v61 =	vmul.f32 v54, v51;
	v49 =	vmul.f32 v49, v50;
	v18 =	vadd.f32 v59, v18  }
0xd4: {  	v53 =	vmul.f32 v55, v56;
	v54 =	vld [tilespmem:$0x1ADA0]  }
0xd5: {  	v47 =	vmul.f32 v47, v48;
	v55 =	vld [tilespmem:s15+$0xFFFFFF00];
	v20 =	vadd.f32 v20, v61;
	v18 =	vadd.f32 v49, v18  }
0xd6: {  	v56 =	vmul.f32 v57, v60;
	v57 =	vld [tilespmem:$0x1ADD0]  }
0xd7: {  	v58 =	vld [tilespmem:s15+$0xFFFFFF20];
	v45 =	vmul.f32 v45, v46;
	v20 =	vadd.f32 v53, v20;
	v18 =	vadd.f32 v47, v18  }
0xd8: {  	v19 =	vmul.f32 v62, v63;
	v59 =	vld [tilespmem:$0x1ADF0]  }
0xd9: {  	v43 =	vmul.f32 v43, v44;
	v60 =	vld [tilespmem:s15+$0xFFFFFF40];
	v20 =	vadd.f32 v56, v20;
	v18 =	vadd.f32 v45, v18  }
0xda: {  	v62 =	vld [tilespmem:$0x1AE00];
	v61 =	vmul.f32 v54, v55  }
0xdb: {  	v63 =	vld [tilespmem:s15+$0xFFFFFF60];
	v41 =	vmul.f32 v57, v41;
	v19 =	vadd.f32 v19, v20;
	v18 =	vadd.f32 v43, v18  }
0xdc: {  	v46 =	vmul.f32 v42, v58;
	v47 =	vld [tilespmem:$0x1AE30]  }
0xdd: {  	v48 =	vld [tilespmem:s15+$0xFFFFFF80];
	v21 =	vmul.f32 v59, v39;
	v19 =	vadd.f32 v61, v19;
	v18 =	vadd.f32 v41, v18  }
0xde: {  	v50 =	vld [tilespmem:$0x1AE50];
	v37 =	vmul.f32 v37, v38  }
0xdf: {  	v51 =	vld [tilespmem:s15+$0xFFFFFFA0];
	v49 =	vmul.f32 v40, v60;
	v19 =	vadd.f32 v46, v19;
	v18 =	vadd.f32 v21, v18  }
0xe0: {  	v53 =	vld [tilespmem:$0x1AE70];
	v52 =	vmul.f32 v62, v63  }
0xe1: {  	v54 =	vld [tilespmem:s15+$0xFFFFFFC0];
	v35 =	vmul.f32 v47, v35;
	v19 =	vadd.f32 v49, v19;
	v18 =	vadd.f32 v37, v18  }
0xe2: {  	v55 =	vmul.f32 v36, v48;
	v56 =	vld [tilespmem:$0x1AE90]  }
0xe3: {  	v33 =	vmul.f32 v50, v33;
	v57 =	vld [tilespmem:s15+$0xFFFFFFE0];
	v19 =	vadd.f32 v52, v19;
	v18 =	vadd.f32 v35, v18  }
0xe4: {  	v58 =	vmul.f32 v34, v51;
	v59 =	vld [tilespmem:$0x1AEB0]  }
0xe5: {  	v62 =	vld [tilespmem:$0x1AED0];
	v31 =	vmul.f32 v53, v31;
	v19 =	vadd.f32 v55, v19;
	v18 =	vadd.f32 v33, v18  }
0xe6: {  	v60 =	vld [tilespmem:s15+$0x0];
	v61 =	vmul.f32 v32, v54  }
0xe7: {  	v63 =	vld [tilespmem:s15+$0x20];
	v29 =	vmul.f32 v56, v29;
	v19 =	vadd.f32 v58, v19;
	v18 =	vadd.f32 v31, v18  }
0xe8: {  	v34 =	vmul.f32 v30, v57;
	v35 =	vld [tilespmem:s15+$0x50]  }
0xe9: {  	v36 =	vld [tilespmem:s15+$0x40];
	v21 =	vmul.f32 v59, v27;
	v19 =	vadd.f32 v61, v19;
	v18 =	vadd.f32 v29, v18  }
0xea: {  	v38 =	vld [tilespmem:$0x1AF10];
	v39 =	vmul.f32 v62, v25  }
0xeb: {  	v42 =	vld [tilespmem:$0x1AF30];
	v37 =	vmul.f32 v28, v60;
	v19 =	vadd.f32 v34, v19;
	v18 =	vadd.f32 v21, v18  }
0xec: {  	v40 =	vld [tilespmem:s15+$0x60];
	v41 =	vmul.f32 v26, v63  }
0xed: {  	v44 =	vld [tilespmem:s15+$0x80];
	v43 =	vmul.f32 v24, v35;
	v19 =	vadd.f32 v37, v19;
	v18 =	vadd.f32 v39, v18  }
0xee: {  	v45 =	vmul.f32 v23, v36;
	v46 =	vld [tilespmem:s15+$0xB0]  }
0xef: {  	v48 =	vld [tilespmem:s15+$0xA0];
	v47 =	vmul.f32 v38, v22;
	v19 =	vadd.f32 v41, v19;
	v18 =	vadd.f32 v43, v18  }
0xf0: {  	v16 =	vmul.f32 v42, v16;
	v49 =	vld [tilespmem:s15+$0xD0]  }
0xf1: {  	v50 =	vld [tilespmem:s15+$0xC0];
	v17 =	vmul.f32 v17, v40;
	v19 =	vadd.f32 v45, v19;
	v18 =	vadd.f32 v47, v18  }
0xf2: {  	v15 =	vmul.f32 v15, v44;
	v51 =	vld [tilespmem:s15+$0xF0]  }
0xf3: {  	v53 =	vld [tilespmem:s15+$0x110];
	v14 =	vmul.f32 v14, v46;
	v17 =	vadd.f32 v17, v19;
	v16 =	vadd.f32 v16, v18  }
0xf4: {  	v13 =	vmul.f32 v13, v48;
	v52 =	vld [tilespmem:s15+$0xE0]  }
0xf5: {  	v54 =	vld [tilespmem:s15+$0x100];
	v12 =	vmul.f32 v12, v49;
	v15 =	vadd.f32 v15, v17;
	v14 =	vadd.f32 v14, v16  }
0xf6: {  	v11 =	vmul.f32 v11, v50;
	v55 =	vld [tilespmem:$0x1AFD0]  }
0xf7: {  	v10 =	vmul.f32 v10, v51;
	v57 =	vld [tilespmem:s15+$0x150];
	v13 =	vadd.f32 v13, v15;
	v12 =	vadd.f32 v12, v14  }
0xf8: {  	v56 =	vld [tilespmem:s15+$0x120];
	v8 =	vmul.f32 v8, v53  }
0xf9: {  	v59 =	vld [tilespmem:$0x1B010];
	v9 =	vmul.f32 v9, v52;
	v11 =	vadd.f32 v11, v13;
	v10 =	vadd.f32 v10, v12  }
0xfa: {  	v7 =	vmul.f32 v7, v54;
	v58 =	vld [tilespmem:s15+$0x140]  }
0xfb: {  	v60 =	vld [tilespmem:s15+$0x160];
	v5 =	vmul.f32 v55, v5;
	v9 =	vadd.f32 v9, v11;
	v8 =	vadd.f32 v8, v10  }
0xfc: {  	v4 =	vmul.f32 v4, v57;
	v61 =	vld [tilespmem:s15+$0x190]  }
0xfd: {  	v62 =	vld [tilespmem:$0x1B020];
	v6 =	vmul.f32 v6, v56;
	v7 =	vadd.f32 v7, v9;
	v5 =	vadd.f32 v5, v8  }
0xfe: {  	v63 =	vld [tilespmem:s15+$0x180];
	v2 =	vmul.f32 v59, v2  }
0xff: {  	v3 =	vmul.f32 v3, v58;
	v6 =	vadd.f32 v6, v7;
	v4 =	vadd.f32 v4, v5  }
0x100: {  	v1 =	vmul.f32 v1, v60  }
0x101: {  	v0 =	vmul.f32 v0, v61;
	v3 =	vadd.f32 v3, v6;
	v2 =	vadd.f32 v2, v4;
	_ =	sdelay $0x1  }
0x102: {  	v1 =	vadd.f32 v1, v3;
	v3 =	vmul.f32 v62, v63;
	v2 =	vadd.f32 v0, v2  }
0x103: {  	s17 =	simm.s32 $0x0  }
0x104: {  	s16 =	simm.s32 $0x80;
	v0 =	vadd.f32 v3, v1;
	[tilespmem:s17+$0x1B050] =	vst v2  }
.LBB2_4:
0x105: {  	p0 =	sne.s32 s16, $0x1F80  }
0x106: {  	[tilespmem:s17+$0x1B040] =	vst v0;
	s15 =	sadd.s32 $0x340, s15;
	s17 =	smov.u32 s16;
	s16 =	sadd.s32 $0x80, s16  }
0x107: {  	v2 =	vld [tilespmem:s15+$0xFFFFFE70]  }
0x108: {  	v3 =	vld [tilespmem:$0x1AD10]  }
0x109: {  	v4 =	vld [tilespmem:s15+$0xFFFFFE80]  }
0x10a: {  	v5 =	vld [tilespmem:$0x1AD20]  }
0x10b: {  	v0 =	vld [tilespmem:$0x1B020]  }
0x10c: {  	v1 =	vld [tilespmem:$0x1B030]  }
0x10d: {  	v30 =	vmul.f32 v3, v2;
	v2 =	vld [tilespmem:$0x1B000]  }
0x10e: {  	v3 =	vld [tilespmem:s15+$0x170]  }
0x10f: {  	v31 =	vmul.f32 v5, v4;
	v6 =	vld [tilespmem:s15+$0x130]  }
0x110: {  	v4 =	vld [tilespmem:$0x1AFE0]  }
0x111: {  	v5 =	vld [tilespmem:$0x1AFF0]  }
0x112: {  	v7 =	vld [tilespmem:$0x1AFC0]  }
0x113: {  	v8 =	vld [tilespmem:$0x1AFA0]  }
0x114: {  	v9 =	vld [tilespmem:$0x1AFB0]  }
0x115: {  	v10 =	vld [tilespmem:$0x1AF80]  }
0x116: {  	v11 =	vld [tilespmem:$0x1AF90]  }
0x117: {  	v12 =	vld [tilespmem:$0x1AF60]  }
0x118: {  	v13 =	vld [tilespmem:$0x1AF70]  }
0x119: {  	v14 =	vld [tilespmem:$0x1AF40]  }
0x11a: {  	v15 =	vld [tilespmem:$0x1AF50]  }
0x11b: {  	v17 =	vld [tilespmem:s15+$0x90]  }
0x11c: {  	v16 =	vld [tilespmem:$0x1AF20]  }
0x11d: {  	v19 =	vld [tilespmem:s15+$0x70]  }
0x11e: {  	v18 =	vld [tilespmem:$0x1AF00]  }
0x11f: {  	v20 =	vld [tilespmem:$0x1AEE0]  }
0x120: {  	v21 =	vld [tilespmem:$0x1AEF0]  }
0x121: {  	v23 =	vld [tilespmem:s15+$0x30]  }
0x122: {  	v22 =	vld [tilespmem:$0x1AEC0]  }
0x123: {  	v25 =	vld [tilespmem:s15+$0x10]  }
0x124: {  	v24 =	vld [tilespmem:$0x1AEA0]  }
0x125: {  	v27 =	vld [tilespmem:s15+$0xFFFFFFF0]  }
0x126: {  	v26 =	vld [tilespmem:$0x1AE80]  }
0x127: {  	v29 =	vld [tilespmem:s15+$0xFFFFFFD0]  }
0x128: {  	v28 =	vld [tilespmem:$0x1AE60]  }
0x129: {  	v32 =	vld [tilespmem:s15+$0xFFFFFFB0]  }
0x12a: {  	v33 =	vld [tilespmem:$0x1AE40]  }
0x12b: {  	v34 =	vld [tilespmem:s15+$0xFFFFFF90]  }
0x12c: {  	v35 =	vld [tilespmem:$0x1AE20]  }
0x12d: {  	v36 =	vld [tilespmem:$0x1AE10]  }
0x12e: {  	v37 =	vld [tilespmem:s15+$0xFFFFFF70]  }
0x12f: {  	v38 =	vld [tilespmem:s15+$0xFFFFFF50]  }
0x130: {  	v39 =	vld [tilespmem:$0x1ADE0]  }
0x131: {  	v40 =	vld [tilespmem:s15+$0xFFFFFF30]  }
0x132: {  	v41 =	vld [tilespmem:$0x1ADC0]  }
0x133: {  	v42 =	vld [tilespmem:$0x1ADB0];
	v36 =	vmul.f32 v36, v37  }
0x134: {  	v37 =	vld [tilespmem:s15+$0xFFFFFF10]  }
0x135: {  	v43 =	vld [tilespmem:$0x1AD90]  }
0x136: {  	v44 =	vld [tilespmem:s15+$0xFFFFFEF0]  }
0x137: {  	v45 =	vld [tilespmem:$0x1AD70]  }
0x138: {  	v46 =	vld [tilespmem:s15+$0xFFFFFED0]  }
0x139: {  	v47 =	vld [tilespmem:$0x1AD50];
	v37 =	vmul.f32 v42, v37  }
0x13a: {  	v42 =	vld [tilespmem:s15+$0xFFFFFEB0]  }
0x13b: {  	v48 =	vld [tilespmem:s15+$0xFFFFFE60];
	v43 =	vmul.f32 v43, v44  }
0x13c: {  	v44 =	vld [tilespmem:$0x1AD30]  }
0x13d: {  	v49 =	vld [tilespmem:s15+$0xFFFFFE90];
	v45 =	vmul.f32 v45, v46  }
0x13e: {  	v46 =	vld [tilespmem:$0x1AD00]  }
0x13f: {  	v50 =	vld [tilespmem:$0x1AD40];
	v42 =	vmul.f32 v47, v42  }
0x140: {  	v47 =	vld [tilespmem:s15+$0xFFFFFEA0]  }
0x141: {  	v51 =	vld [tilespmem:$0x1AD60]  }
0x142: {  	v44 =	vmul.f32 v44, v49;
	v49 =	vld [tilespmem:s15+$0xFFFFFEC0]  }
0x143: {  	v46 =	vmul.f32 v46, v48;
	v48 =	vld [tilespmem:$0x1AD80]  }
0x144: {  	v30 =	vadd.f32 v44, v30;
	v44 =	vld [tilespmem:s15+$0xFFFFFEE0]  }
0x145: {  	v31 =	vadd.f32 v31, v46;
	v46 =	vmul.f32 v50, v47;
	v47 =	vld [tilespmem:$0x1ADA0]  }
0x146: {  	v30 =	vadd.f32 v42, v30;
	v42 =	vld [tilespmem:s15+$0xFFFFFF00]  }
0x147: {  	v31 =	vadd.f32 v46, v31;
	v46 =	vmul.f32 v51, v49;
	v49 =	vld [tilespmem:$0x1ADD0]  }
0x148: {  	v30 =	vadd.f32 v45, v30;
	v45 =	vld [tilespmem:s15+$0xFFFFFF20]  }
0x149: {  	v31 =	vadd.f32 v46, v31;
	v44 =	vmul.f32 v48, v44;
	v46 =	vld [tilespmem:$0x1ADF0]  }
0x14a: {  	v30 =	vadd.f32 v43, v30;
	v43 =	vld [tilespmem:s15+$0xFFFFFF40]  }
0x14b: {  	v31 =	vadd.f32 v44, v31;
	v42 =	vmul.f32 v47, v42;
	v44 =	vld [tilespmem:$0x1AE00]  }
0x14c: {  	v30 =	vadd.f32 v37, v30;
	v37 =	vmul.f32 v49, v40;
	v40 =	vld [tilespmem:s15+$0xFFFFFF60]  }
0x14d: {  	v31 =	vadd.f32 v42, v31;
	v41 =	vmul.f32 v41, v45;
	v42 =	vld [tilespmem:$0x1AE30]  }
0x14e: {  	v30 =	vadd.f32 v37, v30;
	v37 =	vmul.f32 v46, v38;
	v38 =	vld [tilespmem:s15+$0xFFFFFF80]  }
0x14f: {  	v31 =	vadd.f32 v41, v31;
	v39 =	vmul.f32 v39, v43;
	v41 =	vld [tilespmem:$0x1AE50]  }
0x150: {  	v30 =	vadd.f32 v37, v30;
	v37 =	vld [tilespmem:s15+$0xFFFFFFA0]  }
0x151: {  	v31 =	vadd.f32 v39, v31;
	v39 =	vmul.f32 v44, v40;
	v40 =	vld [tilespmem:$0x1AE70]  }
0x152: {  	v30 =	vadd.f32 v36, v30;
	v34 =	vmul.f32 v42, v34;
	v36 =	vld [tilespmem:s15+$0xFFFFFFC0]  }
0x153: {  	v31 =	vadd.f32 v39, v31;
	v35 =	vmul.f32 v35, v38;
	v38 =	vld [tilespmem:$0x1AE90]  }
0x154: {  	v30 =	vadd.f32 v34, v30;
	v32 =	vmul.f32 v41, v32;
	v34 =	vld [tilespmem:s15+$0xFFFFFFE0]  }
0x155: {  	v31 =	vadd.f32 v35, v31;
	v33 =	vmul.f32 v33, v37;
	v35 =	vld [tilespmem:$0x1AEB0]  }
0x156: {  	v30 =	vadd.f32 v32, v30;
	v29 =	vmul.f32 v40, v29;
	v32 =	vld [tilespmem:s15+$0x0]  }
0x157: {  	v31 =	vadd.f32 v33, v31;
	v28 =	vmul.f32 v28, v36;
	v33 =	vld [tilespmem:$0x1AED0]  }
0x158: {  	v29 =	vadd.f32 v29, v30;
	v27 =	vmul.f32 v38, v27;
	v30 =	vld [tilespmem:s15+$0x20]  }
0x159: {  	v28 =	vadd.f32 v28, v31;
	v26 =	vmul.f32 v26, v34;
	v31 =	vld [tilespmem:s15+$0x50]  }
0x15a: {  	v27 =	vadd.f32 v27, v29;
	v25 =	vmul.f32 v35, v25;
	v29 =	vld [tilespmem:s15+$0x40]  }
0x15b: {  	v26 =	vadd.f32 v26, v28;
	v24 =	vmul.f32 v24, v32;
	v28 =	vld [tilespmem:$0x1AF10]  }
0x15c: {  	v25 =	vadd.f32 v25, v27;
	v23 =	vmul.f32 v33, v23;
	v27 =	vld [tilespmem:s15+$0x60]  }
0x15d: {  	v24 =	vadd.f32 v24, v26;
	v22 =	vmul.f32 v22, v30;
	v26 =	vld [tilespmem:$0x1AF30]  }
0x15e: {  	v23 =	vadd.f32 v23, v25;
	v21 =	vmul.f32 v21, v31;
	v25 =	vld [tilespmem:s15+$0x80]  }
0x15f: {  	v22 =	vadd.f32 v22, v24;
	v20 =	vmul.f32 v20, v29;
	v24 =	vld [tilespmem:s15+$0xB0]  }
0x160: {  	v21 =	vadd.f32 v21, v23;
	v19 =	vmul.f32 v28, v19;
	v23 =	vld [tilespmem:s15+$0xA0]  }
0x161: {  	v20 =	vadd.f32 v20, v22;
	v18 =	vmul.f32 v18, v27;
	v22 =	vld [tilespmem:s15+$0xD0]  }
0x162: {  	v19 =	vadd.f32 v19, v21;
	v17 =	vmul.f32 v26, v17;
	v21 =	vld [tilespmem:s15+$0xC0]  }
0x163: {  	v18 =	vadd.f32 v18, v20;
	v16 =	vmul.f32 v16, v25;
	v20 =	vld [tilespmem:s15+$0xF0]  }
0x164: {  	v17 =	vadd.f32 v17, v19;
	v15 =	vmul.f32 v15, v24;
	v19 =	vld [tilespmem:s15+$0xE0]  }
0x165: {  	v16 =	vadd.f32 v16, v18;
	v14 =	vmul.f32 v14, v23;
	v18 =	vld [tilespmem:s15+$0x110]  }
0x166: {  	v15 =	vadd.f32 v15, v17;
	v13 =	vmul.f32 v13, v22;
	v17 =	vld [tilespmem:s15+$0x100]  }
0x167: {  	v14 =	vadd.f32 v14, v16;
	v12 =	vmul.f32 v12, v21;
	v16 =	vld [tilespmem:$0x1AFD0]  }
0x168: {  	v13 =	vadd.f32 v13, v15;
	v11 =	vmul.f32 v11, v20;
	v15 =	vld [tilespmem:s15+$0x120]  }
0x169: {  	v12 =	vadd.f32 v12, v14;
	v10 =	vmul.f32 v10, v19;
	v14 =	vld [tilespmem:s15+$0x150]  }
0x16a: {  	v11 =	vadd.f32 v11, v13;
	v9 =	vmul.f32 v9, v18;
	v13 =	vld [tilespmem:s15+$0x140]  }
0x16b: {  	v10 =	vadd.f32 v10, v12;
	v8 =	vmul.f32 v8, v17;
	v12 =	vld [tilespmem:$0x1B010]  }
0x16c: {  	v9 =	vadd.f32 v9, v11;
	v6 =	vmul.f32 v16, v6;
	v11 =	vld [tilespmem:s15+$0x160]  }
0x16d: {  	v8 =	vadd.f32 v8, v10;
	v7 =	vmul.f32 v7, v15;
	v10 =	vld [tilespmem:s15+$0x190]  }
0x16e: {  	v6 =	vadd.f32 v6, v9;
	v5 =	vmul.f32 v5, v14;
	v9 =	vld [tilespmem:s15+$0x180]  }
0x16f: {  	v7 =	vadd.f32 v7, v8;
	v4 =	vmul.f32 v4, v13  }
0x170: {  	v5 =	vadd.f32 v5, v6;
	v3 =	vmul.f32 v12, v3  }
0x171: {  	v4 =	vadd.f32 v4, v7;
	v2 =	vmul.f32 v2, v11  }
.Ltmp5:
0x172: {  	v3 =	vadd.f32 v3, v5;
	v1 =	vmul.f32 v1, v10;
	(pc) =	sbr.rel @p0 .LBB2_4-.Ltmp5, $4  }
0x173: {  	v2 =	vadd.f32 v2, v4;
	v0 =	vmul.f32 v0, v9  }
0x174: {  	v1 =	vadd.f32 v1, v3  }
0x175: {  	s17 =	sshra.s32 s17, $0x2;
	v0 =	vadd.f32 v0, v2  }
0x176: {  	[tilespmem:s17+$0x1B050] =	vst v1  }
0x177: {  	p0 =	seq.s32 s14, $0x0  }
.Ltmp6:
0x178: {  	_ = 	snop;
	(pc) =	sbr.rel @p0 .LBB2_9-.Ltmp6, $4  }
0x179: {  	_ = 	snop  }
0x17a: {  	s15 =	sshll.u32 s11, $0x8  }
0x17b: {  	[tilespmem:s17+$0x1B040] =	vst v0;
	s15 =	sadd.s32 s15, s9  }
0x17c: {  	[hbm4b:s15+s3] =	stream.linear.scatter [tilespmem:s2], [sflag:$0x5], $0x800, $0x38;
	[tilespmem:$0x1C040] =	vst v63  }
.LBB2_6:
0x17d: {  	_ =	swait.ge [sflag:s19], $0x1000  }
0x17e: {  	[sflag:s19] =	ssyncset.done $0x0  }
0x17f: {  	[sflag:s19] =	ssyncadd.s32 $0xFFFFF000  }
0x180: {  	_ =	swait.ge [sflag:s19], $0x1000  }
0x181: {  	[sflag:s19] =	ssyncset.done $0x0  }
0x182: {  	[sflag:s19] =	ssyncadd.s32 $0xFFFFF000  }
0x183: {  	_ =	swait.ge [sflag:s19], $0x1000  }
0x184: {  	[sflag:s19] =	ssyncset.done $0x0  }
0x185: {  	[sflag:s19] =	ssyncadd.s32 $0xFFFFF000  }
0x186: {  	_ =	swait.ge [sflag:s19], $0x1000  }
0x187: {  	[sflag:s19] =	ssyncset.done $0x0  }
0x188: {  	[sflag:s19] =	ssyncadd.s32 $0xFFFFF000  }
0x189: {  	_ =	swait.ge [sflag:s19], $0x1000  }
0x18a: {  	[sflag:s19] =	ssyncset.done $0x0  }
0x18b: {  	[sflag:s19] =	ssyncadd.s32 $0xFFFFF000  }
0x18c: {  	_ =	swait.ge [sflag:s19], $0x1000  }
0x18d: {  	[sflag:s19] =	ssyncset.done $0x0  }
0x18e: {  	[sflag:s19] =	ssyncadd.s32 $0xFFFFF000  }
0x18f: {  	_ =	swait.ge [sflag:s19], $0x1000  }
0x190: {  	[sflag:s19] =	ssyncset.done $0x0  }
0x191: {  	[sflag:s19] =	ssyncadd.s32 $0xFFFFF000  }
0x192: {  	_ =	swait.ge [sflag:s19], $0x1000  }
0x193: {  	[sflag:s19] =	ssyncset.done $0x0  }
0x194: {  	[sflag:s19] =	ssyncadd.s32 $0xFFFFF000  }
0x195: {  	_ =	swait.ge [sflag:s19], $0x1000  }
0x196: {  	[sflag:s19] =	ssyncset.done $0x0  }
0x197: {  	[sflag:s19] =	ssyncadd.s32 $0xFFFFF000  }
0x198: {  	_ =	swait.ge [sflag:s19], $0x1000  }
0x199: {  	[sflag:s19] =	ssyncset.done $0x0  }
0x19a: {  	[sflag:s19] =	ssyncadd.s32 $0xFFFFF000  }
0x19b: {  	_ =	swait.ge [sflag:s19], $0x1000  }
0x19c: {  	[sflag:s19] =	ssyncset.done $0x0  }
0x19d: {  	[sflag:s19] =	ssyncadd.s32 $0xFFFFF000  }
0x19e: {  	_ =	swait.ge [sflag:s19], $0x1000  }
0x19f: {  	[sflag:s19] =	ssyncset.done $0x0  }
0x1a0: {  	[sflag:s19] =	ssyncadd.s32 $0xFFFFF000  }
0x1a1: {  	_ =	swait.ge [sflag:s19], $0x1000  }
0x1a2: {  	p0 =	seq.s32 s11, $0x7;
	[sflag:s19] =	ssyncset.done $0x0  }
0x1a3: {  	s14 =	simm.s32 @!p0 $0x1;
	[sflag:s19] =	ssyncadd.s32 $0xFFFFF000  }
0x1a4: {  	_ =	swait.ge @!p0 [sflag:s14], $0x680  }
0x1a5: {  	s15 =	simm.s32 @!p0 $0x0;
	[sflag:s14] =	ssyncset.done @!p0 $0x0  }
0x1a6: {  	s16 =	simm.s32 @!p0 $0xD00;
	[sflag:s14] =	ssyncadd.s32 @!p0 $0xFFFFF980;
	s14 =	simm.s32 @!p0 $0x80  }
0x1a7: {  	[tilespmem:s16], [sflag:$0x3] =	stream.indirect.gather @!p0 [hbm4b:s4+s14], $0x20, s15, s14, $0xb8;
	[tilespmem:$0x1C040] =	vst v63  }
0x1a8: {  	s15 =	simm.s32 @!p0 $0x1D00  }
0x1a9: {  	[tilespmem:s15], [sflag:$0x3] =	stream.indirect.gather @!p0 [hbm4b:s4+s14], $0x20, s14, s14, $0xb8;
	[tilespmem:$0x1C040] =	vst v63  }
0x1aa: {  	s16 =	simm.s32 @!p0 $0x2D00;
	s15 =	simm.s32 @!p0 $0x100  }
0x1ab: {  	[tilespmem:s16], [sflag:$0x3] =	stream.indirect.gather @!p0 [hbm4b:s4+s14], $0x20, s15, s14, $0xb8;
	[tilespmem:$0x1C040] =	vst v63  }
0x1ac: {  	s15 =	simm.s32 @!p0 $0x180;
	s16 =	simm.s32 @!p0 $0x3D00  }
0x1ad: {  	[tilespmem:s16], [sflag:$0x3] =	stream.indirect.gather @!p0 [hbm4b:s4+s14], $0x20, s15, s14, $0xb8;
	[tilespmem:$0x1C040] =	vst v63  }
0x1ae: {  	s15 =	simm.s32 @!p0 $0x200;
	s16 =	simm.s32 @!p0 $0x4D00  }
0x1af: {  	[tilespmem:s16], [sflag:$0x3] =	stream.indirect.gather @!p0 [hbm4b:s4+s14], $0x20, s15, s14, $0xb8;
	[tilespmem:$0x1C040] =	vst v63  }
0x1b0: {  	s15 =	simm.s32 @!p0 $0x280;
	s16 =	simm.s32 @!p0 $0x5D00  }
0x1b1: {  	[tilespmem:s16], [sflag:$0x3] =	stream.indirect.gather @!p0 [hbm4b:s4+s14], $0x20, s15, s14, $0xb8;
	[tilespmem:$0x1C040] =	vst v63  }
0x1b2: {  	s15 =	simm.s32 @!p0 $0x300;
	s16 =	simm.s32 @!p0 $0x6D00  }
0x1b3: {  	[tilespmem:s16], [sflag:$0x3] =	stream.indirect.gather @!p0 [hbm4b:s4+s14], $0x20, s15, s14, $0xb8;
	[tilespmem:$0x1C040] =	vst v63  }
0x1b4: {  	s15 =	simm.s32 @!p0 $0x380;
	s16 =	simm.s32 @!p0 $0x7D00  }
0x1b5: {  	[tilespmem:s16], [sflag:$0x3] =	stream.indirect.gather @!p0 [hbm4b:s4+s14], $0x20, s15, s14, $0xb8;
	[tilespmem:$0x1C040] =	vst v63  }
0x1b6: {  	s15 =	simm.s32 @!p0 $0x400;
	s16 =	simm.s32 @!p0 $0x8D00  }
0x1b7: {  	[tilespmem:s16], [sflag:$0x3] =	stream.indirect.gather @!p0 [hbm4b:s4+s14], $0x20, s15, s14, $0xb8;
	[tilespmem:$0x1C040] =	vst v63  }
0x1b8: {  	s15 =	simm.s32 @!p0 $0x480;
	s16 =	simm.s32 @!p0 $0x9D00  }
0x1b9: {  	[tilespmem:s16], [sflag:$0x3] =	stream.indirect.gather @!p0 [hbm4b:s4+s14], $0x20, s15, s14, $0xb8;
	[tilespmem:$0x1C040] =	vst v63  }
0x1ba: {  	p1 =	sgt.u32 @!p0 s11, $0x5;
	s15 =	simm.s32 @!p0 $0x500;
	s16 =	simm.s32 @!p0 $0xAD00  }
0x1bb: {  	[tilespmem:s16], [sflag:$0x3] =	stream.indirect.gather @!p0 [hbm4b:s4+s14], $0x20, s15, s14, $0xb8;
	[tilespmem:$0x1C040] =	vst v63  }
0x1bc: {  	p1 =	por p0, p1;
	s15 =	simm.s32 @!p0 $0x580;
	s16 =	simm.s32 @!p0 $0xBD00  }
0x1bd: {  	[tilespmem:s16], [sflag:$0x3] =	stream.indirect.gather @!p0 [hbm4b:s4+s14], $0x20, s15, s14, $0xb8;
	[tilespmem:$0x1C040] =	vst v63  }
0x1be: {  	s15 =	sshll.u32 @!p1 s11, $0x6  }
0x1bf: {  	s15 =	sadd.s32 @!p1 s15, s8  }
0x1c0: {  	s17 =	simm.s32 @!p0 $0xCD00;
	s16 =	simm.s32 @!p0 $0x600;
	s15 =	smul.u32 @!p1 $0x1A, s15  }
0x1c1: {  	[tilespmem:s17], [sflag:$0x3] =	stream.indirect.gather @!p0 [hbm4b:s4+s14], $0x20, s16, s14, $0xb8;
	[tilespmem:$0x1C040] =	vst v63  }
0x1c2: {  	s16 =	simm.s32 @!p1 $0x680;
	p0 =	slt.u32 @!p1 s11, $0x2;
	s14 =	sshrl.u32 @!p1 s15, $0x3  }
0x1c3: {  	p0 =	por p1, !p0;
	s15 =	simm.s32 @!p1 $0x0;
	s14 =	sadd.s32 @!p1 s1, s14  }
0x1c4: {  	[tilespmem:s16], [sflag:$0x2] =	stream.linear.gather @!p1 [hbm4b:s14+s15], $0x680, $0x38;
	[tilespmem:$0x1C040] =	vst v63  }
0x1c5: {  	_ =	swait.ge @p0 [sflag:s20], $0x800  }
0x1c6: {  	[sflag:s20] =	ssyncset.done @p0 $0x0  }
0x1c7: {  	s14 =	simm.s32 $0xDEA0;
	[sflag:s20] =	ssyncadd.s32 @p0 $0xFFFFF800  }
0x1c8: {  	v18 =	vld [tilespmem:s14+$0xFFFFFE70]  }
0x1c9: {  	v19 =	vld [tilespmem:$0x1AD10]  }
0x1ca: {  	v20 =	vld [tilespmem:s14+$0xFFFFFE80]  }
0x1cb: {  	v21 =	vld [tilespmem:$0x1AD20]  }
0x1cc: {  	v0 =	vld [tilespmem:$0x1B030]  }
0x1cd: {  	v1 =	vld [tilespmem:$0x1B000]  }
0x1ce: {  	v2 =	vld [tilespmem:s14+$0x170]  }
0x1cf: {  	v5 =	vld [tilespmem:s14+$0x130]  }
0x1d0: {  	v3 =	vld [tilespmem:$0x1AFE0]  }
0x1d1: {  	v4 =	vld [tilespmem:$0x1AFF0]  }
0x1d2: {  	v6 =	vld [tilespmem:$0x1AFC0]  }
0x1d3: {  	v7 =	vld [tilespmem:$0x1AFA0]  }
0x1d4: {  	v8 =	vld [tilespmem:$0x1AFB0]  }
0x1d5: {  	v9 =	vld [tilespmem:$0x1AF80]  }
0x1d6: {  	v10 =	vld [tilespmem:$0x1AF90]  }
0x1d7: {  	v11 =	vld [tilespmem:$0x1AF60]  }
0x1d8: {  	v12 =	vld [tilespmem:$0x1AF70]  }
0x1d9: {  	v13 =	vld [tilespmem:$0x1AF40]  }
0x1da: {  	v14 =	vld [tilespmem:$0x1AF50]  }
0x1db: {  	v16 =	vld [tilespmem:s14+$0x90]  }
0x1dc: {  	v15 =	vld [tilespmem:$0x1AF20]  }
0x1dd: {  	v22 =	vld [tilespmem:s14+$0x70]  }
0x1de: {  	v17 =	vld [tilespmem:$0x1AF00]  }
0x1df: {  	v23 =	vld [tilespmem:$0x1AEE0]  }
0x1e0: {  	v24 =	vld [tilespmem:$0x1AEF0]  }
0x1e1: {  	v25 =	vld [tilespmem:s14+$0x30]  }
0x1e2: {  	v26 =	vld [tilespmem:$0x1AEC0]  }
0x1e3: {  	v27 =	vld [tilespmem:s14+$0x10]  }
0x1e4: {  	v28 =	vld [tilespmem:$0x1AEA0]  }
0x1e5: {  	v29 =	vld [tilespmem:s14+$0xFFFFFFF0]  }
0x1e6: {  	v30 =	vld [tilespmem:$0x1AE80]  }
0x1e7: {  	v31 =	vld [tilespmem:s14+$0xFFFFFFD0]  }
0x1e8: {  	v32 =	vld [tilespmem:$0x1AE60]  }
0x1e9: {  	v33 =	vld [tilespmem:s14+$0xFFFFFFB0]  }
0x1ea: {  	v34 =	vld [tilespmem:$0x1AE40]  }
0x1eb: {  	v35 =	vld [tilespmem:s14+$0xFFFFFF90]  }
0x1ec: {  	v36 =	vld [tilespmem:$0x1AE20]  }
0x1ed: {  	v37 =	vld [tilespmem:$0x1AE10]  }
0x1ee: {  	v38 =	vld [tilespmem:s14+$0xFFFFFF70]  }
0x1ef: {  	v39 =	vld [tilespmem:s14+$0xFFFFFF50]  }
0x1f0: {  	v40 =	vld [tilespmem:$0x1ADE0]  }
0x1f1: {  	v41 =	vld [tilespmem:s14+$0xFFFFFF30]  }
0x1f2: {  	v42 =	vld [tilespmem:$0x1ADC0]  }
0x1f3: {  	v43 =	vld [tilespmem:$0x1ADB0]  }
0x1f4: {  	v44 =	vld [tilespmem:s14+$0xFFFFFF10]  }
0x1f5: {  	v45 =	vld [tilespmem:$0x1AD90]  }
0x1f6: {  	v46 =	vld [tilespmem:s14+$0xFFFFFEF0]  }
0x1f7: {  	v47 =	vld [tilespmem:$0x1AD70]  }
0x1f8: {  	v48 =	vld [tilespmem:s14+$0xFFFFFED0]  }
0x1f9: {  	v49 =	vld [tilespmem:$0x1AD50]  }
0x1fa: {  	v50 =	vld [tilespmem:s14+$0xFFFFFEB0]  }
0x1fb: {  	v51 =	vld [tilespmem:s14+$0xFFFFFE60]  }
0x1fc: {  	v52 =	vld [tilespmem:$0x1AD30]  }
0x1fd: {  	v53 =	vld [tilespmem:s14+$0xFFFFFE90]  }
0x1fe: {  	v54 =	vld [tilespmem:$0x1AD00]  }
0x1ff: {  	v55 =	vld [tilespmem:$0x1AD40]  }
0x200: {  	v56 =	vld [tilespmem:s14+$0xFFFFFEA0]  }
0x201: {  	v57 =	vld [tilespmem:$0x1AD60]  }
0x202: {  	v60 =	vld [tilespmem:s14+$0xFFFFFEC0];
	v18 =	vmul.f32 v19, v18;
	v59 =	vmul.f32 v52, v53  }
0x203: {  	v62 =	vld [tilespmem:$0x1AD80];
	v20 =	vmul.f32 v21, v20  }
0x204: {  	v63 =	vld [tilespmem:s14+$0xFFFFFEE0];
	v61 =	vmul.f32 v54, v51;
	v49 =	vmul.f32 v49, v50;
	v18 =	vadd.f32 v59, v18  }
0x205: {  	v53 =	vmul.f32 v55, v56;
	v54 =	vld [tilespmem:$0x1ADA0]  }
0x206: {  	v47 =	vmul.f32 v47, v48;
	v55 =	vld [tilespmem:s14+$0xFFFFFF00];
	v20 =	vadd.f32 v20, v61;
	v18 =	vadd.f32 v49, v18  }
0x207: {  	v56 =	vmul.f32 v57, v60;
	v57 =	vld [tilespmem:$0x1ADD0]  }
0x208: {  	v58 =	vld [tilespmem:s14+$0xFFFFFF20];
	v45 =	vmul.f32 v45, v46;
	v20 =	vadd.f32 v53, v20;
	v18 =	vadd.f32 v47, v18  }
0x209: {  	v19 =	vmul.f32 v62, v63;
	v59 =	vld [tilespmem:$0x1ADF0]  }
0x20a: {  	v43 =	vmul.f32 v43, v44;
	v60 =	vld [tilespmem:s14+$0xFFFFFF40];
	v20 =	vadd.f32 v56, v20;
	v18 =	vadd.f32 v45, v18  }
0x20b: {  	v62 =	vld [tilespmem:$0x1AE00];
	v61 =	vmul.f32 v54, v55  }
0x20c: {  	v63 =	vld [tilespmem:s14+$0xFFFFFF60];
	v41 =	vmul.f32 v57, v41;
	v19 =	vadd.f32 v19, v20;
	v18 =	vadd.f32 v43, v18  }
0x20d: {  	v46 =	vmul.f32 v42, v58;
	v47 =	vld [tilespmem:$0x1AE30]  }
0x20e: {  	v48 =	vld [tilespmem:s14+$0xFFFFFF80];
	v21 =	vmul.f32 v59, v39;
	v19 =	vadd.f32 v61, v19;
	v18 =	vadd.f32 v41, v18  }
0x20f: {  	v50 =	vld [tilespmem:$0x1AE50];
	v37 =	vmul.f32 v37, v38  }
0x210: {  	v51 =	vld [tilespmem:s14+$0xFFFFFFA0];
	v49 =	vmul.f32 v40, v60;
	v19 =	vadd.f32 v46, v19;
	v18 =	vadd.f32 v21, v18  }
0x211: {  	v53 =	vld [tilespmem:$0x1AE70];
	v52 =	vmul.f32 v62, v63  }
0x212: {  	v54 =	vld [tilespmem:s14+$0xFFFFFFC0];
	v35 =	vmul.f32 v47, v35;
	v19 =	vadd.f32 v49, v19;
	v18 =	vadd.f32 v37, v18  }
0x213: {  	v55 =	vmul.f32 v36, v48;
	v56 =	vld [tilespmem:$0x1AE90]  }
0x214: {  	v33 =	vmul.f32 v50, v33;
	v57 =	vld [tilespmem:s14+$0xFFFFFFE0];
	v19 =	vadd.f32 v52, v19;
	v18 =	vadd.f32 v35, v18  }
0x215: {  	v58 =	vmul.f32 v34, v51;
	v59 =	vld [tilespmem:$0x1AEB0]  }
0x216: {  	v62 =	vld [tilespmem:$0x1AED0];
	v31 =	vmul.f32 v53, v31;
	v19 =	vadd.f32 v55, v19;
	v18 =	vadd.f32 v33, v18  }
0x217: {  	v60 =	vld [tilespmem:s14+$0x0];
	v61 =	vmul.f32 v32, v54  }
0x218: {  	v63 =	vld [tilespmem:s14+$0x20];
	v29 =	vmul.f32 v56, v29;
	v19 =	vadd.f32 v58, v19;
	v18 =	vadd.f32 v31, v18  }
0x219: {  	v34 =	vmul.f32 v30, v57;
	v35 =	vld [tilespmem:s14+$0x50]  }
0x21a: {  	v36 =	vld [tilespmem:s14+$0x40];
	v21 =	vmul.f32 v59, v27;
	v19 =	vadd.f32 v61, v19;
	v18 =	vadd.f32 v29, v18  }
0x21b: {  	v38 =	vld [tilespmem:$0x1AF10];
	v39 =	vmul.f32 v62, v25  }
0x21c: {  	v42 =	vld [tilespmem:$0x1AF30];
	v37 =	vmul.f32 v28, v60;
	v19 =	vadd.f32 v34, v19;
	v18 =	vadd.f32 v21, v18  }
0x21d: {  	v40 =	vld [tilespmem:s14+$0x60];
	v41 =	vmul.f32 v26, v63  }
0x21e: {  	v44 =	vld [tilespmem:s14+$0x80];
	v43 =	vmul.f32 v24, v35;
	v19 =	vadd.f32 v37, v19;
	v18 =	vadd.f32 v39, v18  }
0x21f: {  	v45 =	vmul.f32 v23, v36;
	v46 =	vld [tilespmem:s14+$0xB0]  }
0x220: {  	v48 =	vld [tilespmem:s14+$0xA0];
	v47 =	vmul.f32 v38, v22;
	v19 =	vadd.f32 v41, v19;
	v18 =	vadd.f32 v43, v18  }
0x221: {  	v16 =	vmul.f32 v42, v16;
	v49 =	vld [tilespmem:s14+$0xD0]  }
0x222: {  	v50 =	vld [tilespmem:s14+$0xC0];
	v17 =	vmul.f32 v17, v40;
	v19 =	vadd.f32 v45, v19;
	v18 =	vadd.f32 v47, v18  }
0x223: {  	v15 =	vmul.f32 v15, v44;
	v51 =	vld [tilespmem:s14+$0xF0]  }
0x224: {  	v53 =	vld [tilespmem:s14+$0x110];
	v14 =	vmul.f32 v14, v46;
	v17 =	vadd.f32 v17, v19;
	v16 =	vadd.f32 v16, v18  }
0x225: {  	v13 =	vmul.f32 v13, v48;
	v52 =	vld [tilespmem:s14+$0xE0]  }
0x226: {  	v54 =	vld [tilespmem:s14+$0x100];
	v12 =	vmul.f32 v12, v49;
	v15 =	vadd.f32 v15, v17;
	v14 =	vadd.f32 v14, v16  }
0x227: {  	v11 =	vmul.f32 v11, v50;
	v55 =	vld [tilespmem:$0x1AFD0]  }
0x228: {  	v10 =	vmul.f32 v10, v51;
	v57 =	vld [tilespmem:s14+$0x150];
	v13 =	vadd.f32 v13, v15;
	v12 =	vadd.f32 v12, v14  }
0x229: {  	v56 =	vld [tilespmem:s14+$0x120];
	v8 =	vmul.f32 v8, v53  }
0x22a: {  	v59 =	vld [tilespmem:$0x1B010];
	v9 =	vmul.f32 v9, v52;
	v11 =	vadd.f32 v11, v13;
	v10 =	vadd.f32 v10, v12  }
0x22b: {  	v7 =	vmul.f32 v7, v54;
	v58 =	vld [tilespmem:s14+$0x140]  }
0x22c: {  	v60 =	vld [tilespmem:s14+$0x160];
	v5 =	vmul.f32 v55, v5;
	v9 =	vadd.f32 v9, v11;
	v8 =	vadd.f32 v8, v10  }
0x22d: {  	v4 =	vmul.f32 v4, v57;
	v61 =	vld [tilespmem:s14+$0x190]  }
0x22e: {  	v62 =	vld [tilespmem:$0x1B020];
	v6 =	vmul.f32 v6, v56;
	v7 =	vadd.f32 v7, v9;
	v5 =	vadd.f32 v5, v8  }
0x22f: {  	v63 =	vld [tilespmem:s14+$0x180];
	v2 =	vmul.f32 v59, v2  }
0x230: {  	v3 =	vmul.f32 v3, v58;
	v6 =	vadd.f32 v6, v7;
	v4 =	vadd.f32 v4, v5  }
0x231: {  	v1 =	vmul.f32 v1, v60  }
0x232: {  	v0 =	vmul.f32 v0, v61;
	v3 =	vadd.f32 v3, v6;
	v2 =	vadd.f32 v2, v4;
	_ =	sdelay $0x1  }
0x233: {  	v1 =	vadd.f32 v1, v3;
	v3 =	vmul.f32 v62, v63;
	v2 =	vadd.f32 v0, v2  }
0x234: {  	s16 =	simm.s32 $0x0  }
0x235: {  	s15 =	simm.s32 $0x80;
	v0 =	vadd.f32 v3, v1;
	[tilespmem:s16+$0x1B850] =	vst v2  }
.LBB2_7:
0x236: {  	p0 =	sne.s32 s15, $0x1F80  }
0x237: {  	[tilespmem:s16+$0x1B840] =	vst v0;
	s14 =	sadd.s32 $0x340, s14;
	s16 =	smov.u32 s15;
	s15 =	sadd.s32 $0x80, s15  }
0x238: {  	v2 =	vld [tilespmem:s14+$0xFFFFFE70]  }
0x239: {  	v3 =	vld [tilespmem:$0x1AD10]  }
0x23a: {  	v4 =	vld [tilespmem:s14+$0xFFFFFE80]  }
0x23b: {  	v5 =	vld [tilespmem:$0x1AD20]  }
0x23c: {  	v0 =	vld [tilespmem:$0x1B020]  }
0x23d: {  	v1 =	vld [tilespmem:$0x1B030]  }
0x23e: {  	v30 =	vmul.f32 v3, v2;
	v2 =	vld [tilespmem:$0x1B000]  }
0x23f: {  	v3 =	vld [tilespmem:s14+$0x170]  }
0x240: {  	v31 =	vmul.f32 v5, v4;
	v6 =	vld [tilespmem:s14+$0x130]  }
0x241: {  	v4 =	vld [tilespmem:$0x1AFE0]  }
0x242: {  	v5 =	vld [tilespmem:$0x1AFF0]  }
0x243: {  	v7 =	vld [tilespmem:$0x1AFC0]  }
0x244: {  	v8 =	vld [tilespmem:$0x1AFA0]  }
0x245: {  	v9 =	vld [tilespmem:$0x1AFB0]  }
0x246: {  	v10 =	vld [tilespmem:$0x1AF80]  }
0x247: {  	v11 =	vld [tilespmem:$0x1AF90]  }
0x248: {  	v12 =	vld [tilespmem:$0x1AF60]  }
0x249: {  	v13 =	vld [tilespmem:$0x1AF70]  }
0x24a: {  	v14 =	vld [tilespmem:$0x1AF40]  }
0x24b: {  	v15 =	vld [tilespmem:$0x1AF50]  }
0x24c: {  	v17 =	vld [tilespmem:s14+$0x90]  }
0x24d: {  	v16 =	vld [tilespmem:$0x1AF20]  }
0x24e: {  	v19 =	vld [tilespmem:s14+$0x70]  }
0x24f: {  	v18 =	vld [tilespmem:$0x1AF00]  }
0x250: {  	v20 =	vld [tilespmem:$0x1AEE0]  }
0x251: {  	v21 =	vld [tilespmem:$0x1AEF0]  }
0x252: {  	v23 =	vld [tilespmem:s14+$0x30]  }
0x253: {  	v22 =	vld [tilespmem:$0x1AEC0]  }
0x254: {  	v25 =	vld [tilespmem:s14+$0x10]  }
0x255: {  	v24 =	vld [tilespmem:$0x1AEA0]  }
0x256: {  	v27 =	vld [tilespmem:s14+$0xFFFFFFF0]  }
0x257: {  	v26 =	vld [tilespmem:$0x1AE80]  }
0x258: {  	v29 =	vld [tilespmem:s14+$0xFFFFFFD0]  }
0x259: {  	v28 =	vld [tilespmem:$0x1AE60]  }
0x25a: {  	v32 =	vld [tilespmem:s14+$0xFFFFFFB0]  }
0x25b: {  	v33 =	vld [tilespmem:$0x1AE40]  }
0x25c: {  	v34 =	vld [tilespmem:s14+$0xFFFFFF90]  }
0x25d: {  	v35 =	vld [tilespmem:$0x1AE20]  }
0x25e: {  	v36 =	vld [tilespmem:$0x1AE10]  }
0x25f: {  	v37 =	vld [tilespmem:s14+$0xFFFFFF70]  }
0x260: {  	v38 =	vld [tilespmem:s14+$0xFFFFFF50]  }
0x261: {  	v39 =	vld [tilespmem:$0x1ADE0]  }
0x262: {  	v40 =	vld [tilespmem:s14+$0xFFFFFF30]  }
0x263: {  	v41 =	vld [tilespmem:$0x1ADC0]  }
0x264: {  	v42 =	vld [tilespmem:$0x1ADB0];
	v36 =	vmul.f32 v36, v37  }
0x265: {  	v37 =	vld [tilespmem:s14+$0xFFFFFF10]  }
0x266: {  	v43 =	vld [tilespmem:$0x1AD90]  }
0x267: {  	v44 =	vld [tilespmem:s14+$0xFFFFFEF0]  }
0x268: {  	v45 =	vld [tilespmem:$0x1AD70]  }
0x269: {  	v46 =	vld [tilespmem:s14+$0xFFFFFED0]  }
0x26a: {  	v47 =	vld [tilespmem:$0x1AD50];
	v37 =	vmul.f32 v42, v37  }
0x26b: {  	v42 =	vld [tilespmem:s14+$0xFFFFFEB0]  }
0x26c: {  	v48 =	vld [tilespmem:s14+$0xFFFFFE60];
	v43 =	vmul.f32 v43, v44  }
0x26d: {  	v44 =	vld [tilespmem:$0x1AD30]  }
0x26e: {  	v49 =	vld [tilespmem:s14+$0xFFFFFE90];
	v45 =	vmul.f32 v45, v46  }
0x26f: {  	v46 =	vld [tilespmem:$0x1AD00]  }
0x270: {  	v50 =	vld [tilespmem:$0x1AD40];
	v42 =	vmul.f32 v47, v42  }
0x271: {  	v47 =	vld [tilespmem:s14+$0xFFFFFEA0]  }
0x272: {  	v51 =	vld [tilespmem:$0x1AD60]  }
0x273: {  	v44 =	vmul.f32 v44, v49;
	v49 =	vld [tilespmem:s14+$0xFFFFFEC0]  }
0x274: {  	v46 =	vmul.f32 v46, v48;
	v48 =	vld [tilespmem:$0x1AD80]  }
0x275: {  	v30 =	vadd.f32 v44, v30;
	v44 =	vld [tilespmem:s14+$0xFFFFFEE0]  }
0x276: {  	v31 =	vadd.f32 v31, v46;
	v46 =	vmul.f32 v50, v47;
	v47 =	vld [tilespmem:$0x1ADA0]  }
0x277: {  	v30 =	vadd.f32 v42, v30;
	v42 =	vld [tilespmem:s14+$0xFFFFFF00]  }
0x278: {  	v31 =	vadd.f32 v46, v31;
	v46 =	vmul.f32 v51, v49;
	v49 =	vld [tilespmem:$0x1ADD0]  }
0x279: {  	v30 =	vadd.f32 v45, v30;
	v45 =	vld [tilespmem:s14+$0xFFFFFF20]  }
0x27a: {  	v31 =	vadd.f32 v46, v31;
	v44 =	vmul.f32 v48, v44;
	v46 =	vld [tilespmem:$0x1ADF0]  }
0x27b: {  	v30 =	vadd.f32 v43, v30;
	v43 =	vld [tilespmem:s14+$0xFFFFFF40]  }
0x27c: {  	v31 =	vadd.f32 v44, v31;
	v42 =	vmul.f32 v47, v42;
	v44 =	vld [tilespmem:$0x1AE00]  }
0x27d: {  	v30 =	vadd.f32 v37, v30;
	v37 =	vmul.f32 v49, v40;
	v40 =	vld [tilespmem:s14+$0xFFFFFF60]  }
0x27e: {  	v31 =	vadd.f32 v42, v31;
	v41 =	vmul.f32 v41, v45;
	v42 =	vld [tilespmem:$0x1AE30]  }
0x27f: {  	v30 =	vadd.f32 v37, v30;
	v37 =	vmul.f32 v46, v38;
	v38 =	vld [tilespmem:s14+$0xFFFFFF80]  }
0x280: {  	v31 =	vadd.f32 v41, v31;
	v39 =	vmul.f32 v39, v43;
	v41 =	vld [tilespmem:$0x1AE50]  }
0x281: {  	v30 =	vadd.f32 v37, v30;
	v37 =	vld [tilespmem:s14+$0xFFFFFFA0]  }
0x282: {  	v31 =	vadd.f32 v39, v31;
	v39 =	vmul.f32 v44, v40;
	v40 =	vld [tilespmem:$0x1AE70]  }
0x283: {  	v30 =	vadd.f32 v36, v30;
	v34 =	vmul.f32 v42, v34;
	v36 =	vld [tilespmem:s14+$0xFFFFFFC0]  }
0x284: {  	v31 =	vadd.f32 v39, v31;
	v35 =	vmul.f32 v35, v38;
	v38 =	vld [tilespmem:$0x1AE90]  }
0x285: {  	v30 =	vadd.f32 v34, v30;
	v32 =	vmul.f32 v41, v32;
	v34 =	vld [tilespmem:s14+$0xFFFFFFE0]  }
0x286: {  	v31 =	vadd.f32 v35, v31;
	v33 =	vmul.f32 v33, v37;
	v35 =	vld [tilespmem:$0x1AEB0]  }
0x287: {  	v30 =	vadd.f32 v32, v30;
	v29 =	vmul.f32 v40, v29;
	v32 =	vld [tilespmem:s14+$0x0]  }
0x288: {  	v31 =	vadd.f32 v33, v31;
	v28 =	vmul.f32 v28, v36;
	v33 =	vld [tilespmem:$0x1AED0]  }
0x289: {  	v29 =	vadd.f32 v29, v30;
	v27 =	vmul.f32 v38, v27;
	v30 =	vld [tilespmem:s14+$0x20]  }
0x28a: {  	v28 =	vadd.f32 v28, v31;
	v26 =	vmul.f32 v26, v34;
	v31 =	vld [tilespmem:s14+$0x50]  }
0x28b: {  	v27 =	vadd.f32 v27, v29;
	v25 =	vmul.f32 v35, v25;
	v29 =	vld [tilespmem:s14+$0x40]  }
0x28c: {  	v26 =	vadd.f32 v26, v28;
	v24 =	vmul.f32 v24, v32;
	v28 =	vld [tilespmem:$0x1AF10]  }
0x28d: {  	v25 =	vadd.f32 v25, v27;
	v23 =	vmul.f32 v33, v23;
	v27 =	vld [tilespmem:s14+$0x60]  }
0x28e: {  	v24 =	vadd.f32 v24, v26;
	v22 =	vmul.f32 v22, v30;
	v26 =	vld [tilespmem:$0x1AF30]  }
0x28f: {  	v23 =	vadd.f32 v23, v25;
	v21 =	vmul.f32 v21, v31;
	v25 =	vld [tilespmem:s14+$0x80]  }
0x290: {  	v22 =	vadd.f32 v22, v24;
	v20 =	vmul.f32 v20, v29;
	v24 =	vld [tilespmem:s14+$0xB0]  }
0x291: {  	v21 =	vadd.f32 v21, v23;
	v19 =	vmul.f32 v28, v19;
	v23 =	vld [tilespmem:s14+$0xA0]  }
0x292: {  	v20 =	vadd.f32 v20, v22;
	v18 =	vmul.f32 v18, v27;
	v22 =	vld [tilespmem:s14+$0xD0]  }
0x293: {  	v19 =	vadd.f32 v19, v21;
	v17 =	vmul.f32 v26, v17;
	v21 =	vld [tilespmem:s14+$0xC0]  }
0x294: {  	v18 =	vadd.f32 v18, v20;
	v16 =	vmul.f32 v16, v25;
	v20 =	vld [tilespmem:s14+$0xF0]  }
0x295: {  	v17 =	vadd.f32 v17, v19;
	v15 =	vmul.f32 v15, v24;
	v19 =	vld [tilespmem:s14+$0xE0]  }
0x296: {  	v16 =	vadd.f32 v16, v18;
	v14 =	vmul.f32 v14, v23;
	v18 =	vld [tilespmem:s14+$0x110]  }
0x297: {  	v15 =	vadd.f32 v15, v17;
	v13 =	vmul.f32 v13, v22;
	v17 =	vld [tilespmem:s14+$0x100]  }
0x298: {  	v14 =	vadd.f32 v14, v16;
	v12 =	vmul.f32 v12, v21;
	v16 =	vld [tilespmem:$0x1AFD0]  }
0x299: {  	v13 =	vadd.f32 v13, v15;
	v11 =	vmul.f32 v11, v20;
	v15 =	vld [tilespmem:s14+$0x120]  }
0x29a: {  	v12 =	vadd.f32 v12, v14;
	v10 =	vmul.f32 v10, v19;
	v14 =	vld [tilespmem:s14+$0x150]  }
0x29b: {  	v11 =	vadd.f32 v11, v13;
	v9 =	vmul.f32 v9, v18;
	v13 =	vld [tilespmem:s14+$0x140]  }
0x29c: {  	v10 =	vadd.f32 v10, v12;
	v8 =	vmul.f32 v8, v17;
	v12 =	vld [tilespmem:$0x1B010]  }
0x29d: {  	v9 =	vadd.f32 v9, v11;
	v6 =	vmul.f32 v16, v6;
	v11 =	vld [tilespmem:s14+$0x160]  }
0x29e: {  	v8 =	vadd.f32 v8, v10;
	v7 =	vmul.f32 v7, v15;
	v10 =	vld [tilespmem:s14+$0x190]  }
0x29f: {  	v6 =	vadd.f32 v6, v9;
	v5 =	vmul.f32 v5, v14;
	v9 =	vld [tilespmem:s14+$0x180]  }
0x2a0: {  	v7 =	vadd.f32 v7, v8;
	v4 =	vmul.f32 v4, v13  }
0x2a1: {  	v5 =	vadd.f32 v5, v6;
	v3 =	vmul.f32 v12, v3  }
0x2a2: {  	v4 =	vadd.f32 v4, v7;
	v2 =	vmul.f32 v2, v11  }
.Ltmp7:
0x2a3: {  	v3 =	vadd.f32 v3, v5;
	v1 =	vmul.f32 v1, v10;
	(pc) =	sbr.rel @p0 .LBB2_7-.Ltmp7, $4  }
0x2a4: {  	v2 =	vadd.f32 v2, v4;
	v0 =	vmul.f32 v0, v9  }
0x2a5: {  	v1 =	vadd.f32 v1, v3  }
0x2a6: {  	s16 =	sshra.s32 s16, $0x2;
	v0 =	vadd.f32 v0, v2  }
0x2a7: {  	[tilespmem:s16+$0x1B850] =	vst v1  }
.Ltmp8:
0x2a8: {  	(pc) =	sbr.rel .LBB2_9-.Ltmp8, $4  }
0x2a9: {  	_ = 	snop  }
0x2aa: {  	s14 =	sshll.u32 s11, $0x8  }
0x2ab: {  	[tilespmem:s16+$0x1B840] =	vst v0;
	s14 =	sadd.s32 s14, s9  }
0x2ac: {  	[hbm4b:s14+s3] =	stream.linear.scatter [tilespmem:s21], [sflag:$0x6], $0x800, $0x38;
	[tilespmem:$0x1C040] =	vst v63  }
.LBB2_11:
0x2ad: {  	_ =	sfence.sel $0x180000  }
0x2ae: {  	[bflag:$0x0] =	sbarrier.arrive $0xFFFF  }
0x2af: {  	_ =	strace $0x90000047  }
0x2b0: {  	s0 =	stileid.u32;
	[bflag:$0x2] =	sbarrier.arrive $0xFFFF  }
0x2b1: {  	p0 =	sne.s32 s0, $0x0;
	s0 =	rddreg [dreg:$0x3]  }
0x2b2: {  	s0 =	sadd.s32 @!p0 $0x100000, s0  }
0x2b3: {  	[sflag:s0] =	ssyncadd.tile.s32 @!p0 $0x1;
	_ =	shalt  }
.Lfunc_end2:
_tile_overlayer_lowered:
.L_overlay_start_2:
0x2b4: {  	(tag) =	ssettag $0x2  }
0x2b5: {  	s0 =	rddreg [dreg:$0x0];
	s2 =	stileid.u32  }
0x2b6: {  	s1 =	rddreg [dreg:$0x1];
	p0 =	sne.s32 s2, $0x0  }
0x2b7: {  	s3 =	rddreg [dreg:$0x2];
	[bflag:$0x3] =	sbarrier.arrive $0xFFFF;
	s2 =	simm.s32 @!p0 $0x1C07  }
0x2b8: {  	[timem:s3], [sflag:s2] =	dma.local @!p0 [hbm:s0], s1  }
0x2b9: {  	s0 =	simm.s32 @!p0 $0x7  }
0x2ba: {  	_ =	swait.ge @!p0 [sflag:s0], s1  }
0x2bb: {  	s1 =	ssub.s32 @!p0 $0x0, s1;
	[sflag:s0] =	ssyncset.done @!p0 $0x0  }
0x2bc: {  	[sflag:s0] =	ssyncadd.s32 @!p0 s1  }
0x2bd: {  	[bflag:$0x3] =	sbarrier.arrive $0xFFFF  }
0x2be: {  	_ =	shalt  }

</sc_bundles>
